<compile_context>
chip_gen: v7x
topology: tpu7x:2x2x1
jax: 0.10.2.dev20260603
libtpu: 0.0.44.dev20260713+nightly
codegen_flags: <defaults>
</compile_context>

<pallas_src>
import functools

import jax
import jax.numpy as jnp
from jax import lax
from jax.experimental import pallas as pl
from jax.experimental.pallas import tpu as pltpu
from jax.experimental.pallas import tpu_sc as plsc

_N = 10000
_E = 320000
_HID = 128
_BE = 12800
_X = _BE // 32
_NB = _E // _BE
_ROWS = _E // 32




def _edge_rel_sc(xs, ys, zs, src, dst):
    info = plsc.get_sparse_core_info()
    nc, ns = info.num_cores, info.num_subcores
    nw = nc * ns
    wrows = _ROWS // nw + 1
    sspan = 2 * _BE

    mesh = plsc.VectorSubcoreMesh(core_axis_name="c", subcore_axis_name="s")

    @functools.partial(
        pl.kernel,
        out_type=jax.ShapeDtypeStruct((_ROWS * 128,), jnp.float32),
        mesh=mesh,
        scratch_types=[
            pltpu.VMEM((_N,), jnp.float32),
            pltpu.VMEM((_N,), jnp.float32),
            pltpu.VMEM((_N,), jnp.float32),
            pltpu.VMEM((sspan,), jnp.int32),
            pltpu.VMEM((sspan,), jnp.int32),
            pltpu.VMEM((wrows * 128,), jnp.float32),
        ],
        compiler_params=pltpu.CompilerParams(needs_layout_passes=False),
    )
    def sc_gather(xs_h, ys_h, zs_h, src_h, dst_h, out_h,
                  xs_v, ys_v, zs_v, src_v, dst_v, out_v):
        wid = lax.axis_index("s") * nc + lax.axis_index("c")
        r0 = (_ROWS * wid) >> 5
        i0 = (r0 * 5243) >> 21
        x0 = r0 - 400 * i0
        sblk = jnp.minimum(i0, _NB - 2)
        pltpu.sync_copy(xs_h, xs_v)
        pltpu.sync_copy(ys_h, ys_v)
        pltpu.sync_copy(zs_h, zs_v)
        pltpu.sync_copy(src_h.at[pl.ds(sblk * _BE, sspan)], src_v)
        pltpu.sync_copy(dst_h.at[pl.ds(sblk * _BE, sspan)], dst_v)
        lanes4 = lax.iota(jnp.int32, 16) * 4
        iota400 = lax.iota(jnp.int32, 16) * 400
        iblk0 = i0 - sblk

        @plsc.parallel_loop(0, 2 * wrows, unroll=8)
        def body(g):
            r_off = g >> 1
            jg = g & 1
            xm = x0 + r_off
            i_add = (xm >= 400).astype(jnp.int32)
            x = xm - 400 * i_add
            ebase = (iblk0 + i_add) * _BE + jg * 6400 + x
            idxv = iota400 + ebase
            si = plsc.load_gather(src_v, [idxv])
            di = plsc.load_gather(dst_v, [idxv])
            obase = r_off * 128 + jg * 64
            d2 = None
            for c, tab in ((0, xs_v), (1, ys_v), (2, zs_v)):
                a = plsc.load_gather(tab, [si])
                b = plsc.load_gather(tab, [di])
                r = a - b
                d2 = r * r if d2 is None else d2 + r * r
                plsc.store_scatter(out_v, [lanes4 + (obase + c)], r)
            plsc.store_scatter(out_v, [lanes4 + (obase + 3)], d2)

        pltpu.sync_copy(out_v, out_h.at[pl.ds(r0 * 128, wrows * 128)])

    return sc_gather(xs, ys, zs, src, dst)




def _edge_mlp_body(f_ref, w0_ref, b0_ref, w1_ref, b1_ref, w2_ref, b2_ref,
                   g_ref, be_ref, out_ref):
    f = f_ref[...]
    m3 = (lax.broadcasted_iota(jnp.int32, f.shape, 1) & 3) == 3
    f = jnp.where(m3, jnp.sqrt(jnp.abs(f)), f)
    H = jnp.dot(f, w0_ref[...], preferred_element_type=jnp.float32)
    w1 = w1_ref[...]
    w2 = w2_ref[...]
    b1 = b1_ref[...]
    b2 = b2_ref[...]
    gg = g_ref[...]
    bb = be_ref[...]
    b0 = b0_ref[...]
    for j in range(32):
        h = jnp.maximum(H[:, 128 * j:128 * (j + 1)] + b0, 0.0)
        h = jnp.maximum(
            jnp.dot(h, w1, preferred_element_type=jnp.float32) + b1, 0.0)
        h = jnp.dot(h, w2, preferred_element_type=jnp.float32) + b2
        mu = jnp.mean(h, axis=1, keepdims=True)
        d = h - mu
        var = jnp.mean(d * d, axis=1, keepdims=True)
        out_ref[j] = d * (lax.rsqrt(var + 1e-5) * gg) + bb


def _edge_mlp(feat, weights, interpret=False):
    wspec = lambda shp: pl.BlockSpec(shp, lambda i: tuple(0 for _ in shp))
    return pl.pallas_call(
        _edge_mlp_body,
        grid=(_NB,),
        in_specs=[
            pl.BlockSpec((_X, 128), lambda i: (i, 0)),
            wspec((_HID, 4096)),
            wspec((1, _HID)),
            wspec((_HID, _HID)),
            wspec((1, _HID)),
            wspec((_HID, _HID)),
            wspec((1, _HID)),
            wspec((1, _HID)),
            wspec((1, _HID)),
        ],
        out_specs=pl.BlockSpec((32, _X, 128), lambda i: (i, 0, 0)),
        out_shape=jax.ShapeDtypeStruct((_NB * 32, _X, 128), jnp.float32),
        compiler_params=pltpu.CompilerParams(
            dimension_semantics=("arbitrary",)),
        interpret=interpret,
    )(feat, *weights)




def _node_mlp_body(vel_ref, mat_ref, w0_ref, b0_ref, w1_ref, b1_ref, w2_ref,
                   b2_ref, g_ref, be_ref, out_ref):
    bn = vel_ref.shape[0]
    onehot = (mat_ref[...] == lax.broadcasted_iota(jnp.int32, (bn, 16), 1)
              ).astype(jnp.float32)
    lhs = jnp.concatenate([vel_ref[...], onehot], axis=1)
    h = jnp.dot(lhs, w0_ref[...], preferred_element_type=jnp.float32) + b0_ref[...]
    h = jnp.maximum(h, 0.0)
    h = jnp.dot(h, w1_ref[...], preferred_element_type=jnp.float32) + b1_ref[...]
    h = jnp.maximum(h, 0.0)
    h = jnp.dot(h, w2_ref[...], preferred_element_type=jnp.float32) + b2_ref[...]
    mu = jnp.mean(h, axis=1, keepdims=True)
    d = h - mu
    var = jnp.mean(d * d, axis=1, keepdims=True)
    out_ref[...] = d * (lax.rsqrt(var + 1e-5) * g_ref[...]) + be_ref[...]


def _node_mlp(vel16, mats, W0cat, b0p, nW1, nb1, nW2, nb2, n_gamma, n_beta,
              interpret=False):
    BN = 2000
    grid = _N // BN
    wspec = lambda shp: pl.BlockSpec(shp, lambda i: (0, 0))
    return pl.pallas_call(
        _node_mlp_body,
        grid=(grid,),
        in_specs=[
            pl.BlockSpec((BN, 16), lambda i: (i, 0)),
            pl.BlockSpec((BN, 1), lambda i: (i, 0)),
            wspec((32, _HID)),
            wspec((1, _HID)),
            wspec((_HID, _HID)),
            wspec((1, _HID)),
            wspec((_HID, _HID)),
            wspec((1, _HID)),
            wspec((1, _HID)),
            wspec((1, _HID)),
        ],
        out_specs=pl.BlockSpec((BN, _HID), lambda i: (i, 0)),
        out_shape=jax.ShapeDtypeStruct((_N, _HID), jnp.float32),
        compiler_params=pltpu.CompilerParams(
            dimension_semantics=("arbitrary",)),
        interpret=interpret,
    )(vel16, mats, W0cat, b0p.reshape(1, -1), nW1, nb1.reshape(1, -1), nW2,
      nb2.reshape(1, -1), n_gamma.reshape(1, -1), n_beta.reshape(1, -1))




def kernel(materials, velocities, positions, neighbor_idxs, mat_W, mat_b,
           nW0, nb0, nW1, nb1, nW2, nb2, n_gamma, n_beta,
           eW0, eb0, eW1, eb1, eW2, eb2, e_gamma, e_beta):
    xs = positions[:, 0]
    ys = positions[:, 1]
    zs = positions[:, 2]
    src = neighbor_idxs[:, 0].astype(jnp.int32)
    dst = neighbor_idxs[:, 1].astype(jnp.int32)
    rel_flat = _edge_rel_sc(xs, ys, zs, src, dst)
    feat = rel_flat.reshape(_ROWS, 128)
    weights = [jnp.kron(jnp.eye(32, dtype=jnp.float32), eW0),
               eb0.reshape(1, -1), eW1, eb1.reshape(1, -1), eW2,
               eb2.reshape(1, -1), e_gamma.reshape(1, -1),
               e_beta.reshape(1, -1)]
    edges = _edge_mlp(feat, weights).reshape(_E, _HID)

    vel16 = jnp.pad(velocities.reshape(_N, 15), ((0, 0), (0, 1)))
    mats = materials.reshape(_N, 1).astype(jnp.int32)
    W0cat = jnp.concatenate(
        [nW0[:15], jnp.zeros((1, _HID), jnp.float32), mat_W @ nW0[15:],
         jnp.zeros((7, _HID), jnp.float32)], axis=0)
    b0p = nb0 + mat_b @ nW0[15:]
    nodes = _node_mlp(vel16, mats, W0cat, b0p, nW1, nb1, nW2, nb2,
                      n_gamma, n_beta)

    return (nodes, edges, neighbor_idxs)

# --- scband reference (transcript-rebuilt; emitter-appended) ---
"""Pipeline reference for scband-encoder-18408229831059 (READ-ONLY COPY).

The authoritative reference and input builder live on the scoring server;
editing this copy changes nothing except your own understanding.
"""

import jax, jax.numpy as jnp
import numpy as np

N = 10000
E = 320000
NMAT = 9
PD = 3
NV = 5
MED = 16
NED = 128
EED = 128
HID = 128


def _lin_init(k, i, o):
    s = 1.0 / np.sqrt(i)
    k1, k2 = jax.random.split(k)
    W = jax.random.uniform(k1, (i, o), minval=-s, maxval=s, dtype=jnp.float32)
    b = jax.random.uniform(k2, (o,), minval=-s, maxval=s, dtype=jnp.float32)
    return W, b


def setup_inputs(seed: int = 0) -> dict:
    key = jax.random.key(seed)
    ks = jax.random.split(key, 12)
    inp = {}
    inp["materials"] = jax.random.randint(ks[0], (N,), 0, NMAT)
    inp["velocities"] = jax.random.normal(ks[1], (N, NV, PD), dtype=jnp.float32)
    inp["positions"] = jax.random.uniform(ks[2], (N, PD), dtype=jnp.float32)
    inp["neighbor_idxs"] = jax.random.randint(ks[3], (E, 2), 0, N)
    inp["mat_W"], inp["mat_b"] = _lin_init(ks[4], NMAT, MED)
    nfd = NV * PD + MED
    inp["nW0"], inp["nb0"] = _lin_init(ks[5], nfd, HID)
    inp["nW1"], inp["nb1"] = _lin_init(ks[6], HID, HID)
    inp["nW2"], inp["nb2"] = _lin_init(ks[7], HID, NED)
    inp["n_gamma"] = jnp.ones((NED,), dtype=jnp.float32)
    inp["n_beta"] = jnp.zeros((NED,), dtype=jnp.float32)
    inp["eW0"], inp["eb0"] = _lin_init(ks[8], PD + 1, HID)
    inp["eW1"], inp["eb1"] = _lin_init(ks[9], HID, HID)
    inp["eW2"], inp["eb2"] = _lin_init(ks[10], HID, EED)
    inp["e_gamma"] = jnp.ones((EED,), dtype=jnp.float32)
    inp["e_beta"] = jnp.zeros((EED,), dtype=jnp.float32)
    return inp


def _layer_norm(x, g, b):
    mu = x.mean(-1, keepdims=True)
    var = x.var(-1, keepdims=True)
    return (x - mu) / jnp.sqrt(var + 1e-5) * g + b


def reference(materials, velocities, positions, neighbor_idxs, mat_W, mat_b, nW0, nb0, nW1, nb1, nW2, nb2, n_gamma, n_beta, eW0, eb0, eW1, eb1, eW2, eb2, e_gamma, e_beta):
    # material embedding: one-hot -> linear
    mats = jax.nn.one_hot(materials, NMAT, dtype=jnp.float32) @ mat_W + mat_b
    vel = velocities.reshape(-1, NV * PD)
    node_features = jnp.concatenate([vel, mats], axis=1)
    # node encoder: MLP (2 hidden relu layers) + LayerNorm
    h = jax.nn.relu(node_features @ nW0 + nb0)
    h = jax.nn.relu(h @ nW1 + nb1)
    h = h @ nW2 + nb2
    nodes = _layer_norm(h, n_gamma, n_beta)
    # edge features: gather positions by src/dst, relative pos + distance
    rel = positions[neighbor_idxs[:, 0]] - positions[neighbor_idxs[:, 1]]
    dist = jnp.sqrt(jnp.sum(rel * rel, axis=1, keepdims=True))
    edge_features = jnp.concatenate([rel, dist], axis=1)
    g = jax.nn.relu(edge_features @ eW0 + eb0)
    g = jax.nn.relu(g @ eW1 + eb1)
    g = g @ eW2 + eb2
    edges = _layer_norm(g, e_gamma, e_beta)
    return (nodes, edges, neighbor_idxs)

if __name__ == "__main__":
    import jax
    _d = setup_inputs()
    print(jax.jit(kernel)(*tuple(_d.values())))

</pallas_src>

<mosaic_0001>
#map = affine_map<(d0, d1) -> (0)>
module attributes {stable_mosaic.version = 14 : i64} {
  func.func @sc_gather(%arg0: i32, %arg1: i32, %arg2: memref<10000xf32, #tpu.memory_space<hbm>>, %arg3: memref<10000xf32, #tpu.memory_space<hbm>>, %arg4: memref<10000xf32, #tpu.memory_space<hbm>>, %arg5: memref<320000xi32, #tpu.memory_space<hbm>>, %arg6: memref<320000xi32, #tpu.memory_space<hbm>>, %arg7: memref<1280000xf32, #tpu.memory_space<hbm>>, %arg8: memref<10000xf32, #tpu.memory_space<vmem>>, %arg9: memref<10000xf32, #tpu.memory_space<vmem>>, %arg10: memref<10000xf32, #tpu.memory_space<vmem>>, %arg11: memref<25600xi32, #tpu.memory_space<vmem>>, %arg12: memref<25600xi32, #tpu.memory_space<vmem>>, %arg13: memref<40064xf32, #tpu.memory_space<vmem>>) attributes {dimension_semantics = [#tpu.dimension_semantics<core_parallel>, #tpu.dimension_semantics<subcore_parallel>], iteration_bounds = array<i64: 2, 16>, scalar_prefetch = 0 : i64, scratch_operands = 6 : i64, tpu.core_type = #tpu.core_type<sc_vector_subcore>, window_params = [{transform_indices = #map}, {transform_indices = #map}, {transform_indices = #map}, {transform_indices = #map}, {transform_indices = #map}, {transform_indices = #map}]} {
    %mul3A = arith.constant 2 : i32
    %mul3A_0 = arith.muli %arg1, %mul3A : i32
    %add3A = arith.addi %mul3A_0, %arg0 : i32
    %mul3A_1 = arith.constant 10000 : i32
    %mul3A_2 = arith.muli %mul3A_1, %add3A : i32
    %shift_right_arithmetic3A = arith.constant 5 : i32
    %shift_right_arithmetic3A_3 = arith.shrsi %mul3A_2, %shift_right_arithmetic3A : i32
    %mul3A_4 = arith.constant 5243 : i32
    %mul3A_5 = arith.muli %shift_right_arithmetic3A_3, %mul3A_4 : i32
    %shift_right_arithmetic3A_6 = arith.constant 21 : i32
    %shift_right_arithmetic3A_7 = arith.shrsi %mul3A_5, %shift_right_arithmetic3A_6 : i32
    %mul3A_8 = arith.constant 400 : i32
    %mul3A_9 = arith.muli %mul3A_8, %shift_right_arithmetic3A_7 : i32
    %sub3A = arith.subi %shift_right_arithmetic3A_3, %mul3A_9 : i32
    %min3A = arith.constant 23 : i32
    %min3A_10 = arith.minsi %shift_right_arithmetic3A_7, %min3A : i32
    "tpu.region"() ({
      %run_scoped3A = tpu.sem_alloc : memref<!tpu.dma_semaphore, #tpu.memory_space<semaphore_mem>>
      tpu.enqueue_dma source(%arg2 : memref<10000xf32, #tpu.memory_space<hbm>>) target(%arg8 : memref<10000xf32, #tpu.memory_space<vmem>>) target_semaphore(%run_scoped3A : memref<!tpu.dma_semaphore, #tpu.memory_space<semaphore_mem>>)
      tpu.wait_dma2 semaphore(%run_scoped3A : memref<!tpu.dma_semaphore, #tpu.memory_space<semaphore_mem>>) src(%arg2 : memref<10000xf32, #tpu.memory_space<hbm>>) dst(%arg8 : memref<10000xf32, #tpu.memory_space<vmem>>)
      tpu.yield
    }) : () -> ()
    "tpu.region"() ({
      %run_scoped3A = tpu.sem_alloc : memref<!tpu.dma_semaphore, #tpu.memory_space<semaphore_mem>>
      tpu.enqueue_dma source(%arg3 : memref<10000xf32, #tpu.memory_space<hbm>>) target(%arg9 : memref<10000xf32, #tpu.memory_space<vmem>>) target_semaphore(%run_scoped3A : memref<!tpu.dma_semaphore, #tpu.memory_space<semaphore_mem>>)
      tpu.wait_dma2 semaphore(%run_scoped3A : memref<!tpu.dma_semaphore, #tpu.memory_space<semaphore_mem>>) src(%arg3 : memref<10000xf32, #tpu.memory_space<hbm>>) dst(%arg9 : memref<10000xf32, #tpu.memory_space<vmem>>)
      tpu.yield
    }) : () -> ()
    "tpu.region"() ({
      %run_scoped3A = tpu.sem_alloc : memref<!tpu.dma_semaphore, #tpu.memory_space<semaphore_mem>>
      tpu.enqueue_dma source(%arg4 : memref<10000xf32, #tpu.memory_space<hbm>>) target(%arg10 : memref<10000xf32, #tpu.memory_space<vmem>>) target_semaphore(%run_scoped3A : memref<!tpu.dma_semaphore, #tpu.memory_space<semaphore_mem>>)
      tpu.wait_dma2 semaphore(%run_scoped3A : memref<!tpu.dma_semaphore, #tpu.memory_space<semaphore_mem>>) src(%arg4 : memref<10000xf32, #tpu.memory_space<hbm>>) dst(%arg10 : memref<10000xf32, #tpu.memory_space<vmem>>)
      tpu.yield
    }) : () -> ()
    %mul3A_11 = arith.constant 12800 : i32
    %mul3A_12 = arith.muli %min3A_10, %mul3A_11 : i32
    "tpu.region"() ({
      %run_scoped3A = tpu.sem_alloc : memref<!tpu.dma_semaphore, #tpu.memory_space<semaphore_mem>>
      %dma_start3A = tpu.memref_slice %arg5[%mul3A_12] : memref<320000xi32, #tpu.memory_space<hbm>> -> memref<25600xi32, #tpu.memory_space<hbm>>
      %dma_start3A_27 = tpu.memref_slice %arg5[%mul3A_12] : memref<320000xi32, #tpu.memory_space<hbm>> -> memref<25600xi32, #tpu.memory_space<hbm>>
      tpu.enqueue_dma source(%dma_start3A_27 : memref<25600xi32, #tpu.memory_space<hbm>>) target(%arg11 : memref<25600xi32, #tpu.memory_space<vmem>>) target_semaphore(%run_scoped3A : memref<!tpu.dma_semaphore, #tpu.memory_space<semaphore_mem>>)
      %dma_wait3A = tpu.memref_slice %arg5[%mul3A_12] : memref<320000xi32, #tpu.memory_space<hbm>> -> memref<25600xi32, #tpu.memory_space<hbm>>
      %dma_wait3A_28 = tpu.memref_slice %arg5[%mul3A_12] : memref<320000xi32, #tpu.memory_space<hbm>> -> memref<25600xi32, #tpu.memory_space<hbm>>
      tpu.wait_dma2 semaphore(%run_scoped3A : memref<!tpu.dma_semaphore, #tpu.memory_space<semaphore_mem>>) src(%dma_wait3A_28 : memref<25600xi32, #tpu.memory_space<hbm>>) dst(%arg11 : memref<25600xi32, #tpu.memory_space<vmem>>)
      tpu.yield
    }) : () -> ()
    %mul3A_13 = arith.constant 12800 : i32
    %mul3A_14 = arith.muli %min3A_10, %mul3A_13 : i32
    "tpu.region"() ({
      %run_scoped3A = tpu.sem_alloc : memref<!tpu.dma_semaphore, #tpu.memory_space<semaphore_mem>>
      %dma_start3A = tpu.memref_slice %arg6[%mul3A_14] : memref<320000xi32, #tpu.memory_space<hbm>> -> memref<25600xi32, #tpu.memory_space<hbm>>
      %dma_start3A_27 = tpu.memref_slice %arg6[%mul3A_14] : memref<320000xi32, #tpu.memory_space<hbm>> -> memref<25600xi32, #tpu.memory_space<hbm>>
      tpu.enqueue_dma source(%dma_start3A_27 : memref<25600xi32, #tpu.memory_space<hbm>>) target(%arg12 : memref<25600xi32, #tpu.memory_space<vmem>>) target_semaphore(%run_scoped3A : memref<!tpu.dma_semaphore, #tpu.memory_space<semaphore_mem>>)
      %dma_wait3A = tpu.memref_slice %arg6[%mul3A_14] : memref<320000xi32, #tpu.memory_space<hbm>> -> memref<25600xi32, #tpu.memory_space<hbm>>
      %dma_wait3A_28 = tpu.memref_slice %arg6[%mul3A_14] : memref<320000xi32, #tpu.memory_space<hbm>> -> memref<25600xi32, #tpu.memory_space<hbm>>
      tpu.wait_dma2 semaphore(%run_scoped3A : memref<!tpu.dma_semaphore, #tpu.memory_space<semaphore_mem>>) src(%dma_wait3A_28 : memref<25600xi32, #tpu.memory_space<hbm>>) dst(%arg12 : memref<25600xi32, #tpu.memory_space<vmem>>)
      tpu.yield
    }) : () -> ()
    %iota3A = tpu.iota {dimensions = array<i32: 0>} : vector<16xi32>
    %mul3A_15 = arith.constant 4 : i32
    %mul3A_16 = vector.broadcast %mul3A_15 : i32 to vector<16xi32>
    %mul3A_17 = arith.muli %iota3A, %mul3A_16 : vector<16xi32>
    %iota3A_18 = tpu.iota {dimensions = array<i32: 0>} : vector<16xi32>
    %mul3A_19 = arith.constant 400 : i32
    %mul3A_20 = vector.broadcast %mul3A_19 : i32 to vector<16xi32>
    %mul3A_21 = arith.muli %iota3A_18, %mul3A_20 : vector<16xi32>
    %sub3A_22 = arith.subi %shift_right_arithmetic3A_7, %min3A_10 : i32
    %parallel_loop3A = arith.constant 0 : i32
    %parallel_loop3A_23 = arith.constant 626 : i32
    %parallel_loop3A_24 = arith.constant 1 : i32
    scf.for %parallel_loop3A_27 = %parallel_loop3A to %parallel_loop3A_23 step %parallel_loop3A_24  : i32 {
      %parallel_loop3A_28 = arith.constant 1 : i32
      %parallel_loop3A_29 = arith.shrsi %parallel_loop3A_27, %parallel_loop3A_28 : i32
      %parallel_loop3A_30 = arith.constant 1 : i32
      %parallel_loop3A_31 = arith.andi %parallel_loop3A_27, %parallel_loop3A_30 : i32
      %parallel_loop3A_32 = arith.addi %sub3A, %parallel_loop3A_29 : i32
      %parallel_loop3A_33 = arith.constant 400 : i32
      %parallel_loop3A_34 = arith.cmpi sge, %parallel_loop3A_32, %parallel_loop3A_33 : i32
      %parallel_loop3A_35 = arith.extui %parallel_loop3A_34 : i1 to i32
      %parallel_loop3A_36 = arith.constant 400 : i32
      %parallel_loop3A_37 = arith.muli %parallel_loop3A_36, %parallel_loop3A_35 : i32
      %parallel_loop3A_38 = arith.subi %parallel_loop3A_32, %parallel_loop3A_37 : i32
      %parallel_loop3A_39 = arith.addi %sub3A_22, %parallel_loop3A_35 : i32
      %parallel_loop3A_40 = arith.constant 12800 : i32
      %parallel_loop3A_41 = arith.muli %parallel_loop3A_39, %parallel_loop3A_40 : i32
      %parallel_loop3A_42 = arith.constant 6400 : i32
      %parallel_loop3A_43 = arith.muli %parallel_loop3A_31, %parallel_loop3A_42 : i32
      %parallel_loop3A_44 = arith.addi %parallel_loop3A_41, %parallel_loop3A_43 : i32
      %parallel_loop3A_45 = arith.addi %parallel_loop3A_44, %parallel_loop3A_38 : i32
      %parallel_loop3A_46 = vector.broadcast %parallel_loop3A_45 : i32 to vector<16xi32>
      %parallel_loop3A_47 = arith.addi %mul3A_21, %parallel_loop3A_46 : vector<16xi32>
      %parallel_loop3A_48 = tpu.vector_load_idx %arg11[%parallel_loop3A_47] : memref<25600xi32, #tpu.memory_space<vmem>>[vector<16xi32>], vector<16xi32>,
      %parallel_loop3A_49 = tpu.vector_load_idx %arg12[%parallel_loop3A_47] : memref<25600xi32, #tpu.memory_space<vmem>>[vector<16xi32>], vector<16xi32>,
      %parallel_loop3A_50 = arith.constant 128 : i32
      %parallel_loop3A_51 = arith.muli %parallel_loop3A_29, %parallel_loop3A_50 : i32
      %parallel_loop3A_52 = arith.constant 64 : i32
      %parallel_loop3A_53 = arith.muli %parallel_loop3A_31, %parallel_loop3A_52 : i32
      %parallel_loop3A_54 = arith.addi %parallel_loop3A_51, %parallel_loop3A_53 : i32
      %parallel_loop3A_55 = tpu.vector_load_idx %arg8[%parallel_loop3A_48] : memref<10000xf32, #tpu.memory_space<vmem>>[vector<16xi32>], vector<16xf32>,
      %parallel_loop3A_56 = tpu.vector_load_idx %arg8[%parallel_loop3A_49] : memref<10000xf32, #tpu.memory_space<vmem>>[vector<16xi32>], vector<16xf32>,
      %parallel_loop3A_57 = arith.subf %parallel_loop3A_55, %parallel_loop3A_56 : vector<16xf32>
      %parallel_loop3A_58 = arith.mulf %parallel_loop3A_57, %parallel_loop3A_57 : vector<16xf32>
      %parallel_loop3A_59 = arith.constant 0 : i32
      %parallel_loop3A_60 = arith.addi %parallel_loop3A_54, %parallel_loop3A_59 : i32
      %parallel_loop3A_61 = vector.broadcast %parallel_loop3A_60 : i32 to vector<16xi32>
      %parallel_loop3A_62 = arith.addi %mul3A_17, %parallel_loop3A_61 : vector<16xi32>
      tpu.vector_store_idx %arg13[%parallel_loop3A_62], %parallel_loop3A_57 : memref<40064xf32, #tpu.memory_space<vmem>>[vector<16xi32>], vector<16xf32>,
      %parallel_loop3A_63 = tpu.vector_load_idx %arg9[%parallel_loop3A_48] : memref<10000xf32, #tpu.memory_space<vmem>>[vector<16xi32>], vector<16xf32>,
      %parallel_loop3A_64 = tpu.vector_load_idx %arg9[%parallel_loop3A_49] : memref<10000xf32, #tpu.memory_space<vmem>>[vector<16xi32>], vector<16xf32>,
      %parallel_loop3A_65 = arith.subf %parallel_loop3A_63, %parallel_loop3A_64 : vector<16xf32>
      %parallel_loop3A_66 = arith.mulf %parallel_loop3A_65, %parallel_loop3A_65 : vector<16xf32>
      %parallel_loop3A_67 = arith.addf %parallel_loop3A_58, %parallel_loop3A_66 : vector<16xf32>
      %parallel_loop3A_68 = arith.constant 1 : i32
      %parallel_loop3A_69 = arith.addi %parallel_loop3A_54, %parallel_loop3A_68 : i32
      %parallel_loop3A_70 = vector.broadcast %parallel_loop3A_69 : i32 to vector<16xi32>
      %parallel_loop3A_71 = arith.addi %mul3A_17, %parallel_loop3A_70 : vector<16xi32>
      tpu.vector_store_idx %arg13[%parallel_loop3A_71], %parallel_loop3A_65 : memref<40064xf32, #tpu.memory_space<vmem>>[vector<16xi32>], vector<16xf32>,
      %parallel_loop3A_72 = tpu.vector_load_idx %arg10[%parallel_loop3A_48] : memref<10000xf32, #tpu.memory_space<vmem>>[vector<16xi32>], vector<16xf32>,
      %parallel_loop3A_73 = tpu.vector_load_idx %arg10[%parallel_loop3A_49] : memref<10000xf32, #tpu.memory_space<vmem>>[vector<16xi32>], vector<16xf32>,
      %parallel_loop3A_74 = arith.subf %parallel_loop3A_72, %parallel_loop3A_73 : vector<16xf32>
      %parallel_loop3A_75 = arith.mulf %parallel_loop3A_74, %parallel_loop3A_74 : vector<16xf32>
      %parallel_loop3A_76 = arith.addf %parallel_loop3A_67, %parallel_loop3A_75 : vector<16xf32>
      %parallel_loop3A_77 = arith.constant 2 : i32
      %parallel_loop3A_78 = arith.addi %parallel_loop3A_54, %parallel_loop3A_77 : i32
      %parallel_loop3A_79 = vector.broadcast %parallel_loop3A_78 : i32 to vector<16xi32>
      %parallel_loop3A_80 = arith.addi %mul3A_17, %parallel_loop3A_79 : vector<16xi32>
      tpu.vector_store_idx %arg13[%parallel_loop3A_80], %parallel_loop3A_74 : memref<40064xf32, #tpu.memory_space<vmem>>[vector<16xi32>], vector<16xf32>,
      %parallel_loop3A_81 = arith.constant 3 : i32
      %parallel_loop3A_82 = arith.addi %parallel_loop3A_54, %parallel_loop3A_81 : i32
      %parallel_loop3A_83 = vector.broadcast %parallel_loop3A_82 : i32 to vector<16xi32>
      %parallel_loop3A_84 = arith.addi %mul3A_17, %parallel_loop3A_83 : vector<16xi32>
      tpu.vector_store_idx %arg13[%parallel_loop3A_84], %parallel_loop3A_76 : memref<40064xf32, #tpu.memory_space<vmem>>[vector<16xi32>], vector<16xf32>,
    } {sc.loop_unroll_factor = 8 : i64, sc.parallel_access}
    %mul3A_25 = arith.constant 128 : i32
    %mul3A_26 = arith.muli %shift_right_arithmetic3A_3, %mul3A_25 : i32
    "tpu.region"() ({
      %run_scoped3A = tpu.sem_alloc : memref<!tpu.dma_semaphore, #tpu.memory_space<semaphore_mem>>
      %dma_start3A = tpu.memref_slice %arg7[%mul3A_26] : memref<1280000xf32, #tpu.memory_space<hbm>> -> memref<40064xf32, #tpu.memory_space<hbm>>
      %dma_start3A_27 = tpu.memref_slice %arg7[%mul3A_26] : memref<1280000xf32, #tpu.memory_space<hbm>> -> memref<40064xf32, #tpu.memory_space<hbm>>
      tpu.enqueue_dma source(%arg13 : memref<40064xf32, #tpu.memory_space<vmem>>) target(%dma_start3A_27 : memref<40064xf32, #tpu.memory_space<hbm>>) target_semaphore(%run_scoped3A : memref<!tpu.dma_semaphore, #tpu.memory_space<semaphore_mem>>)
      %dma_wait3A = tpu.memref_slice %arg7[%mul3A_26] : memref<1280000xf32, #tpu.memory_space<hbm>> -> memref<40064xf32, #tpu.memory_space<hbm>>
      %dma_wait3A_28 = tpu.memref_slice %arg7[%mul3A_26] : memref<1280000xf32, #tpu.memory_space<hbm>> -> memref<40064xf32, #tpu.memory_space<hbm>>
      tpu.wait_dma2 semaphore(%run_scoped3A : memref<!tpu.dma_semaphore, #tpu.memory_space<semaphore_mem>>) src(%arg13 : memref<40064xf32, #tpu.memory_space<vmem>>) dst(%dma_wait3A_28 : memref<40064xf32, #tpu.memory_space<hbm>>)
      tpu.yield
    }) : () -> ()
    return
  }
}

module attributes {stable_mosaic.version = 14 : i64} {
  func.func @_node_mlp_body(%arg0: i32, %arg1: memref<2000x16xf32, #tpu.memory_space<vmem>>, %arg2: memref<2000x1xi32, #tpu.memory_space<vmem>>, %arg3: memref<32x128xf32, #tpu.memory_space<vmem>>, %arg4: memref<1x128xf32, #tpu.memory_space<vmem>>, %arg5: memref<128x128xf32, #tpu.memory_space<vmem>>, %arg6: memref<1x128xf32, #tpu.memory_space<vmem>>, %arg7: memref<128x128xf32, #tpu.memory_space<vmem>>, %arg8: memref<1x128xf32, #tpu.memory_space<vmem>>, %arg9: memref<1x128xf32, #tpu.memory_space<vmem>>, %arg10: memref<1x128xf32, #tpu.memory_space<vmem>>, %arg11: memref<2000x128xf32, #tpu.memory_space<vmem>>) attributes {dimension_semantics = [#tpu.dimension_semantics<arbitrary>], iteration_bounds = array<i64: 5>, scalar_prefetch = 0 : i64, scratch_operands = 0 : i64, tpu.core_type = #tpu.core_type<tc>, window_params = [{transform_indices = @transform_0, window_bounds = array<i64: 2000, 16>}, {transform_indices = @transform_1, window_bounds = array<i64: 2000, 1>}, {pipeline_mode = #tpu.pipeline_mode<synchronous>, transform_indices = @transform_2, window_bounds = array<i64: 32, 128>}, {pipeline_mode = #tpu.pipeline_mode<synchronous>, transform_indices = @transform_3, window_bounds = array<i64: 1, 128>}, {pipeline_mode = #tpu.pipeline_mode<synchronous>, transform_indices = @transform_4, window_bounds = array<i64: 128, 128>}, {pipeline_mode = #tpu.pipeline_mode<synchronous>, transform_indices = @transform_5, window_bounds = array<i64: 1, 128>}, {pipeline_mode = #tpu.pipeline_mode<synchronous>, transform_indices = @transform_6, window_bounds = array<i64: 128, 128>}, {pipeline_mode = #tpu.pipeline_mode<synchronous>, transform_indices = @transform_7, window_bounds = array<i64: 1, 128>}, {pipeline_mode = #tpu.pipeline_mode<synchronous>, transform_indices = @transform_8, window_bounds = array<i64: 1, 128>}, {pipeline_mode = #tpu.pipeline_mode<synchronous>, transform_indices = @transform_9, window_bounds = array<i64: 1, 128>}, {transform_indices = @transform_10, window_bounds = array<i64: 2000, 128>}]} {
    %get3A = arith.constant 0 : index
    %get3A_0 = arith.constant 0 : index
    %get3A_1 = vector.load %arg2[%get3A, %get3A_0] : memref<2000x1xi32, #tpu.memory_space<vmem>>, vector<2000x1xi32>
    %iota3A = tpu.iota {dimensions = array<i32: 1>} : vector<2000x16xi32>
    %eq3A = vector.broadcast %get3A_1 : vector<2000x1xi32> to vector<2000x16xi32>
    %eq3A_2 = arith.cmpi eq, %eq3A, %iota3A : vector<2000x16xi32>
    %convert_element_type3A = arith.extui %eq3A_2 : vector<2000x16xi1> to vector<2000x16xi32>
    %convert_element_type3A_3 = arith.sitofp %convert_element_type3A : vector<2000x16xi32> to vector<2000x16xf32>
    %get3A_4 = arith.constant 0 : index
    %get3A_5 = arith.constant 0 : index
    %get3A_6 = vector.load %arg1[%get3A_4, %get3A_5] : memref<2000x16xf32, #tpu.memory_space<vmem>>, vector<2000x16xf32>
    %concatenate3A = tpu.concatenate %get3A_6, %convert_element_type3A_3 in 1 : vector<2000x16xf32>, vector<2000x16xf32> -> vector<2000x32xf32>
    %get3A_7 = arith.constant 0 : index
    %get3A_8 = arith.constant 0 : index
    %get3A_9 = vector.load %arg3[%get3A_7, %get3A_8] : memref<32x128xf32, #tpu.memory_space<vmem>>, vector<32x128xf32>
    %dot_general3A = arith.constant dense<0.000000e+00> : vector<2000x128xf32>
    %dot_general3A_10 = tpu.matmul %concatenate3A, %get3A_9, %dot_general3A {dimension_numbers = #tpu.dot_dimension_numbers<[1], [0], [0], [1], [0, 0, 1, 1], [], []>, transpose_lhs_hint = false} : vector<2000x32xf32>, vector<32x128xf32>, vector<2000x128xf32> -> vector<2000x128xf32>
    %get3A_11 = arith.constant 0 : index
    %get3A_12 = arith.constant 0 : index
    %get3A_13 = vector.load %arg4[%get3A_11, %get3A_12] : memref<1x128xf32, #tpu.memory_space<vmem>>, vector<1x128xf32>
    %add3A = vector.broadcast %get3A_13 : vector<1x128xf32> to vector<2000x128xf32>
    %add3A_14 = arith.addf %dot_general3A_10, %add3A : vector<2000x128xf32>
    %max3A = arith.constant 0.000000e+00 : f32
    %max3A_15 = vector.broadcast %max3A : f32 to vector<2000x128xf32>
    %max3A_16 = arith.maximumf %add3A_14, %max3A_15 : vector<2000x128xf32>
    %get3A_17 = arith.constant 0 : index
    %get3A_18 = arith.constant 0 : index
    %get3A_19 = vector.load %arg5[%get3A_17, %get3A_18] : memref<128x128xf32, #tpu.memory_space<vmem>>, vector<128x128xf32>
    %dot_general3A_20 = arith.constant dense<0.000000e+00> : vector<2000x128xf32>
    %dot_general3A_21 = tpu.matmul %max3A_16, %get3A_19, %dot_general3A_20 {dimension_numbers = #tpu.dot_dimension_numbers<[1], [0], [0], [1], [0, 0, 1, 1], [], []>, transpose_lhs_hint = false} : vector<2000x128xf32>, vector<128x128xf32>, vector<2000x128xf32> -> vector<2000x128xf32>
    %get3A_22 = arith.constant 0 : index
    %get3A_23 = arith.constant 0 : index
    %get3A_24 = vector.load %arg6[%get3A_22, %get3A_23] : memref<1x128xf32, #tpu.memory_space<vmem>>, vector<1x128xf32>
    %add3A_25 = vector.broadcast %get3A_24 : vector<1x128xf32> to vector<2000x128xf32>
    %add3A_26 = arith.addf %dot_general3A_21, %add3A_25 : vector<2000x128xf32>
    %max3A_27 = arith.constant 0.000000e+00 : f32
    %max3A_28 = vector.broadcast %max3A_27 : f32 to vector<2000x128xf32>
    %max3A_29 = arith.maximumf %add3A_26, %max3A_28 : vector<2000x128xf32>
    %get3A_30 = arith.constant 0 : index
    %get3A_31 = arith.constant 0 : index
    %get3A_32 = vector.load %arg7[%get3A_30, %get3A_31] : memref<128x128xf32, #tpu.memory_space<vmem>>, vector<128x128xf32>
    %dot_general3A_33 = arith.constant dense<0.000000e+00> : vector<2000x128xf32>
    %dot_general3A_34 = tpu.matmul %max3A_29, %get3A_32, %dot_general3A_33 {dimension_numbers = #tpu.dot_dimension_numbers<[1], [0], [0], [1], [0, 0, 1, 1], [], []>, transpose_lhs_hint = false} : vector<2000x128xf32>, vector<128x128xf32>, vector<2000x128xf32> -> vector<2000x128xf32>
    %get3A_35 = arith.constant 0 : index
    %get3A_36 = arith.constant 0 : index
    %get3A_37 = vector.load %arg8[%get3A_35, %get3A_36] : memref<1x128xf32, #tpu.memory_space<vmem>>, vector<1x128xf32>
    %add3A_38 = vector.broadcast %get3A_37 : vector<1x128xf32> to vector<2000x128xf32>
    %add3A_39 = arith.addf %dot_general3A_34, %add3A_38 : vector<2000x128xf32>
    %reduce_sum3A = arith.constant dense<0.000000e+00> : vector<2000xf32>
    %reduce_sum3A_40 = vector.multi_reduction <add>, %add3A_39, %reduce_sum3A [1] : vector<2000x128xf32> to vector<2000xf32>
    %broadcast_in_dim3A = vector.shape_cast %reduce_sum3A_40 : vector<2000xf32> to vector<2000x1xf32>
    %div3A = arith.constant 1.280000e+02 : f32
    %div3A_41 = vector.broadcast %div3A : f32 to vector<2000x1xf32>
    %div3A_42 = arith.divf %broadcast_in_dim3A, %div3A_41 : vector<2000x1xf32>
    %sub3A = vector.broadcast %div3A_42 : vector<2000x1xf32> to vector<2000x128xf32>
    %sub3A_43 = arith.subf %add3A_39, %sub3A : vector<2000x128xf32>
    %mul3A = arith.mulf %sub3A_43, %sub3A_43 : vector<2000x128xf32>
    %reduce_sum3A_44 = arith.constant dense<0.000000e+00> : vector<2000xf32>
    %reduce_sum3A_45 = vector.multi_reduction <add>, %mul3A, %reduce_sum3A_44 [1] : vector<2000x128xf32> to vector<2000xf32>
    %broadcast_in_dim3A_46 = vector.shape_cast %reduce_sum3A_45 : vector<2000xf32> to vector<2000x1xf32>
    %div3A_47 = arith.constant 1.280000e+02 : f32
    %div3A_48 = vector.broadcast %div3A_47 : f32 to vector<2000x1xf32>
    %div3A_49 = arith.divf %broadcast_in_dim3A_46, %div3A_48 : vector<2000x1xf32>
    %add3A_50 = arith.constant 9.99999974E-6 : f32
    %add3A_51 = vector.broadcast %add3A_50 : f32 to vector<2000x1xf32>
    %add3A_52 = arith.addf %div3A_49, %add3A_51 : vector<2000x1xf32>
    %rsqrt3A = math.rsqrt %add3A_52 : vector<2000x1xf32>
    %get3A_53 = arith.constant 0 : index
    %get3A_54 = arith.constant 0 : index
    %get3A_55 = vector.load %arg9[%get3A_53, %get3A_54] : memref<1x128xf32, #tpu.memory_space<vmem>>, vector<1x128xf32>
    %mul3A_56 = vector.broadcast %rsqrt3A : vector<2000x1xf32> to vector<2000x128xf32>
    %mul3A_57 = vector.broadcast %get3A_55 : vector<1x128xf32> to vector<2000x128xf32>
    %mul3A_58 = arith.mulf %mul3A_56, %mul3A_57 : vector<2000x128xf32>
    %mul3A_59 = arith.mulf %sub3A_43, %mul3A_58 : vector<2000x128xf32>
    %get3A_60 = arith.constant 0 : index
    %get3A_61 = arith.constant 0 : index
    %get3A_62 = vector.load %arg10[%get3A_60, %get3A_61] : memref<1x128xf32, #tpu.memory_space<vmem>>, vector<1x128xf32>
    %add3A_63 = vector.broadcast %get3A_62 : vector<1x128xf32> to vector<2000x128xf32>
    %add3A_64 = arith.addf %mul3A_59, %add3A_63 : vector<2000x128xf32>
    %swap3A = arith.constant 0 : index
    %swap3A_65 = arith.constant 0 : index
    %swap3A_66 = vector.load %arg11[%swap3A, %swap3A_65] : memref<2000x128xf32, #tpu.memory_space<vmem>>, vector<2000x128xf32>
    tpu.vector_store %arg11[%swap3A, %swap3A_65], %add3A_64 {strides = array<i32>} : memref<2000x128xf32, #tpu.memory_space<vmem>>, vector<2000x128xf32>,
    return
  }
  func.func @transform_0(%arg0: i32) -> (i32, i32) {
    %c0_i32 = arith.constant 0 : i32
    %c0_i32_0 = arith.constant 0 : i32
    return %arg0, %c0_i32 : i32, i32
  }
  func.func @transform_1(%arg0: i32) -> (i32, i32) {
    %c0_i32 = arith.constant 0 : i32
    %c0_i32_0 = arith.constant 0 : i32
    return %arg0, %c0_i32 : i32, i32
  }
  func.func @transform_2(%arg0: i32) -> (i32, i32) {
    %c0_i32 = arith.constant 0 : i32
    %c0_i32_0 = arith.constant 0 : i32
    %c0_i32_1 = arith.constant 0 : i32
    return %c0_i32, %c0_i32_0 : i32, i32
  }
  func.func @transform_3(%arg0: i32) -> (i32, i32) {
    %c0_i32 = arith.constant 0 : i32
    %c0_i32_0 = arith.constant 0 : i32
    %c0_i32_1 = arith.constant 0 : i32
    return %c0_i32, %c0_i32_0 : i32, i32
  }
  func.func @transform_4(%arg0: i32) -> (i32, i32) {
    %c0_i32 = arith.constant 0 : i32
    %c0_i32_0 = arith.constant 0 : i32
    %c0_i32_1 = arith.constant 0 : i32
    return %c0_i32, %c0_i32_0 : i32, i32
  }
  func.func @transform_5(%arg0: i32) -> (i32, i32) {
    %c0_i32 = arith.constant 0 : i32
    %c0_i32_0 = arith.constant 0 : i32
    %c0_i32_1 = arith.constant 0 : i32
    return %c0_i32, %c0_i32_0 : i32, i32
  }
  func.func @transform_6(%arg0: i32) -> (i32, i32) {
    %c0_i32 = arith.constant 0 : i32
    %c0_i32_0 = arith.constant 0 : i32
    %c0_i32_1 = arith.constant 0 : i32
    return %c0_i32, %c0_i32_0 : i32, i32
  }
  func.func @transform_7(%arg0: i32) -> (i32, i32) {
    %c0_i32 = arith.constant 0 : i32
    %c0_i32_0 = arith.constant 0 : i32
    %c0_i32_1 = arith.constant 0 : i32
    return %c0_i32, %c0_i32_0 : i32, i32
  }
  func.func @transform_8(%arg0: i32) -> (i32, i32) {
    %c0_i32 = arith.constant 0 : i32
    %c0_i32_0 = arith.constant 0 : i32
    %c0_i32_1 = arith.constant 0 : i32
    return %c0_i32, %c0_i32_0 : i32, i32
  }
  func.func @transform_9(%arg0: i32) -> (i32, i32) {
    %c0_i32 = arith.constant 0 : i32
    %c0_i32_0 = arith.constant 0 : i32
    %c0_i32_1 = arith.constant 0 : i32
    return %c0_i32, %c0_i32_0 : i32, i32
  }
  func.func @transform_10(%arg0: i32) -> (i32, i32) {
    %c0_i32 = arith.constant 0 : i32
    %c0_i32_0 = arith.constant 0 : i32
    return %arg0, %c0_i32 : i32, i32
  }
}

module attributes {stable_mosaic.version = 14 : i64} {
  func.func @_edge_mlp_body(%arg0: i32, %arg1: memref<400x128xf32, #tpu.memory_space<vmem>>, %arg2: memref<128x4096xf32, #tpu.memory_space<vmem>>, %arg3: memref<1x128xf32, #tpu.memory_space<vmem>>, %arg4: memref<128x128xf32, #tpu.memory_space<vmem>>, %arg5: memref<1x128xf32, #tpu.memory_space<vmem>>, %arg6: memref<128x128xf32, #tpu.memory_space<vmem>>, %arg7: memref<1x128xf32, #tpu.memory_space<vmem>>, %arg8: memref<1x128xf32, #tpu.memory_space<vmem>>, %arg9: memref<1x128xf32, #tpu.memory_space<vmem>>, %arg10: memref<32x400x128xf32, #tpu.memory_space<vmem>>) attributes {dimension_semantics = [#tpu.dimension_semantics<arbitrary>], iteration_bounds = array<i64: 25>, scalar_prefetch = 0 : i64, scratch_operands = 0 : i64, tpu.core_type = #tpu.core_type<tc>, window_params = [{transform_indices = @transform_0, window_bounds = array<i64: 400, 128>}, {pipeline_mode = #tpu.pipeline_mode<synchronous>, transform_indices = @transform_1, window_bounds = array<i64: 128, 4096>}, {pipeline_mode = #tpu.pipeline_mode<synchronous>, transform_indices = @transform_2, window_bounds = array<i64: 1, 128>}, {pipeline_mode = #tpu.pipeline_mode<synchronous>, transform_indices = @transform_3, window_bounds = array<i64: 128, 128>}, {pipeline_mode = #tpu.pipeline_mode<synchronous>, transform_indices = @transform_4, window_bounds = array<i64: 1, 128>}, {pipeline_mode = #tpu.pipeline_mode<synchronous>, transform_indices = @transform_5, window_bounds = array<i64: 128, 128>}, {pipeline_mode = #tpu.pipeline_mode<synchronous>, transform_indices = @transform_6, window_bounds = array<i64: 1, 128>}, {pipeline_mode = #tpu.pipeline_mode<synchronous>, transform_indices = @transform_7, window_bounds = array<i64: 1, 128>}, {pipeline_mode = #tpu.pipeline_mode<synchronous>, transform_indices = @transform_8, window_bounds = array<i64: 1, 128>}, {transform_indices = @transform_9, window_bounds = array<i64: 32, 400, 128>}]} {
    %get3A = arith.constant 0 : index
    %get3A_0 = arith.constant 0 : index
    %get3A_1 = vector.load %arg1[%get3A, %get3A_0] : memref<400x128xf32, #tpu.memory_space<vmem>>, vector<400x128xf32>
    %iota3A = tpu.iota {dimensions = array<i32: 1>} : vector<400x128xi32>
    %and3A = arith.constant 3 : i32
    %and3A_2 = vector.broadcast %and3A : i32 to vector<400x128xi32>
    %and3A_3 = arith.andi %iota3A, %and3A_2 : vector<400x128xi32>
    %eq3A = arith.constant 3 : i32
    %eq3A_4 = vector.broadcast %eq3A : i32 to vector<400x128xi32>
    %eq3A_5 = arith.cmpi eq, %and3A_3, %eq3A_4 : vector<400x128xi32>
    %abs3A = math.absf %get3A_1 : vector<400x128xf32>
    %sqrt3A = math.sqrt %abs3A : vector<400x128xf32>
    %select_n3A = arith.select %eq3A_5, %sqrt3A, %get3A_1 : vector<400x128xi1>, vector<400x128xf32>
    %get3A_6 = arith.constant 0 : index
    %get3A_7 = arith.constant 0 : index
    %get3A_8 = vector.load %arg2[%get3A_6, %get3A_7] : memref<128x4096xf32, #tpu.memory_space<vmem>>, vector<128x4096xf32>
    %dot_general3A = arith.constant dense<0.000000e+00> : vector<400x4096xf32>
    %dot_general3A_9 = tpu.matmul %select_n3A, %get3A_8, %dot_general3A {dimension_numbers = #tpu.dot_dimension_numbers<[1], [0], [0], [1], [0, 0, 1, 1], [], []>, transpose_lhs_hint = false} : vector<400x128xf32>, vector<128x4096xf32>, vector<400x4096xf32> -> vector<400x4096xf32>
    %get3A_10 = arith.constant 0 : index
    %get3A_11 = arith.constant 0 : index
    %get3A_12 = vector.load %arg4[%get3A_10, %get3A_11] : memref<128x128xf32, #tpu.memory_space<vmem>>, vector<128x128xf32>
    %get3A_13 = arith.constant 0 : index
    %get3A_14 = arith.constant 0 : index
    %get3A_15 = vector.load %arg6[%get3A_13, %get3A_14] : memref<128x128xf32, #tpu.memory_space<vmem>>, vector<128x128xf32>
    %get3A_16 = arith.constant 0 : index
    %get3A_17 = arith.constant 0 : index
    %get3A_18 = vector.load %arg5[%get3A_16, %get3A_17] : memref<1x128xf32, #tpu.memory_space<vmem>>, vector<1x128xf32>
    %get3A_19 = arith.constant 0 : index
    %get3A_20 = arith.constant 0 : index
    %get3A_21 = vector.load %arg7[%get3A_19, %get3A_20] : memref<1x128xf32, #tpu.memory_space<vmem>>, vector<1x128xf32>
    %get3A_22 = arith.constant 0 : index
    %get3A_23 = arith.constant 0 : index
    %get3A_24 = vector.load %arg8[%get3A_22, %get3A_23] : memref<1x128xf32, #tpu.memory_space<vmem>>, vector<1x128xf32>
    %get3A_25 = arith.constant 0 : index
    %get3A_26 = arith.constant 0 : index
    %get3A_27 = vector.load %arg9[%get3A_25, %get3A_26] : memref<1x128xf32, #tpu.memory_space<vmem>>, vector<1x128xf32>
    %get3A_28 = arith.constant 0 : index
    %get3A_29 = arith.constant 0 : index
    %get3A_30 = vector.load %arg3[%get3A_28, %get3A_29] : memref<1x128xf32, #tpu.memory_space<vmem>>, vector<1x128xf32>
    %slice3A = vector.extract_strided_slice %dot_general3A_9 {offsets = [0, 0], sizes = [400, 128], strides = [1, 1]} : vector<400x4096xf32> to vector<400x128xf32>
    %add3A = vector.broadcast %get3A_30 : vector<1x128xf32> to vector<400x128xf32>
    %add3A_31 = arith.addf %slice3A, %add3A : vector<400x128xf32>
    %max3A = arith.constant 0.000000e+00 : f32
    %max3A_32 = vector.broadcast %max3A : f32 to vector<400x128xf32>
    %max3A_33 = arith.maximumf %add3A_31, %max3A_32 : vector<400x128xf32>
    %dot_general3A_34 = arith.constant dense<0.000000e+00> : vector<400x128xf32>
    %dot_general3A_35 = tpu.matmul %max3A_33, %get3A_12, %dot_general3A_34 {dimension_numbers = #tpu.dot_dimension_numbers<[1], [0], [0], [1], [0, 0, 1, 1], [], []>, transpose_lhs_hint = false} : vector<400x128xf32>, vector<128x128xf32>, vector<400x128xf32> -> vector<400x128xf32>
    %add3A_36 = vector.broadcast %get3A_18 : vector<1x128xf32> to vector<400x128xf32>
    %add3A_37 = arith.addf %dot_general3A_35, %add3A_36 : vector<400x128xf32>
    %max3A_38 = arith.constant 0.000000e+00 : f32
    %max3A_39 = vector.broadcast %max3A_38 : f32 to vector<400x128xf32>
    %max3A_40 = arith.maximumf %add3A_37, %max3A_39 : vector<400x128xf32>
    %dot_general3A_41 = arith.constant dense<0.000000e+00> : vector<400x128xf32>
    %dot_general3A_42 = tpu.matmul %max3A_40, %get3A_15, %dot_general3A_41 {dimension_numbers = #tpu.dot_dimension_numbers<[1], [0], [0], [1], [0, 0, 1, 1], [], []>, transpose_lhs_hint = false} : vector<400x128xf32>, vector<128x128xf32>, vector<400x128xf32> -> vector<400x128xf32>
    %add3A_43 = vector.broadcast %get3A_21 : vector<1x128xf32> to vector<400x128xf32>
    %add3A_44 = arith.addf %dot_general3A_42, %add3A_43 : vector<400x128xf32>
    %reduce_sum3A = arith.constant dense<0.000000e+00> : vector<400xf32>
    %reduce_sum3A_45 = vector.multi_reduction <add>, %add3A_44, %reduce_sum3A [1] : vector<400x128xf32> to vector<400xf32>
    %broadcast_in_dim3A = vector.shape_cast %reduce_sum3A_45 : vector<400xf32> to vector<400x1xf32>
    %div3A = arith.constant 1.280000e+02 : f32
    %div3A_46 = vector.broadcast %div3A : f32 to vector<400x1xf32>
    %div3A_47 = arith.divf %broadcast_in_dim3A, %div3A_46 : vector<400x1xf32>
    %sub3A = vector.broadcast %div3A_47 : vector<400x1xf32> to vector<400x128xf32>
    %sub3A_48 = arith.subf %add3A_44, %sub3A : vector<400x128xf32>
    %mul3A = arith.mulf %sub3A_48, %sub3A_48 : vector<400x128xf32>
    %reduce_sum3A_49 = arith.constant dense<0.000000e+00> : vector<400xf32>
    %reduce_sum3A_50 = vector.multi_reduction <add>, %mul3A, %reduce_sum3A_49 [1] : vector<400x128xf32> to vector<400xf32>
    %broadcast_in_dim3A_51 = vector.shape_cast %reduce_sum3A_50 : vector<400xf32> to vector<400x1xf32>
    %div3A_52 = arith.constant 1.280000e+02 : f32
    %div3A_53 = vector.broadcast %div3A_52 : f32 to vector<400x1xf32>
    %div3A_54 = arith.divf %broadcast_in_dim3A_51, %div3A_53 : vector<400x1xf32>
    %add3A_55 = arith.constant 9.99999974E-6 : f32
    %add3A_56 = vector.broadcast %add3A_55 : f32 to vector<400x1xf32>
    %add3A_57 = arith.addf %div3A_54, %add3A_56 : vector<400x1xf32>
    %rsqrt3A = math.rsqrt %add3A_57 : vector<400x1xf32>
    %mul3A_58 = vector.broadcast %rsqrt3A : vector<400x1xf32> to vector<400x128xf32>
    %mul3A_59 = vector.broadcast %get3A_24 : vector<1x128xf32> to vector<400x128xf32>
    %mul3A_60 = arith.mulf %mul3A_58, %mul3A_59 : vector<400x128xf32>
    %mul3A_61 = arith.mulf %sub3A_48, %mul3A_60 : vector<400x128xf32>
    %add3A_62 = vector.broadcast %get3A_27 : vector<1x128xf32> to vector<400x128xf32>
    %add3A_63 = arith.addf %mul3A_61, %add3A_62 : vector<400x128xf32>
    %swap3A = arith.constant 0 : index
    %swap3A_64 = arith.constant 0 : index
    %swap3A_65 = arith.constant 0 : index
    %swap3A_66 = vector.load %arg10[%swap3A, %swap3A_64, %swap3A_65] : memref<32x400x128xf32, #tpu.memory_space<vmem>>, vector<1x400x128xf32>
    %swap3A_67 = vector.shape_cast %swap3A_66 : vector<1x400x128xf32> to vector<400x128xf32>
    %swap3A_68 = vector.shape_cast %add3A_63 : vector<400x128xf32> to vector<1x400x128xf32>
    tpu.vector_store %arg10[%swap3A, %swap3A_64, %swap3A_65], %swap3A_68 {strides = array<i32>} : memref<32x400x128xf32, #tpu.memory_space<vmem>>, vector<1x400x128xf32>,
    %slice3A_69 = vector.extract_strided_slice %dot_general3A_9 {offsets = [0, 128], sizes = [400, 128], strides = [1, 1]} : vector<400x4096xf32> to vector<400x128xf32>
    %add3A_70 = vector.broadcast %get3A_30 : vector<1x128xf32> to vector<400x128xf32>
    %add3A_71 = arith.addf %slice3A_69, %add3A_70 : vector<400x128xf32>
    %max3A_72 = arith.constant 0.000000e+00 : f32
    %max3A_73 = vector.broadcast %max3A_72 : f32 to vector<400x128xf32>
    %max3A_74 = arith.maximumf %add3A_71, %max3A_73 : vector<400x128xf32>
    %dot_general3A_75 = arith.constant dense<0.000000e+00> : vector<400x128xf32>
    %dot_general3A_76 = tpu.matmul %max3A_74, %get3A_12, %dot_general3A_75 {dimension_numbers = #tpu.dot_dimension_numbers<[1], [0], [0], [1], [0, 0, 1, 1], [], []>, transpose_lhs_hint = false} : vector<400x128xf32>, vector<128x128xf32>, vector<400x128xf32> -> vector<400x128xf32>
    %add3A_77 = vector.broadcast %get3A_18 : vector<1x128xf32> to vector<400x128xf32>
    %add3A_78 = arith.addf %dot_general3A_76, %add3A_77 : vector<400x128xf32>
    %max3A_79 = arith.constant 0.000000e+00 : f32
    %max3A_80 = vector.broadcast %max3A_79 : f32 to vector<400x128xf32>
    %max3A_81 = arith.maximumf %add3A_78, %max3A_80 : vector<400x128xf32>
    %dot_general3A_82 = arith.constant dense<0.000000e+00> : vector<400x128xf32>
    %dot_general3A_83 = tpu.matmul %max3A_81, %get3A_15, %dot_general3A_82 {dimension_numbers = #tpu.dot_dimension_numbers<[1], [0], [0], [1], [0, 0, 1, 1], [], []>, transpose_lhs_hint = false} : vector<400x128xf32>, vector<128x128xf32>, vector<400x128xf32> -> vector<400x128xf32>
    %add3A_84 = vector.broadcast %get3A_21 : vector<1x128xf32> to vector<400x128xf32>
    %add3A_85 = arith.addf %dot_general3A_83, %add3A_84 : vector<400x128xf32>
    %reduce_sum3A_86 = arith.constant dense<0.000000e+00> : vector<400xf32>
    %reduce_sum3A_87 = vector.multi_reduction <add>, %add3A_85, %reduce_sum3A_86 [1] : vector<400x128xf32> to vector<400xf32>
    %broadcast_in_dim3A_88 = vector.shape_cast %reduce_sum3A_87 : vector<400xf32> to vector<400x1xf32>
    %div3A_89 = arith.constant 1.280000e+02 : f32
    %div3A_90 = vector.broadcast %div3A_89 : f32 to vector<400x1xf32>
    %div3A_91 = arith.divf %broadcast_in_dim3A_88, %div3A_90 : vector<400x1xf32>
    %sub3A_92 = vector.broadcast %div3A_91 : vector<400x1xf32> to vector<400x128xf32>
    %sub3A_93 = arith.subf %add3A_85, %sub3A_92 : vector<400x128xf32>
    %mul3A_94 = arith.mulf %sub3A_93, %sub3A_93 : vector<400x128xf32>
    %reduce_sum3A_95 = arith.constant dense<0.000000e+00> : vector<400xf32>
    %reduce_sum3A_96 = vector.multi_reduction <add>, %mul3A_94, %reduce_sum3A_95 [1] : vector<400x128xf32> to vector<400xf32>
    %broadcast_in_dim3A_97 = vector.shape_cast %reduce_sum3A_96 : vector<400xf32> to vector<400x1xf32>
    %div3A_98 = arith.constant 1.280000e+02 : f32
    %div3A_99 = vector.broadcast %div3A_98 : f32 to vector<400x1xf32>
    %div3A_100 = arith.divf %broadcast_in_dim3A_97, %div3A_99 : vector<400x1xf32>
    %add3A_101 = arith.constant 9.99999974E-6 : f32
    %add3A_102 = vector.broadcast %add3A_101 : f32 to vector<400x1xf32>
    %add3A_103 = arith.addf %div3A_100, %add3A_102 : vector<400x1xf32>
    %rsqrt3A_104 = math.rsqrt %add3A_103 : vector<400x1xf32>
    %mul3A_105 = vector.broadcast %rsqrt3A_104 : vector<400x1xf32> to vector<400x128xf32>
    %mul3A_106 = vector.broadcast %get3A_24 : vector<1x128xf32> to vector<400x128xf32>
    %mul3A_107 = arith.mulf %mul3A_105, %mul3A_106 : vector<400x128xf32>
    %mul3A_108 = arith.mulf %sub3A_93, %mul3A_107 : vector<400x128xf32>
    %add3A_109 = vector.broadcast %get3A_27 : vector<1x128xf32> to vector<400x128xf32>
    %add3A_110 = arith.addf %mul3A_108, %add3A_109 : vector<400x128xf32>
    %swap3A_111 = arith.constant 1 : index
    %swap3A_112 = arith.constant 0 : index
    %swap3A_113 = arith.constant 0 : index
    %swap3A_114 = vector.load %arg10[%swap3A_111, %swap3A_112, %swap3A_113] : memref<32x400x128xf32, #tpu.memory_space<vmem>>, vector<1x400x128xf32>
    %swap3A_115 = vector.shape_cast %swap3A_114 : vector<1x400x128xf32> to vector<400x128xf32>
    %swap3A_116 = vector.shape_cast %add3A_110 : vector<400x128xf32> to vector<1x400x128xf32>
    tpu.vector_store %arg10[%swap3A_111, %swap3A_112, %swap3A_113], %swap3A_116 {strides = array<i32>} : memref<32x400x128xf32, #tpu.memory_space<vmem>>, vector<1x400x128xf32>,
    %slice3A_117 = vector.extract_strided_slice %dot_general3A_9 {offsets = [0, 256], sizes = [400, 128], strides = [1, 1]} : vector<400x4096xf32> to vector<400x128xf32>
    %add3A_118 = vector.broadcast %get3A_30 : vector<1x128xf32> to vector<400x128xf32>
    %add3A_119 = arith.addf %slice3A_117, %add3A_118 : vector<400x128xf32>
    %max3A_120 = arith.constant 0.000000e+00 : f32
    %max3A_121 = vector.broadcast %max3A_120 : f32 to vector<400x128xf32>
    %max3A_122 = arith.maximumf %add3A_119, %max3A_121 : vector<400x128xf32>
    %dot_general3A_123 = arith.constant dense<0.000000e+00> : vector<400x128xf32>
    %dot_general3A_124 = tpu.matmul %max3A_122, %get3A_12, %dot_general3A_123 {dimension_numbers = #tpu.dot_dimension_numbers<[1], [0], [0], [1], [0, 0, 1, 1], [], []>, transpose_lhs_hint = false} : vector<400x128xf32>, vector<128x128xf32>, vector<400x128xf32> -> vector<400x128xf32>
    %add3A_125 = vector.broadcast %get3A_18 : vector<1x128xf32> to vector<400x128xf32>
    %add3A_126 = arith.addf %dot_general3A_124, %add3A_125 : vector<400x128xf32>
    %max3A_127 = arith.constant 0.000000e+00 : f32
    %max3A_128 = vector.broadcast %max3A_127 : f32 to vector<400x128xf32>
    %max3A_129 = arith.maximumf %add3A_126, %max3A_128 : vector<400x128xf32>
    %dot_general3A_130 = arith.constant dense<0.000000e+00> : vector<400x128xf32>
    %dot_general3A_131 = tpu.matmul %max3A_129, %get3A_15, %dot_general3A_130 {dimension_numbers = #tpu.dot_dimension_numbers<[1], [0], [0], [1], [0, 0, 1, 1], [], []>, transpose_lhs_hint = false} : vector<400x128xf32>, vector<128x128xf32>, vector<400x128xf32> -> vector<400x128xf32>
    %add3A_132 = vector.broadcast %get3A_21 : vector<1x128xf32> to vector<400x128xf32>
    %add3A_133 = arith.addf %dot_general3A_131, %add3A_132 : vector<400x128xf32>
    %reduce_sum3A_134 = arith.constant dense<0.000000e+00> : vector<400xf32>
    %reduce_sum3A_135 = vector.multi_reduction <add>, %add3A_133, %reduce_sum3A_134 [1] : vector<400x128xf32> to vector<400xf32>
    %broadcast_in_dim3A_136 = vector.shape_cast %reduce_sum3A_135 : vector<400xf32> to vector<400x1xf32>
    %div3A_137 = arith.constant 1.280000e+02 : f32
    %div3A_138 = vector.broadcast %div3A_137 : f32 to vector<400x1xf32>
    %div3A_139 = arith.divf %broadcast_in_dim3A_136, %div3A_138 : vector<400x1xf32>
    %sub3A_140 = vector.broadcast %div3A_139 : vector<400x1xf32> to vector<400x128xf32>
    %sub3A_141 = arith.subf %add3A_133, %sub3A_140 : vector<400x128xf32>
    %mul3A_142 = arith.mulf %sub3A_141, %sub3A_141 : vector<400x128xf32>
    %reduce_sum3A_143 = arith.constant dense<0.000000e+00> : vector<400xf32>
    %reduce_sum3A_144 = vector.multi_reduction <add>, %mul3A_142, %reduce_sum3A_143 [1] : vector<400x128xf32> to vector<400xf32>
    %broadcast_in_dim3A_145 = vector.shape_cast %reduce_sum3A_144 : vector<400xf32> to vector<400x1xf32>
    %div3A_146 = arith.constant 1.280000e+02 : f32
    %div3A_147 = vector.broadcast %div3A_146 : f32 to vector<400x1xf32>
    %div3A_148 = arith.divf %broadcast_in_dim3A_145, %div3A_147 : vector<400x1xf32>
    %add3A_149 = arith.constant 9.99999974E-6 : f32
    %add3A_150 = vector.broadcast %add3A_149 : f32 to vector<400x1xf32>
    %add3A_151 = arith.addf %div3A_148, %add3A_150 : vector<400x1xf32>
    %rsqrt3A_152 = math.rsqrt %add3A_151 : vector<400x1xf32>
    %mul3A_153 = vector.broadcast %rsqrt3A_152 : vector<400x1xf32> to vector<400x128xf32>
    %mul3A_154 = vector.broadcast %get3A_24 : vector<1x128xf32> to vector<400x128xf32>
    %mul3A_155 = arith.mulf %mul3A_153, %mul3A_154 : vector<400x128xf32>
    %mul3A_156 = arith.mulf %sub3A_141, %mul3A_155 : vector<400x128xf32>
    %add3A_157 = vector.broadcast %get3A_27 : vector<1x128xf32> to vector<400x128xf32>
    %add3A_158 = arith.addf %mul3A_156, %add3A_157 : vector<400x128xf32>
    %swap3A_159 = arith.constant 2 : index
    %swap3A_160 = arith.constant 0 : index
    %swap3A_161 = arith.constant 0 : index
    %swap3A_162 = vector.load %arg10[%swap3A_159, %swap3A_160, %swap3A_161] : memref<32x400x128xf32, #tpu.memory_space<vmem>>, vector<1x400x128xf32>
    %swap3A_163 = vector.shape_cast %swap3A_162 : vector<1x400x128xf32> to vector<400x128xf32>
    %swap3A_164 = vector.shape_cast %add3A_158 : vector<400x128xf32> to vector<1x400x128xf32>
    tpu.vector_store %arg10[%swap3A_159, %swap3A_160, %swap3A_161], %swap3A_164 {strides = array<i32>} : memref<32x400x128xf32, #tpu.memory_space<vmem>>, vector<1x400x128xf32>,
    %slice3A_165 = vector.extract_strided_slice %dot_general3A_9 {offsets = [0, 384], sizes = [400, 128], strides = [1, 1]} : vector<400x4096xf32> to vector<400x128xf32>
    %add3A_166 = vector.broadcast %get3A_30 : vector<1x128xf32> to vector<400x128xf32>
    %add3A_167 = arith.addf %slice3A_165, %add3A_166 : vector<400x128xf32>
    %max3A_168 = arith.constant 0.000000e+00 : f32
    %max3A_169 = vector.broadcast %max3A_168 : f32 to vector<400x128xf32>
    %max3A_170 = arith.maximumf %add3A_167, %max3A_169 : vector<400x128xf32>
    %dot_general3A_171 = arith.constant dense<0.000000e+00> : vector<400x128xf32>
    %dot_general3A_172 = tpu.matmul %max3A_170, %get3A_12, %dot_general3A_171 {dimension_numbers = #tpu.dot_dimension_numbers<[1], [0], [0], [1], [0, 0, 1, 1], [], []>, transpose_lhs_hint = false} : vector<400x128xf32>, vector<128x128xf32>, vector<400x128xf32> -> vector<400x128xf32>
    %add3A_173 = vector.broadcast %get3A_18 : vector<1x128xf32> to vector<400x128xf32>
    %add3A_174 = arith.addf %dot_general3A_172, %add3A_173 : vector<400x128xf32>
    %max3A_175 = arith.constant 0.000000e+00 : f32
    %max3A_176 = vector.broadcast %max3A_175 : f32 to vector<400x128xf32>
    %max3A_177 = arith.maximumf %add3A_174, %max3A_176 : vector<400x128xf32>
    %dot_general3A_178 = arith.constant dense<0.000000e+00> : vector<400x128xf32>
    %dot_general3A_179 = tpu.matmul %max3A_177, %get3A_15, %dot_general3A_178 {dimension_numbers = #tpu.dot_dimension_numbers<[1], [0], [0], [1], [0, 0, 1, 1], [], []>, transpose_lhs_hint = false} : vector<400x128xf32>, vector<128x128xf32>, vector<400x128xf32> -> vector<400x128xf32>
    %add3A_180 = vector.broadcast %get3A_21 : vector<1x128xf32> to vector<400x128xf32>
    %add3A_181 = arith.addf %dot_general3A_179, %add3A_180 : vector<400x128xf32>
    %reduce_sum3A_182 = arith.constant dense<0.000000e+00> : vector<400xf32>
    %reduce_sum3A_183 = vector.multi_reduction <add>, %add3A_181, %reduce_sum3A_182 [1] : vector<400x128xf32> to vector<400xf32>
    %broadcast_in_dim3A_184 = vector.shape_cast %reduce_sum3A_183 : vector<400xf32> to vector<400x1xf32>
    %div3A_185 = arith.constant 1.280000e+02 : f32
    %div3A_186 = vector.broadcast %div3A_185 : f32 to vector<400x1xf32>
    %div3A_187 = arith.divf %broadcast_in_dim3A_184, %div3A_186 : vector<400x1xf32>
    %sub3A_188 = vector.broadcast %div3A_187 : vector<400x1xf32> to vector<400x128xf32>
    %sub3A_189 = arith.subf %add3A_181, %sub3A_188 : vector<400x128xf32>
    %mul3A_190 = arith.mulf %sub3A_189, %sub3A_189 : vector<400x128xf32>
    %reduce_sum3A_191 = arith.constant dense<0.000000e+00> : vector<400xf32>
    %reduce_sum3A_192 = vector.multi_reduction <add>, %mul3A_190, %reduce_sum3A_191 [1] : vector<400x128xf32> to vector<400xf32>
    %broadcast_in_dim3A_193 = vector.shape_cast %reduce_sum3A_192 : vector<400xf32> to vector<400x1xf32>
    %div3A_194 = arith.constant 1.280000e+02 : f32
    %div3A_195 = vector.broadcast %div3A_194 : f32 to vector<400x1xf32>
    %div3A_196 = arith.divf %broadcast_in_dim3A_193, %div3A_195 : vector<400x1xf32>
    %add3A_197 = arith.constant 9.99999974E-6 : f32
    %add3A_198 = vector.broadcast %add3A_197 : f32 to vector<400x1xf32>
    %add3A_199 = arith.addf %div3A_196, %add3A_198 : vector<400x1xf32>
    %rsqrt3A_200 = math.rsqrt %add3A_199 : vector<400x1xf32>
    %mul3A_201 = vector.broadcast %rsqrt3A_200 : vector<400x1xf32> to vector<400x128xf32>
    %mul3A_202 = vector.broadcast %get3A_24 : vector<1x128xf32> to vector<400x128xf32>
    %mul3A_203 = arith.mulf %mul3A_201, %mul3A_202 : vector<400x128xf32>
    %mul3A_204 = arith.mulf %sub3A_189, %mul3A_203 : vector<400x128xf32>
    %add3A_205 = vector.broadcast %get3A_27 : vector<1x128xf32> to vector<400x128xf32>
    %add3A_206 = arith.addf %mul3A_204, %add3A_205 : vector<400x128xf32>
    %swap3A_207 = arith.constant 3 : index
    %swap3A_208 = arith.constant 0 : index
    %swap3A_209 = arith.constant 0 : index
    %swap3A_210 = vector.load %arg10[%swap3A_207, %swap3A_208, %swap3A_209] : memref<32x400x128xf32, #tpu.memory_space<vmem>>, vector<1x400x128xf32>
    %swap3A_211 = vector.shape_cast %swap3A_210 : vector<1x400x128xf32> to vector<400x128xf32>
    %swap3A_212 = vector.shape_cast %add3A_206 : vector<400x128xf32> to vector<1x400x128xf32>
    tpu.vector_store %arg10[%swap3A_207, %swap3A_208, %swap3A_209], %swap3A_212 {strides = array<i32>} : memref<32x400x128xf32, #tpu.memory_space<vmem>>, vector<1x400x128xf32>,
    %slice3A_213 = vector.extract_strided_slice %dot_general3A_9 {offsets = [0, 512], sizes = [400, 128], strides = [1, 1]} : vector<400x4096xf32> to vector<400x128xf32>
    %add3A_214 = vector.broadcast %get3A_30 : vector<1x128xf32> to vector<400x128xf32>
    %add3A_215 = arith.addf %slice3A_213, %add3A_214 : vector<400x128xf32>
    %max3A_216 = arith.constant 0.000000e+00 : f32
    %max3A_217 = vector.broadcast %max3A_216 : f32 to vector<400x128xf32>
    %max3A_218 = arith.maximumf %add3A_215, %max3A_217 : vector<400x128xf32>
    %dot_general3A_219 = arith.constant dense<0.000000e+00> : vector<400x128xf32>
    %dot_general3A_220 = tpu.matmul %max3A_218, %get3A_12, %dot_general3A_219 {dimension_numbers = #tpu.dot_dimension_numbers<[1], [0], [0], [1], [0, 0, 1, 1], [], []>, transpose_lhs_hint = false} : vector<400x128xf32>, vector<128x128xf32>, vector<400x128xf32> -> vector<400x128xf32>
    %add3A_221 = vector.broadcast %get3A_18 : vector<1x128xf32> to vector<400x128xf32>
    %add3A_222 = arith.addf %dot_general3A_220, %add3A_221 : vector<400x128xf32>
    %max3A_223 = arith.constant 0.000000e+00 : f32
    %max3A_224 = vector.broadcast %max3A_223 : f32 to vector<400x128xf32>
    %max3A_225 = arith.maximumf %add3A_222, %max3A_224 : vector<400x128xf32>
    %dot_general3A_226 = arith.constant dense<0.000000e+00> : vector<400x128xf32>
    %dot_general3A_227 = tpu.matmul %max3A_225, %get3A_15, %dot_general3A_226 {dimension_numbers = #tpu.dot_dimension_numbers<[1], [0], [0], [1], [0, 0, 1, 1], [], []>, transpose_lhs_hint = false} : vector<400x128xf32>, vector<128x128xf32>, vector<400x128xf32> -> vector<400x128xf32>
    %add3A_228 = vector.broadcast %get3A_21 : vector<1x128xf32> to vector<400x128xf32>
    %add3A_229 = arith.addf %dot_general3A_227, %add3A_228 : vector<400x128xf32>
    %reduce_sum3A_230 = arith.constant dense<0.000000e+00> : vector<400xf32>
    %reduce_sum3A_231 = vector.multi_reduction <add>, %add3A_229, %reduce_sum3A_230 [1] : vector<400x128xf32> to vector<400xf32>
    %broadcast_in_dim3A_232 = vector.shape_cast %reduce_sum3A_231 : vector<400xf32> to vector<400x1xf32>
    %div3A_233 = arith.constant 1.280000e+02 : f32
    %div3A_234 = vector.broadcast %div3A_233 : f32 to vector<400x1xf32>
    %div3A_235 = arith.divf %broadcast_in_dim3A_232, %div3A_234 : vector<400x1xf32>
    %sub3A_236 = vector.broadcast %div3A_235 : vector<400x1xf32> to vector<400x128xf32>
    %sub3A_237 = arith.subf %add3A_229, %sub3A_236 : vector<400x128xf32>
    %mul3A_238 = arith.mulf %sub3A_237, %sub3A_237 : vector<400x128xf32>
    %reduce_sum3A_239 = arith.constant dense<0.000000e+00> : vector<400xf32>
    %reduce_sum3A_240 = vector.multi_reduction <add>, %mul3A_238, %reduce_sum3A_239 [1] : vector<400x128xf32> to vector<400xf32>
    %broadcast_in_dim3A_241 = vector.shape_cast %reduce_sum3A_240 : vector<400xf32> to vector<400x1xf32>
    %div3A_242 = arith.constant 1.280000e+02 : f32
    %div3A_243 = vector.broadcast %div3A_242 : f32 to vector<400x1xf32>
    %div3A_244 = arith.divf %broadcast_in_dim3A_241, %div3A_243 : vector<400x1xf32>
    %add3A_245 = arith.constant 9.99999974E-6 : f32
    %add3A_246 = vector.broadcast %add3A_245 : f32 to vector<400x1xf32>
    %add3A_247 = arith.addf %div3A_244, %add3A_246 : vector<400x1xf32>
    %rsqrt3A_248 = math.rsqrt %add3A_247 : vector<400x1xf32>
    %mul3A_249 = vector.broadcast %rsqrt3A_248 : vector<400x1xf32> to vector<400x128xf32>
    %mul3A_250 = vector.broadcast %get3A_24 : vector<1x128xf32> to vector<400x128xf32>
    %mul3A_251 = arith.mulf %mul3A_249, %mul3A_250 : vector<400x128xf32>
    %mul3A_252 = arith.mulf %sub3A_237, %mul3A_251 : vector<400x128xf32>
    %add3A_253 = vector.broadcast %get3A_27 : vector<1x128xf32> to vector<400x128xf32>
    %add3A_254 = arith.addf %mul3A_252, %add3A_253 : vector<400x128xf32>
    %swap3A_255 = arith.constant 4 : index
    %swap3A_256 = arith.constant 0 : index
    %swap3A_257 = arith.constant 0 : index
    %swap3A_258 = vector.load %arg10[%swap3A_255, %swap3A_256, %swap3A_257] : memref<32x400x128xf32, #tpu.memory_space<vmem>>, vector<1x400x128xf32>
    %swap3A_259 = vector.shape_cast %swap3A_258 : vector<1x400x128xf32> to vector<400x128xf32>
    %swap3A_260 = vector.shape_cast %add3A_254 : vector<400x128xf32> to vector<1x400x128xf32>
    tpu.vector_store %arg10[%swap3A_255, %swap3A_256, %swap3A_257], %swap3A_260 {strides = array<i32>} : memref<32x400x128xf32, #tpu.memory_space<vmem>>, vector<1x400x128xf32>,
    %slice3A_261 = vector.extract_strided_slice %dot_general3A_9 {offsets = [0, 640], sizes = [400, 128], strides = [1, 1]} : vector<400x4096xf32> to vector<400x128xf32>
    %add3A_262 = vector.broadcast %get3A_30 : vector<1x128xf32> to vector<400x128xf32>
    %add3A_263 = arith.addf %slice3A_261, %add3A_262 : vector<400x128xf32>
    %max3A_264 = arith.constant 0.000000e+00 : f32
    %max3A_265 = vector.broadcast %max3A_264 : f32 to vector<400x128xf32>
    %max3A_266 = arith.maximumf %add3A_263, %max3A_265 : vector<400x128xf32>
    %dot_general3A_267 = arith.constant dense<0.000000e+00> : vector<400x128xf32>
    %dot_general3A_268 = tpu.matmul %max3A_266, %get3A_12, %dot_general3A_267 {dimension_numbers = #tpu.dot_dimension_numbers<[1], [0], [0], [1], [0, 0, 1, 1], [], []>, transpose_lhs_hint = false} : vector<400x128xf32>, vector<128x128xf32>, vector<400x128xf32> -> vector<400x128xf32>
    %add3A_269 = vector.broadcast %get3A_18 : vector<1x128xf32> to vector<400x128xf32>
    %add3A_270 = arith.addf %dot_general3A_268, %add3A_269 : vector<400x128xf32>
    %max3A_271 = arith.constant 0.000000e+00 : f32
    %max3A_272 = vector.broadcast %max3A_271 : f32 to vector<400x128xf32>
    %max3A_273 = arith.maximumf %add3A_270, %max3A_272 : vector<400x128xf32>
    %dot_general3A_274 = arith.constant dense<0.000000e+00> : vector<400x128xf32>
    %dot_general3A_275 = tpu.matmul %max3A_273, %get3A_15, %dot_general3A_274 {dimension_numbers = #tpu.dot_dimension_numbers<[1], [0], [0], [1], [0, 0, 1, 1], [], []>, transpose_lhs_hint = false} : vector<400x128xf32>, vector<128x128xf32>, vector<400x128xf32> -> vector<400x128xf32>
    %add3A_276 = vector.broadcast %get3A_21 : vector<1x128xf32> to vector<400x128xf32>
    %add3A_277 = arith.addf %dot_general3A_275, %add3A_276 : vector<400x128xf32>
    %reduce_sum3A_278 = arith.constant dense<0.000000e+00> : vector<400xf32>
    %reduce_sum3A_279 = vector.multi_reduction <add>, %add3A_277, %reduce_sum3A_278 [1] : vector<400x128xf32> to vector<400xf32>
    %broadcast_in_dim3A_280 = vector.shape_cast %reduce_sum3A_279 : vector<400xf32> to vector<400x1xf32>
    %div3A_281 = arith.constant 1.280000e+02 : f32
    %div3A_282 = vector.broadcast %div3A_281 : f32 to vector<400x1xf32>
    %div3A_283 = arith.divf %broadcast_in_dim3A_280, %div3A_282 : vector<400x1xf32>
    %sub3A_284 = vector.broadcast %div3A_283 : vector<400x1xf32> to vector<400x128xf32>
    %sub3A_285 = arith.subf %add3A_277, %sub3A_284 : vector<400x128xf32>
    %mul3A_286 = arith.mulf %sub3A_285, %sub3A_285 : vector<400x128xf32>
    %reduce_sum3A_287 = arith.constant dense<0.000000e+00> : vector<400xf32>
    %reduce_sum3A_288 = vector.multi_reduction <add>, %mul3A_286, %reduce_sum3A_287 [1] : vector<400x128xf32> to vector<400xf32>
    %broadcast_in_dim3A_289 = vector.shape_cast %reduce_sum3A_288 : vector<400xf32> to vector<400x1xf32>
    %div3A_290 = arith.constant 1.280000e+02 : f32
    %div3A_291 = vector.broadcast %div3A_290 : f32 to vector<400x1xf32>
    %div3A_292 = arith.divf %broadcast_in_dim3A_289, %div3A_291 : vector<400x1xf32>
    %add3A_293 = arith.constant 9.99999974E-6 : f32
    %add3A_294 = vector.broadcast %add3A_293 : f32 to vector<400x1xf32>
    %add3A_295 = arith.addf %div3A_292, %add3A_294 : vector<400x1xf32>
    %rsqrt3A_296 = math.rsqrt %add3A_295 : vector<400x1xf32>
    %mul3A_297 = vector.broadcast %rsqrt3A_296 : vector<400x1xf32> to vector<400x128xf32>
    %mul3A_298 = vector.broadcast %get3A_24 : vector<1x128xf32> to vector<400x128xf32>
    %mul3A_299 = arith.mulf %mul3A_297, %mul3A_298 : vector<400x128xf32>
    %mul3A_300 = arith.mulf %sub3A_285, %mul3A_299 : vector<400x128xf32>
    %add3A_301 = vector.broadcast %get3A_27 : vector<1x128xf32> to vector<400x128xf32>
    %add3A_302 = arith.addf %mul3A_300, %add3A_301 : vector<400x128xf32>
    %swap3A_303 = arith.constant 5 : index
    %swap3A_304 = arith.constant 0 : index
    %swap3A_305 = arith.constant 0 : index
    %swap3A_306 = vector.load %arg10[%swap3A_303, %swap3A_304, %swap3A_305] : memref<32x400x128xf32, #tpu.memory_space<vmem>>, vector<1x400x128xf32>
    %swap3A_307 = vector.shape_cast %swap3A_306 : vector<1x400x128xf32> to vector<400x128xf32>
    %swap3A_308 = vector.shape_cast %add3A_302 : vector<400x128xf32> to vector<1x400x128xf32>
    tpu.vector_store %arg10[%swap3A_303, %swap3A_304, %swap3A_305], %swap3A_308 {strides = array<i32>} : memref<32x400x128xf32, #tpu.memory_space<vmem>>, vector<1x400x128xf32>,
    %slice3A_309 = vector.extract_strided_slice %dot_general3A_9 {offsets = [0, 768], sizes = [400, 128], strides = [1, 1]} : vector<400x4096xf32> to vector<400x128xf32>
    %add3A_310 = vector.broadcast %get3A_30 : vector<1x128xf32> to vector<400x128xf32>
    %add3A_311 = arith.addf %slice3A_309, %add3A_310 : vector<400x128xf32>
    %max3A_312 = arith.constant 0.000000e+00 : f32
    %max3A_313 = vector.broadcast %max3A_312 : f32 to vector<400x128xf32>
    %max3A_314 = arith.maximumf %add3A_311, %max3A_313 : vector<400x128xf32>
    %dot_general3A_315 = arith.constant dense<0.000000e+00> : vector<400x128xf32>
    %dot_general3A_316 = tpu.matmul %max3A_314, %get3A_12, %dot_general3A_315 {dimension_numbers = #tpu.dot_dimension_numbers<[1], [0], [0], [1], [0, 0, 1, 1], [], []>, transpose_lhs_hint = false} : vector<400x128xf32>, vector<128x128xf32>, vector<400x128xf32> -> vector<400x128xf32>
    %add3A_317 = vector.broadcast %get3A_18 : vector<1x128xf32> to vector<400x128xf32>
    %add3A_318 = arith.addf %dot_general3A_316, %add3A_317 : vector<400x128xf32>
    %max3A_319 = arith.constant 0.000000e+00 : f32
    %max3A_320 = vector.broadcast %max3A_319 : f32 to vector<400x128xf32>
    %max3A_321 = arith.maximumf %add3A_318, %max3A_320 : vector<400x128xf32>
    %dot_general3A_322 = arith.constant dense<0.000000e+00> : vector<400x128xf32>
    %dot_general3A_323 = tpu.matmul %max3A_321, %get3A_15, %dot_general3A_322 {dimension_numbers = #tpu.dot_dimension_numbers<[1], [0], [0], [1], [0, 0, 1, 1], [], []>, transpose_lhs_hint = false} : vector<400x128xf32>, vector<128x128xf32>, vector<400x128xf32> -> vector<400x128xf32>
    %add3A_324 = vector.broadcast %get3A_21 : vector<1x128xf32> to vector<400x128xf32>
    %add3A_325 = arith.addf %dot_general3A_323, %add3A_324 : vector<400x128xf32>
    %reduce_sum3A_326 = arith.constant dense<0.000000e+00> : vector<400xf32>
    %reduce_sum3A_327 = vector.multi_reduction <add>, %add3A_325, %reduce_sum3A_326 [1] : vector<400x128xf32> to vector<400xf32>
    %broadcast_in_dim3A_328 = vector.shape_cast %reduce_sum3A_327 : vector<400xf32> to vector<400x1xf32>
    %div3A_329 = arith.constant 1.280000e+02 : f32
    %div3A_330 = vector.broadcast %div3A_329 : f32 to vector<400x1xf32>
    %div3A_331 = arith.divf %broadcast_in_dim3A_328, %div3A_330 : vector<400x1xf32>
    %sub3A_332 = vector.broadcast %div3A_331 : vector<400x1xf32> to vector<400x128xf32>
    %sub3A_333 = arith.subf %add3A_325, %sub3A_332 : vector<400x128xf32>
    %mul3A_334 = arith.mulf %sub3A_333, %sub3A_333 : vector<400x128xf32>
    %reduce_sum3A_335 = arith.constant dense<0.000000e+00> : vector<400xf32>
    %reduce_sum3A_336 = vector.multi_reduction <add>, %mul3A_334, %reduce_sum3A_335 [1] : vector<400x128xf32> to vector<400xf32>
    %broadcast_in_dim3A_337 = vector.shape_cast %reduce_sum3A_336 : vector<400xf32> to vector<400x1xf32>
    %div3A_338 = arith.constant 1.280000e+02 : f32
    %div3A_339 = vector.broadcast %div3A_338 : f32 to vector<400x1xf32>
    %div3A_340 = arith.divf %broadcast_in_dim3A_337, %div3A_339 : vector<400x1xf32>
    %add3A_341 = arith.constant 9.99999974E-6 : f32
    %add3A_342 = vector.broadcast %add3A_341 : f32 to vector<400x1xf32>
    %add3A_343 = arith.addf %div3A_340, %add3A_342 : vector<400x1xf32>
    %rsqrt3A_344 = math.rsqrt %add3A_343 : vector<400x1xf32>
    %mul3A_345 = vector.broadcast %rsqrt3A_344 : vector<400x1xf32> to vector<400x128xf32>
    %mul3A_346 = vector.broadcast %get3A_24 : vector<1x128xf32> to vector<400x128xf32>
    %mul3A_347 = arith.mulf %mul3A_345, %mul3A_346 : vector<400x128xf32>
    %mul3A_348 = arith.mulf %sub3A_333, %mul3A_347 : vector<400x128xf32>
    %add3A_349 = vector.broadcast %get3A_27 : vector<1x128xf32> to vector<400x128xf32>
    %add3A_350 = arith.addf %mul3A_348, %add3A_349 : vector<400x128xf32>
    %swap3A_351 = arith.constant 6 : index
    %swap3A_352 = arith.constant 0 : index
    %swap3A_353 = arith.constant 0 : index
    %swap3A_354 = vector.load %arg10[%swap3A_351, %swap3A_352, %swap3A_353] : memref<32x400x128xf32, #tpu.memory_space<vmem>>, vector<1x400x128xf32>
    %swap3A_355 = vector.shape_cast %swap3A_354 : vector<1x400x128xf32> to vector<400x128xf32>
    %swap3A_356 = vector.shape_cast %add3A_350 : vector<400x128xf32> to vector<1x400x128xf32>
    tpu.vector_store %arg10[%swap3A_351, %swap3A_352, %swap3A_353], %swap3A_356 {strides = array<i32>} : memref<32x400x128xf32, #tpu.memory_space<vmem>>, vector<1x400x128xf32>,
    %slice3A_357 = vector.extract_strided_slice %dot_general3A_9 {offsets = [0, 896], sizes = [400, 128], strides = [1, 1]} : vector<400x4096xf32> to vector<400x128xf32>
    %add3A_358 = vector.broadcast %get3A_30 : vector<1x128xf32> to vector<400x128xf32>
    %add3A_359 = arith.addf %slice3A_357, %add3A_358 : vector<400x128xf32>
    %max3A_360 = arith.constant 0.000000e+00 : f32
    %max3A_361 = vector.broadcast %max3A_360 : f32 to vector<400x128xf32>
    %max3A_362 = arith.maximumf %add3A_359, %max3A_361 : vector<400x128xf32>
    %dot_general3A_363 = arith.constant dense<0.000000e+00> : vector<400x128xf32>
    %dot_general3A_364 = tpu.matmul %max3A_362, %get3A_12, %dot_general3A_363 {dimension_numbers = #tpu.dot_dimension_numbers<[1], [0], [0], [1], [0, 0, 1, 1], [], []>, transpose_lhs_hint = false} : vector<400x128xf32>, vector<128x128xf32>, vector<400x128xf32> -> vector<400x128xf32>
    %add3A_365 = vector.broadcast %get3A_18 : vector<1x128xf32> to vector<400x128xf32>
    %add3A_366 = arith.addf %dot_general3A_364, %add3A_365 : vector<400x128xf32>
    %max3A_367 = arith.constant 0.000000e+00 : f32
    %max3A_368 = vector.broadcast %max3A_367 : f32 to vector<400x128xf32>
    %max3A_369 = arith.maximumf %add3A_366, %max3A_368 : vector<400x128xf32>
    %dot_general3A_370 = arith.constant dense<0.000000e+00> : vector<400x128xf32>
    %dot_general3A_371 = tpu.matmul %max3A_369, %get3A_15, %dot_general3A_370 {dimension_numbers = #tpu.dot_dimension_numbers<[1], [0], [0], [1], [0, 0, 1, 1], [], []>, transpose_lhs_hint = false} : vector<400x128xf32>, vector<128x128xf32>, vector<400x128xf32> -> vector<400x128xf32>
    %add3A_372 = vector.broadcast %get3A_21 : vector<1x128xf32> to vector<400x128xf32>
    %add3A_373 = arith.addf %dot_general3A_371, %add3A_372 : vector<400x128xf32>
    %reduce_sum3A_374 = arith.constant dense<0.000000e+00> : vector<400xf32>
    %reduce_sum3A_375 = vector.multi_reduction <add>, %add3A_373, %reduce_sum3A_374 [1] : vector<400x128xf32> to vector<400xf32>
    %broadcast_in_dim3A_376 = vector.shape_cast %reduce_sum3A_375 : vector<400xf32> to vector<400x1xf32>
    %div3A_377 = arith.constant 1.280000e+02 : f32
    %div3A_378 = vector.broadcast %div3A_377 : f32 to vector<400x1xf32>
    %div3A_379 = arith.divf %broadcast_in_dim3A_376, %div3A_378 : vector<400x1xf32>
    %sub3A_380 = vector.broadcast %div3A_379 : vector<400x1xf32> to vector<400x128xf32>
    %sub3A_381 = arith.subf %add3A_373, %sub3A_380 : vector<400x128xf32>
    %mul3A_382 = arith.mulf %sub3A_381, %sub3A_381 : vector<400x128xf32>
    %reduce_sum3A_383 = arith.constant dense<0.000000e+00> : vector<400xf32>
    %reduce_sum3A_384 = vector.multi_reduction <add>, %mul3A_382, %reduce_sum3A_383 [1] : vector<400x128xf32> to vector<400xf32>
    %broadcast_in_dim3A_385 = vector.shape_cast %reduce_sum3A_384 : vector<400xf32> to vector<400x1xf32>
    %div3A_386 = arith.constant 1.280000e+02 : f32
    %div3A_387 = vector.broadcast %div3A_386 : f32 to vector<400x1xf32>
    %div3A_388 = arith.divf %broadcast_in_dim3A_385, %div3A_387 : vector<400x1xf32>
    %add3A_389 = arith.constant 9.99999974E-6 : f32
    %add3A_390 = vector.broadcast %add3A_389 : f32 to vector<400x1xf32>
    %add3A_391 = arith.addf %div3A_388, %add3A_390 : vector<400x1xf32>
    %rsqrt3A_392 = math.rsqrt %add3A_391 : vector<400x1xf32>
    %mul3A_393 = vector.broadcast %rsqrt3A_392 : vector<400x1xf32> to vector<400x128xf32>
    %mul3A_394 = vector.broadcast %get3A_24 : vector<1x128xf32> to vector<400x128xf32>
    %mul3A_395 = arith.mulf %mul3A_393, %mul3A_394 : vector<400x128xf32>
    %mul3A_396 = arith.mulf %sub3A_381, %mul3A_395 : vector<400x128xf32>
    %add3A_397 = vector.broadcast %get3A_27 : vector<1x128xf32> to vector<400x128xf32>
    %add3A_398 = arith.addf %mul3A_396, %add3A_397 : vector<400x128xf32>
    %swap3A_399 = arith.constant 7 : index
    %swap3A_400 = arith.constant 0 : index
    %swap3A_401 = arith.constant 0 : index
    %swap3A_402 = vector.load %arg10[%swap3A_399, %swap3A_400, %swap3A_401] : memref<32x400x128xf32, #tpu.memory_space<vmem>>, vector<1x400x128xf32>
    %swap3A_403 = vector.shape_cast %swap3A_402 : vector<1x400x128xf32> to vector<400x128xf32>
    %swap3A_404 = vector.shape_cast %add3A_398 : vector<400x128xf32> to vector<1x400x128xf32>
    tpu.vector_store %arg10[%swap3A_399, %swap3A_400, %swap3A_401], %swap3A_404 {strides = array<i32>} : memref<32x400x128xf32, #tpu.memory_space<vmem>>, vector<1x400x128xf32>,
    %slice3A_405 = vector.extract_strided_slice %dot_general3A_9 {offsets = [0, 1024], sizes = [400, 128], strides = [1, 1]} : vector<400x4096xf32> to vector<400x128xf32>
    %add3A_406 = vector.broadcast %get3A_30 : vector<1x128xf32> to vector<400x128xf32>
    %add3A_407 = arith.addf %slice3A_405, %add3A_406 : vector<400x128xf32>
    %max3A_408 = arith.constant 0.000000e+00 : f32
    %max3A_409 = vector.broadcast %max3A_408 : f32 to vector<400x128xf32>
    %max3A_410 = arith.maximumf %add3A_407, %max3A_409 : vector<400x128xf32>
    %dot_general3A_411 = arith.constant dense<0.000000e+00> : vector<400x128xf32>
    %dot_general3A_412 = tpu.matmul %max3A_410, %get3A_12, %dot_general3A_411 {dimension_numbers = #tpu.dot_dimension_numbers<[1], [0], [0], [1], [0, 0, 1, 1], [], []>, transpose_lhs_hint = false} : vector<400x128xf32>, vector<128x128xf32>, vector<400x128xf32> -> vector<400x128xf32>
    %add3A_413 = vector.broadcast %get3A_18 : vector<1x128xf32> to vector<400x128xf32>
    %add3A_414 = arith.addf %dot_general3A_412, %add3A_413 : vector<400x128xf32>
    %max3A_415 = arith.constant 0.000000e+00 : f32
    %max3A_416 = vector.broadcast %max3A_415 : f32 to vector<400x128xf32>
    %max3A_417 = arith.maximumf %add3A_414, %max3A_416 : vector<400x128xf32>
    %dot_general3A_418 = arith.constant dense<0.000000e+00> : vector<400x128xf32>
    %dot_general3A_419 = tpu.matmul %max3A_417, %get3A_15, %dot_general3A_418 {dimension_numbers = #tpu.dot_dimension_numbers<[1], [0], [0], [1], [0, 0, 1, 1], [], []>, transpose_lhs_hint = false} : vector<400x128xf32>, vector<128x128xf32>, vector<400x128xf32> -> vector<400x128xf32>
    %add3A_420 = vector.broadcast %get3A_21 : vector<1x128xf32> to vector<400x128xf32>
    %add3A_421 = arith.addf %dot_general3A_419, %add3A_420 : vector<400x128xf32>
    %reduce_sum3A_422 = arith.constant dense<0.000000e+00> : vector<400xf32>
    %reduce_sum3A_423 = vector.multi_reduction <add>, %add3A_421, %reduce_sum3A_422 [1] : vector<400x128xf32> to vector<400xf32>
    %broadcast_in_dim3A_424 = vector.shape_cast %reduce_sum3A_423 : vector<400xf32> to vector<400x1xf32>
    %div3A_425 = arith.constant 1.280000e+02 : f32
    %div3A_426 = vector.broadcast %div3A_425 : f32 to vector<400x1xf32>
    %div3A_427 = arith.divf %broadcast_in_dim3A_424, %div3A_426 : vector<400x1xf32>
    %sub3A_428 = vector.broadcast %div3A_427 : vector<400x1xf32> to vector<400x128xf32>
    %sub3A_429 = arith.subf %add3A_421, %sub3A_428 : vector<400x128xf32>
    %mul3A_430 = arith.mulf %sub3A_429, %sub3A_429 : vector<400x128xf32>
    %reduce_sum3A_431 = arith.constant dense<0.000000e+00> : vector<400xf32>
    %reduce_sum3A_432 = vector.multi_reduction <add>, %mul3A_430, %reduce_sum3A_431 [1] : vector<400x128xf32> to vector<400xf32>
    %broadcast_in_dim3A_433 = vector.shape_cast %reduce_sum3A_432 : vector<400xf32> to vector<400x1xf32>
    %div3A_434 = arith.constant 1.280000e+02 : f32
    %div3A_435 = vector.broadcast %div3A_434 : f32 to vector<400x1xf32>
    %div3A_436 = arith.divf %broadcast_in_dim3A_433, %div3A_435 : vector<400x1xf32>
    %add3A_437 = arith.constant 9.99999974E-6 : f32
    %add3A_438 = vector.broadcast %add3A_437 : f32 to vector<400x1xf32>
    %add3A_439 = arith.addf %div3A_436, %add3A_438 : vector<400x1xf32>
    %rsqrt3A_440 = math.rsqrt %add3A_439 : vector<400x1xf32>
    %mul3A_441 = vector.broadcast %rsqrt3A_440 : vector<400x1xf32> to vector<400x128xf32>
    %mul3A_442 = vector.broadcast %get3A_24 : vector<1x128xf32> to vector<400x128xf32>
    %mul3A_443 = arith.mulf %mul3A_441, %mul3A_442 : vector<400x128xf32>
    %mul3A_444 = arith.mulf %sub3A_429, %mul3A_443 : vector<400x128xf32>
    %add3A_445 = vector.broadcast %get3A_27 : vector<1x128xf32> to vector<400x128xf32>
    %add3A_446 = arith.addf %mul3A_444, %add3A_445 : vector<400x128xf32>
    %swap3A_447 = arith.constant 8 : index
    %swap3A_448 = arith.constant 0 : index
    %swap3A_449 = arith.constant 0 : index
    %swap3A_450 = vector.load %arg10[%swap3A_447, %swap3A_448, %swap3A_449] : memref<32x400x128xf32, #tpu.memory_space<vmem>>, vector<1x400x128xf32>
    %swap3A_451 = vector.shape_cast %swap3A_450 : vector<1x400x128xf32> to vector<400x128xf32>
    %swap3A_452 = vector.shape_cast %add3A_446 : vector<400x128xf32> to vector<1x400x128xf32>
    tpu.vector_store %arg10[%swap3A_447, %swap3A_448, %swap3A_449], %swap3A_452 {strides = array<i32>} : memref<32x400x128xf32, #tpu.memory_space<vmem>>, vector<1x400x128xf32>,
    %slice3A_453 = vector.extract_strided_slice %dot_general3A_9 {offsets = [0, 1152], sizes = [400, 128], strides = [1, 1]} : vector<400x4096xf32> to vector<400x128xf32>
    %add3A_454 = vector.broadcast %get3A_30 : vector<1x128xf32> to vector<400x128xf32>
    %add3A_455 = arith.addf %slice3A_453, %add3A_454 : vector<400x128xf32>
    %max3A_456 = arith.constant 0.000000e+00 : f32
    %max3A_457 = vector.broadcast %max3A_456 : f32 to vector<400x128xf32>
    %max3A_458 = arith.maximumf %add3A_455, %max3A_457 : vector<400x128xf32>
    %dot_general3A_459 = arith.constant dense<0.000000e+00> : vector<400x128xf32>
    %dot_general3A_460 = tpu.matmul %max3A_458, %get3A_12, %dot_general3A_459 {dimension_numbers = #tpu.dot_dimension_numbers<[1], [0], [0], [1], [0, 0, 1, 1], [], []>, transpose_lhs_hint = false} : vector<400x128xf32>, vector<128x128xf32>, vector<400x128xf32> -> vector<400x128xf32>
    %add3A_461 = vector.broadcast %get3A_18 : vector<1x128xf32> to vector<400x128xf32>
    %add3A_462 = arith.addf %dot_general3A_460, %add3A_461 : vector<400x128xf32>
    %max3A_463 = arith.constant 0.000000e+00 : f32
    %max3A_464 = vector.broadcast %max3A_463 : f32 to vector<400x128xf32>
    %max3A_465 = arith.maximumf %add3A_462, %max3A_464 : vector<400x128xf32>
    %dot_general3A_466 = arith.constant dense<0.000000e+00> : vector<400x128xf32>
    %dot_general3A_467 = tpu.matmul %max3A_465, %get3A_15, %dot_general3A_466 {dimension_numbers = #tpu.dot_dimension_numbers<[1], [0], [0], [1], [0, 0, 1, 1], [], []>, transpose_lhs_hint = false} : vector<400x128xf32>, vector<128x128xf32>, vector<400x128xf32> -> vector<400x128xf32>
    %add3A_468 = vector.broadcast %get3A_21 : vector<1x128xf32> to vector<400x128xf32>
    %add3A_469 = arith.addf %dot_general3A_467, %add3A_468 : vector<400x128xf32>
    %reduce_sum3A_470 = arith.constant dense<0.000000e+00> : vector<400xf32>
    %reduce_sum3A_471 = vector.multi_reduction <add>, %add3A_469, %reduce_sum3A_470 [1] : vector<400x128xf32> to vector<400xf32>
    %broadcast_in_dim3A_472 = vector.shape_cast %reduce_sum3A_471 : vector<400xf32> to vector<400x1xf32>
    %div3A_473 = arith.constant 1.280000e+02 : f32
    %div3A_474 = vector.broadcast %div3A_473 : f32 to vector<400x1xf32>
    %div3A_475 = arith.divf %broadcast_in_dim3A_472, %div3A_474 : vector<400x1xf32>
    %sub3A_476 = vector.broadcast %div3A_475 : vector<400x1xf32> to vector<400x128xf32>
    %sub3A_477 = arith.subf %add3A_469, %sub3A_476 : vector<400x128xf32>
    %mul3A_478 = arith.mulf %sub3A_477, %sub3A_477 : vector<400x128xf32>
    %reduce_sum3A_479 = arith.constant dense<0.000000e+00> : vector<400xf32>
    %reduce_sum3A_480 = vector.multi_reduction <add>, %mul3A_478, %reduce_sum3A_479 [1] : vector<400x128xf32> to vector<400xf32>
    %broadcast_in_dim3A_481 = vector.shape_cast %reduce_sum3A_480 : vector<400xf32> to vector<400x1xf32>
    %div3A_482 = arith.constant 1.280000e+02 : f32
    %div3A_483 = vector.broadcast %div3A_482 : f32 to vector<400x1xf32>
    %div3A_484 = arith.divf %broadcast_in_dim3A_481, %div3A_483 : vector<400x1xf32>
    %add3A_485 = arith.constant 9.99999974E-6 : f32
    %add3A_486 = vector.broadcast %add3A_485 : f32 to vector<400x1xf32>
    %add3A_487 = arith.addf %div3A_484, %add3A_486 : vector<400x1xf32>
    %rsqrt3A_488 = math.rsqrt %add3A_487 : vector<400x1xf32>
    %mul3A_489 = vector.broadcast %rsqrt3A_488 : vector<400x1xf32> to vector<400x128xf32>
    %mul3A_490 = vector.broadcast %get3A_24 : vector<1x128xf32> to vector<400x128xf32>
    %mul3A_491 = arith.mulf %mul3A_489, %mul3A_490 : vector<400x128xf32>
    %mul3A_492 = arith.mulf %sub3A_477, %mul3A_491 : vector<400x128xf32>
    %add3A_493 = vector.broadcast %get3A_27 : vector<1x128xf32> to vector<400x128xf32>
    %add3A_494 = arith.addf %mul3A_492, %add3A_493 : vector<400x128xf32>
    %swap3A_495 = arith.constant 9 : index
    %swap3A_496 = arith.constant 0 : index
    %swap3A_497 = arith.constant 0 : index
    %swap3A_498 = vector.load %arg10[%swap3A_495, %swap3A_496, %swap3A_497] : memref<32x400x128xf32, #tpu.memory_space<vmem>>, vector<1x400x128xf32>
    %swap3A_499 = vector.shape_cast %swap3A_498 : vector<1x400x128xf32> to vector<400x128xf32>
    %swap3A_500 = vector.shape_cast %add3A_494 : vector<400x128xf32> to vector<1x400x128xf32>
    tpu.vector_store %arg10[%swap3A_495, %swap3A_496, %swap3A_497], %swap3A_500 {strides = array<i32>} : memref<32x400x128xf32, #tpu.memory_space<vmem>>, vector<1x400x128xf32>,
    %slice3A_501 = vector.extract_strided_slice %dot_general3A_9 {offsets = [0, 1280], sizes = [400, 128], strides = [1, 1]} : vector<400x4096xf32> to vector<400x128xf32>
    %add3A_502 = vector.broadcast %get3A_30 : vector<1x128xf32> to vector<400x128xf32>
    %add3A_503 = arith.addf %slice3A_501, %add3A_502 : vector<400x128xf32>
    %max3A_504 = arith.constant 0.000000e+00 : f32
    %max3A_505 = vector.broadcast %max3A_504 : f32 to vector<400x128xf32>
    %max3A_506 = arith.maximumf %add3A_503, %max3A_505 : vector<400x128xf32>
    %dot_general3A_507 = arith.constant dense<0.000000e+00> : vector<400x128xf32>
    %dot_general3A_508 = tpu.matmul %max3A_506, %get3A_12, %dot_general3A_507 {dimension_numbers = #tpu.dot_dimension_numbers<[1], [0], [0], [1], [0, 0, 1, 1], [], []>, transpose_lhs_hint = false} : vector<400x128xf32>, vector<128x128xf32>, vector<400x128xf32> -> vector<400x128xf32>
    %add3A_509 = vector.broadcast %get3A_18 : vector<1x128xf32> to vector<400x128xf32>
    %add3A_510 = arith.addf %dot_general3A_508, %add3A_509 : vector<400x128xf32>
    %max3A_511 = arith.constant 0.000000e+00 : f32
    %max3A_512 = vector.broadcast %max3A_511 : f32 to vector<400x128xf32>
    %max3A_513 = arith.maximumf %add3A_510, %max3A_512 : vector<400x128xf32>
    %dot_general3A_514 = arith.constant dense<0.000000e+00> : vector<400x128xf32>
    %dot_general3A_515 = tpu.matmul %max3A_513, %get3A_15, %dot_general3A_514 {dimension_numbers = #tpu.dot_dimension_numbers<[1], [0], [0], [1], [0, 0, 1, 1], [], []>, transpose_lhs_hint = false} : vector<400x128xf32>, vector<128x128xf32>, vector<400x128xf32> -> vector<400x128xf32>
    %add3A_516 = vector.broadcast %get3A_21 : vector<1x128xf32> to vector<400x128xf32>
    %add3A_517 = arith.addf %dot_general3A_515, %add3A_516 : vector<400x128xf32>
    %reduce_sum3A_518 = arith.constant dense<0.000000e+00> : vector<400xf32>
    %reduce_sum3A_519 = vector.multi_reduction <add>, %add3A_517, %reduce_sum3A_518 [1] : vector<400x128xf32> to vector<400xf32>
    %broadcast_in_dim3A_520 = vector.shape_cast %reduce_sum3A_519 : vector<400xf32> to vector<400x1xf32>
    %div3A_521 = arith.constant 1.280000e+02 : f32
    %div3A_522 = vector.broadcast %div3A_521 : f32 to vector<400x1xf32>
    %div3A_523 = arith.divf %broadcast_in_dim3A_520, %div3A_522 : vector<400x1xf32>
    %sub3A_524 = vector.broadcast %div3A_523 : vector<400x1xf32> to vector<400x128xf32>
    %sub3A_525 = arith.subf %add3A_517, %sub3A_524 : vector<400x128xf32>
    %mul3A_526 = arith.mulf %sub3A_525, %sub3A_525 : vector<400x128xf32>
    %reduce_sum3A_527 = arith.constant dense<0.000000e+00> : vector<400xf32>
    %reduce_sum3A_528 = vector.multi_reduction <add>, %mul3A_526, %reduce_sum3A_527 [1] : vector<400x128xf32> to vector<400xf32>
    %broadcast_in_dim3A_529 = vector.shape_cast %reduce_sum3A_528 : vector<400xf32> to vector<400x1xf32>
    %div3A_530 = arith.constant 1.280000e+02 : f32
    %div3A_531 = vector.broadcast %div3A_530 : f32 to vector<400x1xf32>
    %div3A_532 = arith.divf %broadcast_in_dim3A_529, %div3A_531 : vector<400x1xf32>
    %add3A_533 = arith.constant 9.99999974E-6 : f32
    %add3A_534 = vector.broadcast %add3A_533 : f32 to vector<400x1xf32>
    %add3A_535 = arith.addf %div3A_532, %add3A_534 : vector<400x1xf32>
    %rsqrt3A_536 = math.rsqrt %add3A_535 : vector<400x1xf32>
    %mul3A_537 = vector.broadcast %rsqrt3A_536 : vector<400x1xf32> to vector<400x128xf32>
    %mul3A_538 = vector.broadcast %get3A_24 : vector<1x128xf32> to vector<400x128xf32>
    %mul3A_539 = arith.mulf %mul3A_537, %mul3A_538 : vector<400x128xf32>
    %mul3A_540 = arith.mulf %sub3A_525, %mul3A_539 : vector<400x128xf32>
    %add3A_541 = vector.broadcast %get3A_27 : vector<1x128xf32> to vector<400x128xf32>
    %add3A_542 = arith.addf %mul3A_540, %add3A_541 : vector<400x128xf32>
    %swap3A_543 = arith.constant 10 : index
    %swap3A_544 = arith.constant 0 : index
    %swap3A_545 = arith.constant 0 : index
    %swap3A_546 = vector.load %arg10[%swap3A_543, %swap3A_544, %swap3A_545] : memref<32x400x128xf32, #tpu.memory_space<vmem>>, vector<1x400x128xf32>
    %swap3A_547 = vector.shape_cast %swap3A_546 : vector<1x400x128xf32> to vector<400x128xf32>
    %swap3A_548 = vector.shape_cast %add3A_542 : vector<400x128xf32> to vector<1x400x128xf32>
    tpu.vector_store %arg10[%swap3A_543, %swap3A_544, %swap3A_545], %swap3A_548 {strides = array<i32>} : memref<32x400x128xf32, #tpu.memory_space<vmem>>, vector<1x400x128xf32>,
    %slice3A_549 = vector.extract_strided_slice %dot_general3A_9 {offsets = [0, 1408], sizes = [400, 128], strides = [1, 1]} : vector<400x4096xf32> to vector<400x128xf32>
    %add3A_550 = vector.broadcast %get3A_30 : vector<1x128xf32> to vector<400x128xf32>
    %add3A_551 = arith.addf %slice3A_549, %add3A_550 : vector<400x128xf32>
    %max3A_552 = arith.constant 0.000000e+00 : f32
    %max3A_553 = vector.broadcast %max3A_552 : f32 to vector<400x128xf32>
    %max3A_554 = arith.maximumf %add3A_551, %max3A_553 : vector<400x128xf32>
    %dot_general3A_555 = arith.constant dense<0.000000e+00> : vector<400x128xf32>
    %dot_general3A_556 = tpu.matmul %max3A_554, %get3A_12, %dot_general3A_555 {dimension_numbers = #tpu.dot_dimension_numbers<[1], [0], [0], [1], [0, 0, 1, 1], [], []>, transpose_lhs_hint = false} : vector<400x128xf32>, vector<128x128xf32>, vector<400x128xf32> -> vector<400x128xf32>
    %add3A_557 = vector.broadcast %get3A_18 : vector<1x128xf32> to vector<400x128xf32>
    %add3A_558 = arith.addf %dot_general3A_556, %add3A_557 : vector<400x128xf32>
    %max3A_559 = arith.constant 0.000000e+00 : f32
    %max3A_560 = vector.broadcast %max3A_559 : f32 to vector<400x128xf32>
    %max3A_561 = arith.maximumf %add3A_558, %max3A_560 : vector<400x128xf32>
    %dot_general3A_562 = arith.constant dense<0.000000e+00> : vector<400x128xf32>
    %dot_general3A_563 = tpu.matmul %max3A_561, %get3A_15, %dot_general3A_562 {dimension_numbers = #tpu.dot_dimension_numbers<[1], [0], [0], [1], [0, 0, 1, 1], [], []>, transpose_lhs_hint = false} : vector<400x128xf32>, vector<128x128xf32>, vector<400x128xf32> -> vector<400x128xf32>
    %add3A_564 = vector.broadcast %get3A_21 : vector<1x128xf32> to vector<400x128xf32>
    %add3A_565 = arith.addf %dot_general3A_563, %add3A_564 : vector<400x128xf32>
    %reduce_sum3A_566 = arith.constant dense<0.000000e+00> : vector<400xf32>
    %reduce_sum3A_567 = vector.multi_reduction <add>, %add3A_565, %reduce_sum3A_566 [1] : vector<400x128xf32> to vector<400xf32>
    %broadcast_in_dim3A_568 = vector.shape_cast %reduce_sum3A_567 : vector<400xf32> to vector<400x1xf32>
    %div3A_569 = arith.constant 1.280000e+02 : f32
    %div3A_570 = vector.broadcast %div3A_569 : f32 to vector<400x1xf32>
    %div3A_571 = arith.divf %broadcast_in_dim3A_568, %div3A_570 : vector<400x1xf32>
    %sub3A_572 = vector.broadcast %div3A_571 : vector<400x1xf32> to vector<400x128xf32>
    %sub3A_573 = arith.subf %add3A_565, %sub3A_572 : vector<400x128xf32>
    %mul3A_574 = arith.mulf %sub3A_573, %sub3A_573 : vector<400x128xf32>
    %reduce_sum3A_575 = arith.constant dense<0.000000e+00> : vector<400xf32>
    %reduce_sum3A_576 = vector.multi_reduction <add>, %mul3A_574, %reduce_sum3A_575 [1] : vector<400x128xf32> to vector<400xf32>
    %broadcast_in_dim3A_577 = vector.shape_cast %reduce_sum3A_576 : vector<400xf32> to vector<400x1xf32>
    %div3A_578 = arith.constant 1.280000e+02 : f32
    %div3A_579 = vector.broadcast %div3A_578 : f32 to vector<400x1xf32>
    %div3A_580 = arith.divf %broadcast_in_dim3A_577, %div3A_579 : vector<400x1xf32>
    %add3A_581 = arith.constant 9.99999974E-6 : f32
    %add3A_582 = vector.broadcast %add3A_581 : f32 to vector<400x1xf32>
    %add3A_583 = arith.addf %div3A_580, %add3A_582 : vector<400x1xf32>
    %rsqrt3A_584 = math.rsqrt %add3A_583 : vector<400x1xf32>
    %mul3A_585 = vector.broadcast %rsqrt3A_584 : vector<400x1xf32> to vector<400x128xf32>
    %mul3A_586 = vector.broadcast %get3A_24 : vector<1x128xf32> to vector<400x128xf32>
    %mul3A_587 = arith.mulf %mul3A_585, %mul3A_586 : vector<400x128xf32>
    %mul3A_588 = arith.mulf %sub3A_573, %mul3A_587 : vector<400x128xf32>
    %add3A_589 = vector.broadcast %get3A_27 : vector<1x128xf32> to vector<400x128xf32>
    %add3A_590 = arith.addf %mul3A_588, %add3A_589 : vector<400x128xf32>
    %swap3A_591 = arith.constant 11 : index
    %swap3A_592 = arith.constant 0 : index
    %swap3A_593 = arith.constant 0 : index
    %swap3A_594 = vector.load %arg10[%swap3A_591, %swap3A_592, %swap3A_593] : memref<32x400x128xf32, #tpu.memory_space<vmem>>, vector<1x400x128xf32>
    %swap3A_595 = vector.shape_cast %swap3A_594 : vector<1x400x128xf32> to vector<400x128xf32>
    %swap3A_596 = vector.shape_cast %add3A_590 : vector<400x128xf32> to vector<1x400x128xf32>
    tpu.vector_store %arg10[%swap3A_591, %swap3A_592, %swap3A_593], %swap3A_596 {strides = array<i32>} : memref<32x400x128xf32, #tpu.memory_space<vmem>>, vector<1x400x128xf32>,
    %slice3A_597 = vector.extract_strided_slice %dot_general3A_9 {offsets = [0, 1536], sizes = [400, 128], strides = [1, 1]} : vector<400x4096xf32> to vector<400x128xf32>
    %add3A_598 = vector.broadcast %get3A_30 : vector<1x128xf32> to vector<400x128xf32>
    %add3A_599 = arith.addf %slice3A_597, %add3A_598 : vector<400x128xf32>
    %max3A_600 = arith.constant 0.000000e+00 : f32
    %max3A_601 = vector.broadcast %max3A_600 : f32 to vector<400x128xf32>
    %max3A_602 = arith.maximumf %add3A_599, %max3A_601 : vector<400x128xf32>
    %dot_general3A_603 = arith.constant dense<0.000000e+00> : vector<400x128xf32>
    %dot_general3A_604 = tpu.matmul %max3A_602, %get3A_12, %dot_general3A_603 {dimension_numbers = #tpu.dot_dimension_numbers<[1], [0], [0], [1], [0, 0, 1, 1], [], []>, transpose_lhs_hint = false} : vector<400x128xf32>, vector<128x128xf32>, vector<400x128xf32> -> vector<400x128xf32>
    %add3A_605 = vector.broadcast %get3A_18 : vector<1x128xf32> to vector<400x128xf32>
    %add3A_606 = arith.addf %dot_general3A_604, %add3A_605 : vector<400x128xf32>
    %max3A_607 = arith.constant 0.000000e+00 : f32
    %max3A_608 = vector.broadcast %max3A_607 : f32 to vector<400x128xf32>
    %max3A_609 = arith.maximumf %add3A_606, %max3A_608 : vector<400x128xf32>
    %dot_general3A_610 = arith.constant dense<0.000000e+00> : vector<400x128xf32>
    %dot_general3A_611 = tpu.matmul %max3A_609, %get3A_15, %dot_general3A_610 {dimension_numbers = #tpu.dot_dimension_numbers<[1], [0], [0], [1], [0, 0, 1, 1], [], []>, transpose_lhs_hint = false} : vector<400x128xf32>, vector<128x128xf32>, vector<400x128xf32> -> vector<400x128xf32>
    %add3A_612 = vector.broadcast %get3A_21 : vector<1x128xf32> to vector<400x128xf32>
    %add3A_613 = arith.addf %dot_general3A_611, %add3A_612 : vector<400x128xf32>
    %reduce_sum3A_614 = arith.constant dense<0.000000e+00> : vector<400xf32>
    %reduce_sum3A_615 = vector.multi_reduction <add>, %add3A_613, %reduce_sum3A_614 [1] : vector<400x128xf32> to vector<400xf32>
    %broadcast_in_dim3A_616 = vector.shape_cast %reduce_sum3A_615 : vector<400xf32> to vector<400x1xf32>
    %div3A_617 = arith.constant 1.280000e+02 : f32
    %div3A_618 = vector.broadcast %div3A_617 : f32 to vector<400x1xf32>
    %div3A_619 = arith.divf %broadcast_in_dim3A_616, %div3A_618 : vector<400x1xf32>
    %sub3A_620 = vector.broadcast %div3A_619 : vector<400x1xf32> to vector<400x128xf32>
    %sub3A_621 = arith.subf %add3A_613, %sub3A_620 : vector<400x128xf32>
    %mul3A_622 = arith.mulf %sub3A_621, %sub3A_621 : vector<400x128xf32>
    %reduce_sum3A_623 = arith.constant dense<0.000000e+00> : vector<400xf32>
    %reduce_sum3A_624 = vector.multi_reduction <add>, %mul3A_622, %reduce_sum3A_623 [1] : vector<400x128xf32> to vector<400xf32>
    %broadcast_in_dim3A_625 = vector.shape_cast %reduce_sum3A_624 : vector<400xf32> to vector<400x1xf32>
    %div3A_626 = arith.constant 1.280000e+02 : f32
    %div3A_627 = vector.broadcast %div3A_626 : f32 to vector<400x1xf32>
    %div3A_628 = arith.divf %broadcast_in_dim3A_625, %div3A_627 : vector<400x1xf32>
    %add3A_629 = arith.constant 9.99999974E-6 : f32
    %add3A_630 = vector.broadcast %add3A_629 : f32 to vector<400x1xf32>
    %add3A_631 = arith.addf %div3A_628, %add3A_630 : vector<400x1xf32>
    %rsqrt3A_632 = math.rsqrt %add3A_631 : vector<400x1xf32>
    %mul3A_633 = vector.broadcast %rsqrt3A_632 : vector<400x1xf32> to vector<400x128xf32>
    %mul3A_634 = vector.broadcast %get3A_24 : vector<1x128xf32> to vector<400x128xf32>
    %mul3A_635 = arith.mulf %mul3A_633, %mul3A_634 : vector<400x128xf32>
    %mul3A_636 = arith.mulf %sub3A_621, %mul3A_635 : vector<400x128xf32>
    %add3A_637 = vector.broadcast %get3A_27 : vector<1x128xf32> to vector<400x128xf32>
    %add3A_638 = arith.addf %mul3A_636, %add3A_637 : vector<400x128xf32>
    %swap3A_639 = arith.constant 12 : index
    %swap3A_640 = arith.constant 0 : index
    %swap3A_641 = arith.constant 0 : index
    %swap3A_642 = vector.load %arg10[%swap3A_639, %swap3A_640, %swap3A_641] : memref<32x400x128xf32, #tpu.memory_space<vmem>>, vector<1x400x128xf32>
    %swap3A_643 = vector.shape_cast %swap3A_642 : vector<1x400x128xf32> to vector<400x128xf32>
    %swap3A_644 = vector.shape_cast %add3A_638 : vector<400x128xf32> to vector<1x400x128xf32>
    tpu.vector_store %arg10[%swap3A_639, %swap3A_640, %swap3A_641], %swap3A_644 {strides = array<i32>} : memref<32x400x128xf32, #tpu.memory_space<vmem>>, vector<1x400x128xf32>,
    %slice3A_645 = vector.extract_strided_slice %dot_general3A_9 {offsets = [0, 1664], sizes = [400, 128], strides = [1, 1]} : vector<400x4096xf32> to vector<400x128xf32>
    %add3A_646 = vector.broadcast %get3A_30 : vector<1x128xf32> to vector<400x128xf32>
    %add3A_647 = arith.addf %slice3A_645, %add3A_646 : vector<400x128xf32>
    %max3A_648 = arith.constant 0.000000e+00 : f32
    %max3A_649 = vector.broadcast %max3A_648 : f32 to vector<400x128xf32>
    %max3A_650 = arith.maximumf %add3A_647, %max3A_649 : vector<400x128xf32>
    %dot_general3A_651 = arith.constant dense<0.000000e+00> : vector<400x128xf32>
    %dot_general3A_652 = tpu.matmul %max3A_650, %get3A_12, %dot_general3A_651 {dimension_numbers = #tpu.dot_dimension_numbers<[1], [0], [0], [1], [0, 0, 1, 1], [], []>, transpose_lhs_hint = false} : vector<400x128xf32>, vector<128x128xf32>, vector<400x128xf32> -> vector<400x128xf32>
    %add3A_653 = vector.broadcast %get3A_18 : vector<1x128xf32> to vector<400x128xf32>
    %add3A_654 = arith.addf %dot_general3A_652, %add3A_653 : vector<400x128xf32>
    %max3A_655 = arith.constant 0.000000e+00 : f32
    %max3A_656 = vector.broadcast %max3A_655 : f32 to vector<400x128xf32>
    %max3A_657 = arith.maximumf %add3A_654, %max3A_656 : vector<400x128xf32>
    %dot_general3A_658 = arith.constant dense<0.000000e+00> : vector<400x128xf32>
    %dot_general3A_659 = tpu.matmul %max3A_657, %get3A_15, %dot_general3A_658 {dimension_numbers = #tpu.dot_dimension_numbers<[1], [0], [0], [1], [0, 0, 1, 1], [], []>, transpose_lhs_hint = false} : vector<400x128xf32>, vector<128x128xf32>, vector<400x128xf32> -> vector<400x128xf32>
    %add3A_660 = vector.broadcast %get3A_21 : vector<1x128xf32> to vector<400x128xf32>
    %add3A_661 = arith.addf %dot_general3A_659, %add3A_660 : vector<400x128xf32>
    %reduce_sum3A_662 = arith.constant dense<0.000000e+00> : vector<400xf32>
    %reduce_sum3A_663 = vector.multi_reduction <add>, %add3A_661, %reduce_sum3A_662 [1] : vector<400x128xf32> to vector<400xf32>
    %broadcast_in_dim3A_664 = vector.shape_cast %reduce_sum3A_663 : vector<400xf32> to vector<400x1xf32>
    %div3A_665 = arith.constant 1.280000e+02 : f32
    %div3A_666 = vector.broadcast %div3A_665 : f32 to vector<400x1xf32>
    %div3A_667 = arith.divf %broadcast_in_dim3A_664, %div3A_666 : vector<400x1xf32>
    %sub3A_668 = vector.broadcast %div3A_667 : vector<400x1xf32> to vector<400x128xf32>
    %sub3A_669 = arith.subf %add3A_661, %sub3A_668 : vector<400x128xf32>
    %mul3A_670 = arith.mulf %sub3A_669, %sub3A_669 : vector<400x128xf32>
    %reduce_sum3A_671 = arith.constant dense<0.000000e+00> : vector<400xf32>
    %reduce_sum3A_672 = vector.multi_reduction <add>, %mul3A_670, %reduce_sum3A_671 [1] : vector<400x128xf32> to vector<400xf32>
    %broadcast_in_dim3A_673 = vector.shape_cast %reduce_sum3A_672 : vector<400xf32> to vector<400x1xf32>
    %div3A_674 = arith.constant 1.280000e+02 : f32
    %div3A_675 = vector.broadcast %div3A_674 : f32 to vector<400x1xf32>
    %div3A_676 = arith.divf %broadcast_in_dim3A_673, %div3A_675 : vector<400x1xf32>
    %add3A_677 = arith.constant 9.99999974E-6 : f32
    %add3A_678 = vector.broadcast %add3A_677 : f32 to vector<400x1xf32>
    %add3A_679 = arith.addf %div3A_676, %add3A_678 : vector<400x1xf32>
    %rsqrt3A_680 = math.rsqrt %add3A_679 : vector<400x1xf32>
    %mul3A_681 = vector.broadcast %rsqrt3A_680 : vector<400x1xf32> to vector<400x128xf32>
    %mul3A_682 = vector.broadcast %get3A_24 : vector<1x128xf32> to vector<400x128xf32>
    %mul3A_683 = arith.mulf %mul3A_681, %mul3A_682 : vector<400x128xf32>
    %mul3A_684 = arith.mulf %sub3A_669, %mul3A_683 : vector<400x128xf32>
    %add3A_685 = vector.broadcast %get3A_27 : vector<1x128xf32> to vector<400x128xf32>
    %add3A_686 = arith.addf %mul3A_684, %add3A_685 : vector<400x128xf32>
    %swap3A_687 = arith.constant 13 : index
    %swap3A_688 = arith.constant 0 : index
    %swap3A_689 = arith.constant 0 : index
    %swap3A_690 = vector.load %arg10[%swap3A_687, %swap3A_688, %swap3A_689] : memref<32x400x128xf32, #tpu.memory_space<vmem>>, vector<1x400x128xf32>
    %swap3A_691 = vector.shape_cast %swap3A_690 : vector<1x400x128xf32> to vector<400x128xf32>
    %swap3A_692 = vector.shape_cast %add3A_686 : vector<400x128xf32> to vector<1x400x128xf32>
    tpu.vector_store %arg10[%swap3A_687, %swap3A_688, %swap3A_689], %swap3A_692 {strides = array<i32>} : memref<32x400x128xf32, #tpu.memory_space<vmem>>, vector<1x400x128xf32>,
    %slice3A_693 = vector.extract_strided_slice %dot_general3A_9 {offsets = [0, 1792], sizes = [400, 128], strides = [1, 1]} : vector<400x4096xf32> to vector<400x128xf32>
    %add3A_694 = vector.broadcast %get3A_30 : vector<1x128xf32> to vector<400x128xf32>
    %add3A_695 = arith.addf %slice3A_693, %add3A_694 : vector<400x128xf32>
    %max3A_696 = arith.constant 0.000000e+00 : f32
    %max3A_697 = vector.broadcast %max3A_696 : f32 to vector<400x128xf32>
    %max3A_698 = arith.maximumf %add3A_695, %max3A_697 : vector<400x128xf32>
    %dot_general3A_699 = arith.constant dense<0.000000e+00> : vector<400x128xf32>
    %dot_general3A_700 = tpu.matmul %max3A_698, %get3A_12, %dot_general3A_699 {dimension_numbers = #tpu.dot_dimension_numbers<[1], [0], [0], [1], [0, 0, 1, 1], [], []>, transpose_lhs_hint = false} : vector<400x128xf32>, vector<128x128xf32>, vector<400x128xf32> -> vector<400x128xf32>
    %add3A_701 = vector.broadcast %get3A_18 : vector<1x128xf32> to vector<400x128xf32>
    %add3A_702 = arith.addf %dot_general3A_700, %add3A_701 : vector<400x128xf32>
    %max3A_703 = arith.constant 0.000000e+00 : f32
    %max3A_704 = vector.broadcast %max3A_703 : f32 to vector<400x128xf32>
    %max3A_705 = arith.maximumf %add3A_702, %max3A_704 : vector<400x128xf32>
    %dot_general3A_706 = arith.constant dense<0.000000e+00> : vector<400x128xf32>
    %dot_general3A_707 = tpu.matmul %max3A_705, %get3A_15, %dot_general3A_706 {dimension_numbers = #tpu.dot_dimension_numbers<[1], [0], [0], [1], [0, 0, 1, 1], [], []>, transpose_lhs_hint = false} : vector<400x128xf32>, vector<128x128xf32>, vector<400x128xf32> -> vector<400x128xf32>
    %add3A_708 = vector.broadcast %get3A_21 : vector<1x128xf32> to vector<400x128xf32>
    %add3A_709 = arith.addf %dot_general3A_707, %add3A_708 : vector<400x128xf32>
    %reduce_sum3A_710 = arith.constant dense<0.000000e+00> : vector<400xf32>
    %reduce_sum3A_711 = vector.multi_reduction <add>, %add3A_709, %reduce_sum3A_710 [1] : vector<400x128xf32> to vector<400xf32>
    %broadcast_in_dim3A_712 = vector.shape_cast %reduce_sum3A_711 : vector<400xf32> to vector<400x1xf32>
    %div3A_713 = arith.constant 1.280000e+02 : f32
    %div3A_714 = vector.broadcast %div3A_713 : f32 to vector<400x1xf32>
    %div3A_715 = arith.divf %broadcast_in_dim3A_712, %div3A_714 : vector<400x1xf32>
    %sub3A_716 = vector.broadcast %div3A_715 : vector<400x1xf32> to vector<400x128xf32>
    %sub3A_717 = arith.subf %add3A_709, %sub3A_716 : vector<400x128xf32>
    %mul3A_718 = arith.mulf %sub3A_717, %sub3A_717 : vector<400x128xf32>
    %reduce_sum3A_719 = arith.constant dense<0.000000e+00> : vector<400xf32>
    %reduce_sum3A_720 = vector.multi_reduction <add>, %mul3A_718, %reduce_sum3A_719 [1] : vector<400x128xf32> to vector<400xf32>
    %broadcast_in_dim3A_721 = vector.shape_cast %reduce_sum3A_720 : vector<400xf32> to vector<400x1xf32>
    %div3A_722 = arith.constant 1.280000e+02 : f32
    %div3A_723 = vector.broadcast %div3A_722 : f32 to vector<400x1xf32>
    %div3A_724 = arith.divf %broadcast_in_dim3A_721, %div3A_723 : vector<400x1xf32>
    %add3A_725 = arith.constant 9.99999974E-6 : f32
    %add3A_726 = vector.broadcast %add3A_725 : f32 to vector<400x1xf32>
    %add3A_727 = arith.addf %div3A_724, %add3A_726 : vector<400x1xf32>
    %rsqrt3A_728 = math.rsqrt %add3A_727 : vector<400x1xf32>
    %mul3A_729 = vector.broadcast %rsqrt3A_728 : vector<400x1xf32> to vector<400x128xf32>
    %mul3A_730 = vector.broadcast %get3A_24 : vector<1x128xf32> to vector<400x128xf32>
    %mul3A_731 = arith.mulf %mul3A_729, %mul3A_730 : vector<400x128xf32>
    %mul3A_732 = arith.mulf %sub3A_717, %mul3A_731 : vector<400x128xf32>
    %add3A_733 = vector.broadcast %get3A_27 : vector<1x128xf32> to vector<400x128xf32>
    %add3A_734 = arith.addf %mul3A_732, %add3A_733 : vector<400x128xf32>
    %swap3A_735 = arith.constant 14 : index
    %swap3A_736 = arith.constant 0 : index
    %swap3A_737 = arith.constant 0 : index
    %swap3A_738 = vector.load %arg10[%swap3A_735, %swap3A_736, %swap3A_737] : memref<32x400x128xf32, #tpu.memory_space<vmem>>, vector<1x400x128xf32>
    %swap3A_739 = vector.shape_cast %swap3A_738 : vector<1x400x128xf32> to vector<400x128xf32>
    %swap3A_740 = vector.shape_cast %add3A_734 : vector<400x128xf32> to vector<1x400x128xf32>
    tpu.vector_store %arg10[%swap3A_735, %swap3A_736, %swap3A_737], %swap3A_740 {strides = array<i32>} : memref<32x400x128xf32, #tpu.memory_space<vmem>>, vector<1x400x128xf32>,
    %slice3A_741 = vector.extract_strided_slice %dot_general3A_9 {offsets = [0, 1920], sizes = [400, 128], strides = [1, 1]} : vector<400x4096xf32> to vector<400x128xf32>
    %add3A_742 = vector.broadcast %get3A_30 : vector<1x128xf32> to vector<400x128xf32>
    %add3A_743 = arith.addf %slice3A_741, %add3A_742 : vector<400x128xf32>
    %max3A_744 = arith.constant 0.000000e+00 : f32
    %max3A_745 = vector.broadcast %max3A_744 : f32 to vector<400x128xf32>
    %max3A_746 = arith.maximumf %add3A_743, %max3A_745 : vector<400x128xf32>
    %dot_general3A_747 = arith.constant dense<0.000000e+00> : vector<400x128xf32>
    %dot_general3A_748 = tpu.matmul %max3A_746, %get3A_12, %dot_general3A_747 {dimension_numbers = #tpu.dot_dimension_numbers<[1], [0], [0], [1], [0, 0, 1, 1], [], []>, transpose_lhs_hint = false} : vector<400x128xf32>, vector<128x128xf32>, vector<400x128xf32> -> vector<400x128xf32>
    %add3A_749 = vector.broadcast %get3A_18 : vector<1x128xf32> to vector<400x128xf32>
    %add3A_750 = arith.addf %dot_general3A_748, %add3A_749 : vector<400x128xf32>
    %max3A_751 = arith.constant 0.000000e+00 : f32
    %max3A_752 = vector.broadcast %max3A_751 : f32 to vector<400x128xf32>
    %max3A_753 = arith.maximumf %add3A_750, %max3A_752 : vector<400x128xf32>
    %dot_general3A_754 = arith.constant dense<0.000000e+00> : vector<400x128xf32>
    %dot_general3A_755 = tpu.matmul %max3A_753, %get3A_15, %dot_general3A_754 {dimension_numbers = #tpu.dot_dimension_numbers<[1], [0], [0], [1], [0, 0, 1, 1], [], []>, transpose_lhs_hint = false} : vector<400x128xf32>, vector<128x128xf32>, vector<400x128xf32> -> vector<400x128xf32>
    %add3A_756 = vector.broadcast %get3A_21 : vector<1x128xf32> to vector<400x128xf32>
    %add3A_757 = arith.addf %dot_general3A_755, %add3A_756 : vector<400x128xf32>
    %reduce_sum3A_758 = arith.constant dense<0.000000e+00> : vector<400xf32>
    %reduce_sum3A_759 = vector.multi_reduction <add>, %add3A_757, %reduce_sum3A_758 [1] : vector<400x128xf32> to vector<400xf32>
    %broadcast_in_dim3A_760 = vector.shape_cast %reduce_sum3A_759 : vector<400xf32> to vector<400x1xf32>
    %div3A_761 = arith.constant 1.280000e+02 : f32
    %div3A_762 = vector.broadcast %div3A_761 : f32 to vector<400x1xf32>
    %div3A_763 = arith.divf %broadcast_in_dim3A_760, %div3A_762 : vector<400x1xf32>
    %sub3A_764 = vector.broadcast %div3A_763 : vector<400x1xf32> to vector<400x128xf32>
    %sub3A_765 = arith.subf %add3A_757, %sub3A_764 : vector<400x128xf32>
    %mul3A_766 = arith.mulf %sub3A_765, %sub3A_765 : vector<400x128xf32>
    %reduce_sum3A_767 = arith.constant dense<0.000000e+00> : vector<400xf32>
    %reduce_sum3A_768 = vector.multi_reduction <add>, %mul3A_766, %reduce_sum3A_767 [1] : vector<400x128xf32> to vector<400xf32>
    %broadcast_in_dim3A_769 = vector.shape_cast %reduce_sum3A_768 : vector<400xf32> to vector<400x1xf32>
    %div3A_770 = arith.constant 1.280000e+02 : f32
    %div3A_771 = vector.broadcast %div3A_770 : f32 to vector<400x1xf32>
    %div3A_772 = arith.divf %broadcast_in_dim3A_769, %div3A_771 : vector<400x1xf32>
    %add3A_773 = arith.constant 9.99999974E-6 : f32
    %add3A_774 = vector.broadcast %add3A_773 : f32 to vector<400x1xf32>
    %add3A_775 = arith.addf %div3A_772, %add3A_774 : vector<400x1xf32>
    %rsqrt3A_776 = math.rsqrt %add3A_775 : vector<400x1xf32>
    %mul3A_777 = vector.broadcast %rsqrt3A_776 : vector<400x1xf32> to vector<400x128xf32>
    %mul3A_778 = vector.broadcast %get3A_24 : vector<1x128xf32> to vector<400x128xf32>
    %mul3A_779 = arith.mulf %mul3A_777, %mul3A_778 : vector<400x128xf32>
    %mul3A_780 = arith.mulf %sub3A_765, %mul3A_779 : vector<400x128xf32>
    %add3A_781 = vector.broadcast %get3A_27 : vector<1x128xf32> to vector<400x128xf32>
    %add3A_782 = arith.addf %mul3A_780, %add3A_781 : vector<400x128xf32>
    %swap3A_783 = arith.constant 15 : index
    %swap3A_784 = arith.constant 0 : index
    %swap3A_785 = arith.constant 0 : index
    %swap3A_786 = vector.load %arg10[%swap3A_783, %swap3A_784, %swap3A_785] : memref<32x400x128xf32, #tpu.memory_space<vmem>>, vector<1x400x128xf32>
    %swap3A_787 = vector.shape_cast %swap3A_786 : vector<1x400x128xf32> to vector<400x128xf32>
    %swap3A_788 = vector.shape_cast %add3A_782 : vector<400x128xf32> to vector<1x400x128xf32>
    tpu.vector_store %arg10[%swap3A_783, %swap3A_784, %swap3A_785], %swap3A_788 {strides = array<i32>} : memref<32x400x128xf32, #tpu.memory_space<vmem>>, vector<1x400x128xf32>,
    %slice3A_789 = vector.extract_strided_slice %dot_general3A_9 {offsets = [0, 2048], sizes = [400, 128], strides = [1, 1]} : vector<400x4096xf32> to vector<400x128xf32>
    %add3A_790 = vector.broadcast %get3A_30 : vector<1x128xf32> to vector<400x128xf32>
    %add3A_791 = arith.addf %slice3A_789, %add3A_790 : vector<400x128xf32>
    %max3A_792 = arith.constant 0.000000e+00 : f32
    %max3A_793 = vector.broadcast %max3A_792 : f32 to vector<400x128xf32>
    %max3A_794 = arith.maximumf %add3A_791, %max3A_793 : vector<400x128xf32>
    %dot_general3A_795 = arith.constant dense<0.000000e+00> : vector<400x128xf32>
    %dot_general3A_796 = tpu.matmul %max3A_794, %get3A_12, %dot_general3A_795 {dimension_numbers = #tpu.dot_dimension_numbers<[1], [0], [0], [1], [0, 0, 1, 1], [], []>, transpose_lhs_hint = false} : vector<400x128xf32>, vector<128x128xf32>, vector<400x128xf32> -> vector<400x128xf32>
    %add3A_797 = vector.broadcast %get3A_18 : vector<1x128xf32> to vector<400x128xf32>
    %add3A_798 = arith.addf %dot_general3A_796, %add3A_797 : vector<400x128xf32>
    %max3A_799 = arith.constant 0.000000e+00 : f32
    %max3A_800 = vector.broadcast %max3A_799 : f32 to vector<400x128xf32>
    %max3A_801 = arith.maximumf %add3A_798, %max3A_800 : vector<400x128xf32>
    %dot_general3A_802 = arith.constant dense<0.000000e+00> : vector<400x128xf32>
    %dot_general3A_803 = tpu.matmul %max3A_801, %get3A_15, %dot_general3A_802 {dimension_numbers = #tpu.dot_dimension_numbers<[1], [0], [0], [1], [0, 0, 1, 1], [], []>, transpose_lhs_hint = false} : vector<400x128xf32>, vector<128x128xf32>, vector<400x128xf32> -> vector<400x128xf32>
    %add3A_804 = vector.broadcast %get3A_21 : vector<1x128xf32> to vector<400x128xf32>
    %add3A_805 = arith.addf %dot_general3A_803, %add3A_804 : vector<400x128xf32>
    %reduce_sum3A_806 = arith.constant dense<0.000000e+00> : vector<400xf32>
    %reduce_sum3A_807 = vector.multi_reduction <add>, %add3A_805, %reduce_sum3A_806 [1] : vector<400x128xf32> to vector<400xf32>
    %broadcast_in_dim3A_808 = vector.shape_cast %reduce_sum3A_807 : vector<400xf32> to vector<400x1xf32>
    %div3A_809 = arith.constant 1.280000e+02 : f32
    %div3A_810 = vector.broadcast %div3A_809 : f32 to vector<400x1xf32>
    %div3A_811 = arith.divf %broadcast_in_dim3A_808, %div3A_810 : vector<400x1xf32>
    %sub3A_812 = vector.broadcast %div3A_811 : vector<400x1xf32> to vector<400x128xf32>
    %sub3A_813 = arith.subf %add3A_805, %sub3A_812 : vector<400x128xf32>
    %mul3A_814 = arith.mulf %sub3A_813, %sub3A_813 : vector<400x128xf32>
    %reduce_sum3A_815 = arith.constant dense<0.000000e+00> : vector<400xf32>
    %reduce_sum3A_816 = vector.multi_reduction <add>, %mul3A_814, %reduce_sum3A_815 [1] : vector<400x128xf32> to vector<400xf32>
    %broadcast_in_dim3A_817 = vector.shape_cast %reduce_sum3A_816 : vector<400xf32> to vector<400x1xf32>
    %div3A_818 = arith.constant 1.280000e+02 : f32
    %div3A_819 = vector.broadcast %div3A_818 : f32 to vector<400x1xf32>
    %div3A_820 = arith.divf %broadcast_in_dim3A_817, %div3A_819 : vector<400x1xf32>
    %add3A_821 = arith.constant 9.99999974E-6 : f32
    %add3A_822 = vector.broadcast %add3A_821 : f32 to vector<400x1xf32>
    %add3A_823 = arith.addf %div3A_820, %add3A_822 : vector<400x1xf32>
    %rsqrt3A_824 = math.rsqrt %add3A_823 : vector<400x1xf32>
    %mul3A_825 = vector.broadcast %rsqrt3A_824 : vector<400x1xf32> to vector<400x128xf32>
    %mul3A_826 = vector.broadcast %get3A_24 : vector<1x128xf32> to vector<400x128xf32>
    %mul3A_827 = arith.mulf %mul3A_825, %mul3A_826 : vector<400x128xf32>
    %mul3A_828 = arith.mulf %sub3A_813, %mul3A_827 : vector<400x128xf32>
    %add3A_829 = vector.broadcast %get3A_27 : vector<1x128xf32> to vector<400x128xf32>
    %add3A_830 = arith.addf %mul3A_828, %add3A_829 : vector<400x128xf32>
    %swap3A_831 = arith.constant 16 : index
    %swap3A_832 = arith.constant 0 : index
    %swap3A_833 = arith.constant 0 : index
    %swap3A_834 = vector.load %arg10[%swap3A_831, %swap3A_832, %swap3A_833] : memref<32x400x128xf32, #tpu.memory_space<vmem>>, vector<1x400x128xf32>
    %swap3A_835 = vector.shape_cast %swap3A_834 : vector<1x400x128xf32> to vector<400x128xf32>
    %swap3A_836 = vector.shape_cast %add3A_830 : vector<400x128xf32> to vector<1x400x128xf32>
    tpu.vector_store %arg10[%swap3A_831, %swap3A_832, %swap3A_833], %swap3A_836 {strides = array<i32>} : memref<32x400x128xf32, #tpu.memory_space<vmem>>, vector<1x400x128xf32>,
    %slice3A_837 = vector.extract_strided_slice %dot_general3A_9 {offsets = [0, 2176], sizes = [400, 128], strides = [1, 1]} : vector<400x4096xf32> to vector<400x128xf32>
    %add3A_838 = vector.broadcast %get3A_30 : vector<1x128xf32> to vector<400x128xf32>
    %add3A_839 = arith.addf %slice3A_837, %add3A_838 : vector<400x128xf32>
    %max3A_840 = arith.constant 0.000000e+00 : f32
    %max3A_841 = vector.broadcast %max3A_840 : f32 to vector<400x128xf32>
    %max3A_842 = arith.maximumf %add3A_839, %max3A_841 : vector<400x128xf32>
    %dot_general3A_843 = arith.constant dense<0.000000e+00> : vector<400x128xf32>
    %dot_general3A_844 = tpu.matmul %max3A_842, %get3A_12, %dot_general3A_843 {dimension_numbers = #tpu.dot_dimension_numbers<[1], [0], [0], [1], [0, 0, 1, 1], [], []>, transpose_lhs_hint = false} : vector<400x128xf32>, vector<128x128xf32>, vector<400x128xf32> -> vector<400x128xf32>
    %add3A_845 = vector.broadcast %get3A_18 : vector<1x128xf32> to vector<400x128xf32>
    %add3A_846 = arith.addf %dot_general3A_844, %add3A_845 : vector<400x128xf32>
    %max3A_847 = arith.constant 0.000000e+00 : f32
    %max3A_848 = vector.broadcast %max3A_847 : f32 to vector<400x128xf32>
    %max3A_849 = arith.maximumf %add3A_846, %max3A_848 : vector<400x128xf32>
    %dot_general3A_850 = arith.constant dense<0.000000e+00> : vector<400x128xf32>
    %dot_general3A_851 = tpu.matmul %max3A_849, %get3A_15, %dot_general3A_850 {dimension_numbers = #tpu.dot_dimension_numbers<[1], [0], [0], [1], [0, 0, 1, 1], [], []>, transpose_lhs_hint = false} : vector<400x128xf32>, vector<128x128xf32>, vector<400x128xf32> -> vector<400x128xf32>
    %add3A_852 = vector.broadcast %get3A_21 : vector<1x128xf32> to vector<400x128xf32>
    %add3A_853 = arith.addf %dot_general3A_851, %add3A_852 : vector<400x128xf32>
    %reduce_sum3A_854 = arith.constant dense<0.000000e+00> : vector<400xf32>
    %reduce_sum3A_855 = vector.multi_reduction <add>, %add3A_853, %reduce_sum3A_854 [1] : vector<400x128xf32> to vector<400xf32>
    %broadcast_in_dim3A_856 = vector.shape_cast %reduce_sum3A_855 : vector<400xf32> to vector<400x1xf32>
    %div3A_857 = arith.constant 1.280000e+02 : f32
    %div3A_858 = vector.broadcast %div3A_857 : f32 to vector<400x1xf32>
    %div3A_859 = arith.divf %broadcast_in_dim3A_856, %div3A_858 : vector<400x1xf32>
    %sub3A_860 = vector.broadcast %div3A_859 : vector<400x1xf32> to vector<400x128xf32>
    %sub3A_861 = arith.subf %add3A_853, %sub3A_860 : vector<400x128xf32>
    %mul3A_862 = arith.mulf %sub3A_861, %sub3A_861 : vector<400x128xf32>
    %reduce_sum3A_863 = arith.constant dense<0.000000e+00> : vector<400xf32>
    %reduce_sum3A_864 = vector.multi_reduction <add>, %mul3A_862, %reduce_sum3A_863 [1] : vector<400x128xf32> to vector<400xf32>
    %broadcast_in_dim3A_865 = vector.shape_cast %reduce_sum3A_864 : vector<400xf32> to vector<400x1xf32>
    %div3A_866 = arith.constant 1.280000e+02 : f32
    %div3A_867 = vector.broadcast %div3A_866 : f32 to vector<400x1xf32>
    %div3A_868 = arith.divf %broadcast_in_dim3A_865, %div3A_867 : vector<400x1xf32>
    %add3A_869 = arith.constant 9.99999974E-6 : f32
    %add3A_870 = vector.broadcast %add3A_869 : f32 to vector<400x1xf32>
    %add3A_871 = arith.addf %div3A_868, %add3A_870 : vector<400x1xf32>
    %rsqrt3A_872 = math.rsqrt %add3A_871 : vector<400x1xf32>
    %mul3A_873 = vector.broadcast %rsqrt3A_872 : vector<400x1xf32> to vector<400x128xf32>
    %mul3A_874 = vector.broadcast %get3A_24 : vector<1x128xf32> to vector<400x128xf32>
    %mul3A_875 = arith.mulf %mul3A_873, %mul3A_874 : vector<400x128xf32>
    %mul3A_876 = arith.mulf %sub3A_861, %mul3A_875 : vector<400x128xf32>
    %add3A_877 = vector.broadcast %get3A_27 : vector<1x128xf32> to vector<400x128xf32>
    %add3A_878 = arith.addf %mul3A_876, %add3A_877 : vector<400x128xf32>
    %swap3A_879 = arith.constant 17 : index
    %swap3A_880 = arith.constant 0 : index
    %swap3A_881 = arith.constant 0 : index
    %swap3A_882 = vector.load %arg10[%swap3A_879, %swap3A_880, %swap3A_881] : memref<32x400x128xf32, #tpu.memory_space<vmem>>, vector<1x400x128xf32>
    %swap3A_883 = vector.shape_cast %swap3A_882 : vector<1x400x128xf32> to vector<400x128xf32>
    %swap3A_884 = vector.shape_cast %add3A_878 : vector<400x128xf32> to vector<1x400x128xf32>
    tpu.vector_store %arg10[%swap3A_879, %swap3A_880, %swap3A_881], %swap3A_884 {strides = array<i32>} : memref<32x400x128xf32, #tpu.memory_space<vmem>>, vector<1x400x128xf32>,
    %slice3A_885 = vector.extract_strided_slice %dot_general3A_9 {offsets = [0, 2304], sizes = [400, 128], strides = [1, 1]} : vector<400x4096xf32> to vector<400x128xf32>
    %add3A_886 = vector.broadcast %get3A_30 : vector<1x128xf32> to vector<400x128xf32>
    %add3A_887 = arith.addf %slice3A_885, %add3A_886 : vector<400x128xf32>
    %max3A_888 = arith.constant 0.000000e+00 : f32
    %max3A_889 = vector.broadcast %max3A_888 : f32 to vector<400x128xf32>
    %max3A_890 = arith.maximumf %add3A_887, %max3A_889 : vector<400x128xf32>
    %dot_general3A_891 = arith.constant dense<0.000000e+00> : vector<400x128xf32>
    %dot_general3A_892 = tpu.matmul %max3A_890, %get3A_12, %dot_general3A_891 {dimension_numbers = #tpu.dot_dimension_numbers<[1], [0], [0], [1], [0, 0, 1, 1], [], []>, transpose_lhs_hint = false} : vector<400x128xf32>, vector<128x128xf32>, vector<400x128xf32> -> vector<400x128xf32>
    %add3A_893 = vector.broadcast %get3A_18 : vector<1x128xf32> to vector<400x128xf32>
    %add3A_894 = arith.addf %dot_general3A_892, %add3A_893 : vector<400x128xf32>
    %max3A_895 = arith.constant 0.000000e+00 : f32
    %max3A_896 = vector.broadcast %max3A_895 : f32 to vector<400x128xf32>
    %max3A_897 = arith.maximumf %add3A_894, %max3A_896 : vector<400x128xf32>
    %dot_general3A_898 = arith.constant dense<0.000000e+00> : vector<400x128xf32>
    %dot_general3A_899 = tpu.matmul %max3A_897, %get3A_15, %dot_general3A_898 {dimension_numbers = #tpu.dot_dimension_numbers<[1], [0], [0], [1], [0, 0, 1, 1], [], []>, transpose_lhs_hint = false} : vector<400x128xf32>, vector<128x128xf32>, vector<400x128xf32> -> vector<400x128xf32>
    %add3A_900 = vector.broadcast %get3A_21 : vector<1x128xf32> to vector<400x128xf32>
    %add3A_901 = arith.addf %dot_general3A_899, %add3A_900 : vector<400x128xf32>
    %reduce_sum3A_902 = arith.constant dense<0.000000e+00> : vector<400xf32>
    %reduce_sum3A_903 = vector.multi_reduction <add>, %add3A_901, %reduce_sum3A_902 [1] : vector<400x128xf32> to vector<400xf32>
    %broadcast_in_dim3A_904 = vector.shape_cast %reduce_sum3A_903 : vector<400xf32> to vector<400x1xf32>
    %div3A_905 = arith.constant 1.280000e+02 : f32
    %div3A_906 = vector.broadcast %div3A_905 : f32 to vector<400x1xf32>
    %div3A_907 = arith.divf %broadcast_in_dim3A_904, %div3A_906 : vector<400x1xf32>
    %sub3A_908 = vector.broadcast %div3A_907 : vector<400x1xf32> to vector<400x128xf32>
    %sub3A_909 = arith.subf %add3A_901, %sub3A_908 : vector<400x128xf32>
    %mul3A_910 = arith.mulf %sub3A_909, %sub3A_909 : vector<400x128xf32>
    %reduce_sum3A_911 = arith.constant dense<0.000000e+00> : vector<400xf32>
    %reduce_sum3A_912 = vector.multi_reduction <add>, %mul3A_910, %reduce_sum3A_911 [1] : vector<400x128xf32> to vector<400xf32>
    %broadcast_in_dim3A_913 = vector.shape_cast %reduce_sum3A_912 : vector<400xf32> to vector<400x1xf32>
    %div3A_914 = arith.constant 1.280000e+02 : f32
    %div3A_915 = vector.broadcast %div3A_914 : f32 to vector<400x1xf32>
    %div3A_916 = arith.divf %broadcast_in_dim3A_913, %div3A_915 : vector<400x1xf32>
    %add3A_917 = arith.constant 9.99999974E-6 : f32
    %add3A_918 = vector.broadcast %add3A_917 : f32 to vector<400x1xf32>
    %add3A_919 = arith.addf %div3A_916, %add3A_918 : vector<400x1xf32>
    %rsqrt3A_920 = math.rsqrt %add3A_919 : vector<400x1xf32>
    %mul3A_921 = vector.broadcast %rsqrt3A_920 : vector<400x1xf32> to vector<400x128xf32>
    %mul3A_922 = vector.broadcast %get3A_24 : vector<1x128xf32> to vector<400x128xf32>
    %mul3A_923 = arith.mulf %mul3A_921, %mul3A_922 : vector<400x128xf32>
    %mul3A_924 = arith.mulf %sub3A_909, %mul3A_923 : vector<400x128xf32>
    %add3A_925 = vector.broadcast %get3A_27 : vector<1x128xf32> to vector<400x128xf32>
    %add3A_926 = arith.addf %mul3A_924, %add3A_925 : vector<400x128xf32>
    %swap3A_927 = arith.constant 18 : index
    %swap3A_928 = arith.constant 0 : index
    %swap3A_929 = arith.constant 0 : index
    %swap3A_930 = vector.load %arg10[%swap3A_927, %swap3A_928, %swap3A_929] : memref<32x400x128xf32, #tpu.memory_space<vmem>>, vector<1x400x128xf32>
    %swap3A_931 = vector.shape_cast %swap3A_930 : vector<1x400x128xf32> to vector<400x128xf32>
    %swap3A_932 = vector.shape_cast %add3A_926 : vector<400x128xf32> to vector<1x400x128xf32>
    tpu.vector_store %arg10[%swap3A_927, %swap3A_928, %swap3A_929], %swap3A_932 {strides = array<i32>} : memref<32x400x128xf32, #tpu.memory_space<vmem>>, vector<1x400x128xf32>,
    %slice3A_933 = vector.extract_strided_slice %dot_general3A_9 {offsets = [0, 2432], sizes = [400, 128], strides = [1, 1]} : vector<400x4096xf32> to vector<400x128xf32>
    %add3A_934 = vector.broadcast %get3A_30 : vector<1x128xf32> to vector<400x128xf32>
    %add3A_935 = arith.addf %slice3A_933, %add3A_934 : vector<400x128xf32>
    %max3A_936 = arith.constant 0.000000e+00 : f32
    %max3A_937 = vector.broadcast %max3A_936 : f32 to vector<400x128xf32>
    %max3A_938 = arith.maximumf %add3A_935, %max3A_937 : vector<400x128xf32>
    %dot_general3A_939 = arith.constant dense<0.000000e+00> : vector<400x128xf32>
    %dot_general3A_940 = tpu.matmul %max3A_938, %get3A_12, %dot_general3A_939 {dimension_numbers = #tpu.dot_dimension_numbers<[1], [0], [0], [1], [0, 0, 1, 1], [], []>, transpose_lhs_hint = false} : vector<400x128xf32>, vector<128x128xf32>, vector<400x128xf32> -> vector<400x128xf32>
    %add3A_941 = vector.broadcast %get3A_18 : vector<1x128xf32> to vector<400x128xf32>
    %add3A_942 = arith.addf %dot_general3A_940, %add3A_941 : vector<400x128xf32>
    %max3A_943 = arith.constant 0.000000e+00 : f32
    %max3A_944 = vector.broadcast %max3A_943 : f32 to vector<400x128xf32>
    %max3A_945 = arith.maximumf %add3A_942, %max3A_944 : vector<400x128xf32>
    %dot_general3A_946 = arith.constant dense<0.000000e+00> : vector<400x128xf32>
    %dot_general3A_947 = tpu.matmul %max3A_945, %get3A_15, %dot_general3A_946 {dimension_numbers = #tpu.dot_dimension_numbers<[1], [0], [0], [1], [0, 0, 1, 1], [], []>, transpose_lhs_hint = false} : vector<400x128xf32>, vector<128x128xf32>, vector<400x128xf32> -> vector<400x128xf32>
    %add3A_948 = vector.broadcast %get3A_21 : vector<1x128xf32> to vector<400x128xf32>
    %add3A_949 = arith.addf %dot_general3A_947, %add3A_948 : vector<400x128xf32>
    %reduce_sum3A_950 = arith.constant dense<0.000000e+00> : vector<400xf32>
    %reduce_sum3A_951 = vector.multi_reduction <add>, %add3A_949, %reduce_sum3A_950 [1] : vector<400x128xf32> to vector<400xf32>
    %broadcast_in_dim3A_952 = vector.shape_cast %reduce_sum3A_951 : vector<400xf32> to vector<400x1xf32>
    %div3A_953 = arith.constant 1.280000e+02 : f32
    %div3A_954 = vector.broadcast %div3A_953 : f32 to vector<400x1xf32>
    %div3A_955 = arith.divf %broadcast_in_dim3A_952, %div3A_954 : vector<400x1xf32>
    %sub3A_956 = vector.broadcast %div3A_955 : vector<400x1xf32> to vector<400x128xf32>
    %sub3A_957 = arith.subf %add3A_949, %sub3A_956 : vector<400x128xf32>
    %mul3A_958 = arith.mulf %sub3A_957, %sub3A_957 : vector<400x128xf32>
    %reduce_sum3A_959 = arith.constant dense<0.000000e+00> : vector<400xf32>
    %reduce_sum3A_960 = vector.multi_reduction <add>, %mul3A_958, %reduce_sum3A_959 [1] : vector<400x128xf32> to vector<400xf32>
    %broadcast_in_dim3A_961 = vector.shape_cast %reduce_sum3A_960 : vector<400xf32> to vector<400x1xf32>
    %div3A_962 = arith.constant 1.280000e+02 : f32
    %div3A_963 = vector.broadcast %div3A_962 : f32 to vector<400x1xf32>
    %div3A_964 = arith.divf %broadcast_in_dim3A_961, %div3A_963 : vector<400x1xf32>
    %add3A_965 = arith.constant 9.99999974E-6 : f32
    %add3A_966 = vector.broadcast %add3A_965 : f32 to vector<400x1xf32>
    %add3A_967 = arith.addf %div3A_964, %add3A_966 : vector<400x1xf32>
    %rsqrt3A_968 = math.rsqrt %add3A_967 : vector<400x1xf32>
    %mul3A_969 = vector.broadcast %rsqrt3A_968 : vector<400x1xf32> to vector<400x128xf32>
    %mul3A_970 = vector.broadcast %get3A_24 : vector<1x128xf32> to vector<400x128xf32>
    %mul3A_971 = arith.mulf %mul3A_969, %mul3A_970 : vector<400x128xf32>
    %mul3A_972 = arith.mulf %sub3A_957, %mul3A_971 : vector<400x128xf32>
    %add3A_973 = vector.broadcast %get3A_27 : vector<1x128xf32> to vector<400x128xf32>
    %add3A_974 = arith.addf %mul3A_972, %add3A_973 : vector<400x128xf32>
    %swap3A_975 = arith.constant 19 : index
    %swap3A_976 = arith.constant 0 : index
    %swap3A_977 = arith.constant 0 : index
    %swap3A_978 = vector.load %arg10[%swap3A_975, %swap3A_976, %swap3A_977] : memref<32x400x128xf32, #tpu.memory_space<vmem>>, vector<1x400x128xf32>
    %swap3A_979 = vector.shape_cast %swap3A_978 : vector<1x400x128xf32> to vector<400x128xf32>
    %swap3A_980 = vector.shape_cast %add3A_974 : vector<400x128xf32> to vector<1x400x128xf32>
    tpu.vector_store %arg10[%swap3A_975, %swap3A_976, %swap3A_977], %swap3A_980 {strides = array<i32>} : memref<32x400x128xf32, #tpu.memory_space<vmem>>, vector<1x400x128xf32>,
    %slice3A_981 = vector.extract_strided_slice %dot_general3A_9 {offsets = [0, 2560], sizes = [400, 128], strides = [1, 1]} : vector<400x4096xf32> to vector<400x128xf32>
    %add3A_982 = vector.broadcast %get3A_30 : vector<1x128xf32> to vector<400x128xf32>
    %add3A_983 = arith.addf %slice3A_981, %add3A_982 : vector<400x128xf32>
    %max3A_984 = arith.constant 0.000000e+00 : f32
    %max3A_985 = vector.broadcast %max3A_984 : f32 to vector<400x128xf32>
    %max3A_986 = arith.maximumf %add3A_983, %max3A_985 : vector<400x128xf32>
    %dot_general3A_987 = arith.constant dense<0.000000e+00> : vector<400x128xf32>
    %dot_general3A_988 = tpu.matmul %max3A_986, %get3A_12, %dot_general3A_987 {dimension_numbers = #tpu.dot_dimension_numbers<[1], [0], [0], [1], [0, 0, 1, 1], [], []>, transpose_lhs_hint = false} : vector<400x128xf32>, vector<128x128xf32>, vector<400x128xf32> -> vector<400x128xf32>
    %add3A_989 = vector.broadcast %get3A_18 : vector<1x128xf32> to vector<400x128xf32>
    %add3A_990 = arith.addf %dot_general3A_988, %add3A_989 : vector<400x128xf32>
    %max3A_991 = arith.constant 0.000000e+00 : f32
    %max3A_992 = vector.broadcast %max3A_991 : f32 to vector<400x128xf32>
    %max3A_993 = arith.maximumf %add3A_990, %max3A_992 : vector<400x128xf32>
    %dot_general3A_994 = arith.constant dense<0.000000e+00> : vector<400x128xf32>
    %dot_general3A_995 = tpu.matmul %max3A_993, %get3A_15, %dot_general3A_994 {dimension_numbers = #tpu.dot_dimension_numbers<[1], [0], [0], [1], [0, 0, 1, 1], [], []>, transpose_lhs_hint = false} : vector<400x128xf32>, vector<128x128xf32>, vector<400x128xf32> -> vector<400x128xf32>
    %add3A_996 = vector.broadcast %get3A_21 : vector<1x128xf32> to vector<400x128xf32>
    %add3A_997 = arith.addf %dot_general3A_995, %add3A_996 : vector<400x128xf32>
    %reduce_sum3A_998 = arith.constant dense<0.000000e+00> : vector<400xf32>
    %reduce_sum3A_999 = vector.multi_reduction <add>, %add3A_997, %reduce_sum3A_998 [1] : vector<400x128xf32> to vector<400xf32>
    %broadcast_in_dim3A_1000 = vector.shape_cast %reduce_sum3A_999 : vector<400xf32> to vector<400x1xf32>
    %div3A_1001 = arith.constant 1.280000e+02 : f32
    %div3A_1002 = vector.broadcast %div3A_1001 : f32 to vector<400x1xf32>
    %div3A_1003 = arith.divf %broadcast_in_dim3A_1000, %div3A_1002 : vector<400x1xf32>
    %sub3A_1004 = vector.broadcast %div3A_1003 : vector<400x1xf32> to vector<400x128xf32>
    %sub3A_1005 = arith.subf %add3A_997, %sub3A_1004 : vector<400x128xf32>
    %mul3A_1006 = arith.mulf %sub3A_1005, %sub3A_1005 : vector<400x128xf32>
    %reduce_sum3A_1007 = arith.constant dense<0.000000e+00> : vector<400xf32>
    %reduce_sum3A_1008 = vector.multi_reduction <add>, %mul3A_1006, %reduce_sum3A_1007 [1] : vector<400x128xf32> to vector<400xf32>
    %broadcast_in_dim3A_1009 = vector.shape_cast %reduce_sum3A_1008 : vector<400xf32> to vector<400x1xf32>
    %div3A_1010 = arith.constant 1.280000e+02 : f32
    %div3A_1011 = vector.broadcast %div3A_1010 : f32 to vector<400x1xf32>
    %div3A_1012 = arith.divf %broadcast_in_dim3A_1009, %div3A_1011 : vector<400x1xf32>
    %add3A_1013 = arith.constant 9.99999974E-6 : f32
    %add3A_1014 = vector.broadcast %add3A_1013 : f32 to vector<400x1xf32>
    %add3A_1015 = arith.addf %div3A_1012, %add3A_1014 : vector<400x1xf32>
    %rsqrt3A_1016 = math.rsqrt %add3A_1015 : vector<400x1xf32>
    %mul3A_1017 = vector.broadcast %rsqrt3A_1016 : vector<400x1xf32> to vector<400x128xf32>
    %mul3A_1018 = vector.broadcast %get3A_24 : vector<1x128xf32> to vector<400x128xf32>
    %mul3A_1019 = arith.mulf %mul3A_1017, %mul3A_1018 : vector<400x128xf32>
    %mul3A_1020 = arith.mulf %sub3A_1005, %mul3A_1019 : vector<400x128xf32>
    %add3A_1021 = vector.broadcast %get3A_27 : vector<1x128xf32> to vector<400x128xf32>
    %add3A_1022 = arith.addf %mul3A_1020, %add3A_1021 : vector<400x128xf32>
    %swap3A_1023 = arith.constant 20 : index
    %swap3A_1024 = arith.constant 0 : index
    %swap3A_1025 = arith.constant 0 : index
    %swap3A_1026 = vector.load %arg10[%swap3A_1023, %swap3A_1024, %swap3A_1025] : memref<32x400x128xf32, #tpu.memory_space<vmem>>, vector<1x400x128xf32>
    %swap3A_1027 = vector.shape_cast %swap3A_1026 : vector<1x400x128xf32> to vector<400x128xf32>
    %swap3A_1028 = vector.shape_cast %add3A_1022 : vector<400x128xf32> to vector<1x400x128xf32>
    tpu.vector_store %arg10[%swap3A_1023, %swap3A_1024, %swap3A_1025], %swap3A_1028 {strides = array<i32>} : memref<32x400x128xf32, #tpu.memory_space<vmem>>, vector<1x400x128xf32>,
    %slice3A_1029 = vector.extract_strided_slice %dot_general3A_9 {offsets = [0, 2688], sizes = [400, 128], strides = [1, 1]} : vector<400x4096xf32> to vector<400x128xf32>
    %add3A_1030 = vector.broadcast %get3A_30 : vector<1x128xf32> to vector<400x128xf32>
    %add3A_1031 = arith.addf %slice3A_1029, %add3A_1030 : vector<400x128xf32>
    %max3A_1032 = arith.constant 0.000000e+00 : f32
    %max3A_1033 = vector.broadcast %max3A_1032 : f32 to vector<400x128xf32>
    %max3A_1034 = arith.maximumf %add3A_1031, %max3A_1033 : vector<400x128xf32>
    %dot_general3A_1035 = arith.constant dense<0.000000e+00> : vector<400x128xf32>
    %dot_general3A_1036 = tpu.matmul %max3A_1034, %get3A_12, %dot_general3A_1035 {dimension_numbers = #tpu.dot_dimension_numbers<[1], [0], [0], [1], [0, 0, 1, 1], [], []>, transpose_lhs_hint = false} : vector<400x128xf32>, vector<128x128xf32>, vector<400x128xf32> -> vector<400x128xf32>
    %add3A_1037 = vector.broadcast %get3A_18 : vector<1x128xf32> to vector<400x128xf32>
    %add3A_1038 = arith.addf %dot_general3A_1036, %add3A_1037 : vector<400x128xf32>
    %max3A_1039 = arith.constant 0.000000e+00 : f32
    %max3A_1040 = vector.broadcast %max3A_1039 : f32 to vector<400x128xf32>
    %max3A_1041 = arith.maximumf %add3A_1038, %max3A_1040 : vector<400x128xf32>
    %dot_general3A_1042 = arith.constant dense<0.000000e+00> : vector<400x128xf32>
    %dot_general3A_1043 = tpu.matmul %max3A_1041, %get3A_15, %dot_general3A_1042 {dimension_numbers = #tpu.dot_dimension_numbers<[1], [0], [0], [1], [0, 0, 1, 1], [], []>, transpose_lhs_hint = false} : vector<400x128xf32>, vector<128x128xf32>, vector<400x128xf32> -> vector<400x128xf32>
    %add3A_1044 = vector.broadcast %get3A_21 : vector<1x128xf32> to vector<400x128xf32>
    %add3A_1045 = arith.addf %dot_general3A_1043, %add3A_1044 : vector<400x128xf32>
    %reduce_sum3A_1046 = arith.constant dense<0.000000e+00> : vector<400xf32>
    %reduce_sum3A_1047 = vector.multi_reduction <add>, %add3A_1045, %reduce_sum3A_1046 [1] : vector<400x128xf32> to vector<400xf32>
    %broadcast_in_dim3A_1048 = vector.shape_cast %reduce_sum3A_1047 : vector<400xf32> to vector<400x1xf32>
    %div3A_1049 = arith.constant 1.280000e+02 : f32
    %div3A_1050 = vector.broadcast %div3A_1049 : f32 to vector<400x1xf32>
    %div3A_1051 = arith.divf %broadcast_in_dim3A_1048, %div3A_1050 : vector<400x1xf32>
    %sub3A_1052 = vector.broadcast %div3A_1051 : vector<400x1xf32> to vector<400x128xf32>
    %sub3A_1053 = arith.subf %add3A_1045, %sub3A_1052 : vector<400x128xf32>
    %mul3A_1054 = arith.mulf %sub3A_1053, %sub3A_1053 : vector<400x128xf32>
    %reduce_sum3A_1055 = arith.constant dense<0.000000e+00> : vector<400xf32>
    %reduce_sum3A_1056 = vector.multi_reduction <add>, %mul3A_1054, %reduce_sum3A_1055 [1] : vector<400x128xf32> to vector<400xf32>
    %broadcast_in_dim3A_1057 = vector.shape_cast %reduce_sum3A_1056 : vector<400xf32> to vector<400x1xf32>
    %div3A_1058 = arith.constant 1.280000e+02 : f32
    %div3A_1059 = vector.broadcast %div3A_1058 : f32 to vector<400x1xf32>
    %div3A_1060 = arith.divf %broadcast_in_dim3A_1057, %div3A_1059 : vector<400x1xf32>
    %add3A_1061 = arith.constant 9.99999974E-6 : f32
    %add3A_1062 = vector.broadcast %add3A_1061 : f32 to vector<400x1xf32>
    %add3A_1063 = arith.addf %div3A_1060, %add3A_1062 : vector<400x1xf32>
    %rsqrt3A_1064 = math.rsqrt %add3A_1063 : vector<400x1xf32>
    %mul3A_1065 = vector.broadcast %rsqrt3A_1064 : vector<400x1xf32> to vector<400x128xf32>
    %mul3A_1066 = vector.broadcast %get3A_24 : vector<1x128xf32> to vector<400x128xf32>
    %mul3A_1067 = arith.mulf %mul3A_1065, %mul3A_1066 : vector<400x128xf32>
    %mul3A_1068 = arith.mulf %sub3A_1053, %mul3A_1067 : vector<400x128xf32>
    %add3A_1069 = vector.broadcast %get3A_27 : vector<1x128xf32> to vector<400x128xf32>
    %add3A_1070 = arith.addf %mul3A_1068, %add3A_1069 : vector<400x128xf32>
    %swap3A_1071 = arith.constant 21 : index
    %swap3A_1072 = arith.constant 0 : index
    %swap3A_1073 = arith.constant 0 : index
    %swap3A_1074 = vector.load %arg10[%swap3A_1071, %swap3A_1072, %swap3A_1073] : memref<32x400x128xf32, #tpu.memory_space<vmem>>, vector<1x400x128xf32>
    %swap3A_1075 = vector.shape_cast %swap3A_1074 : vector<1x400x128xf32> to vector<400x128xf32>
    %swap3A_1076 = vector.shape_cast %add3A_1070 : vector<400x128xf32> to vector<1x400x128xf32>
    tpu.vector_store %arg10[%swap3A_1071, %swap3A_1072, %swap3A_1073], %swap3A_1076 {strides = array<i32>} : memref<32x400x128xf32, #tpu.memory_space<vmem>>, vector<1x400x128xf32>,
    %slice3A_1077 = vector.extract_strided_slice %dot_general3A_9 {offsets = [0, 2816], sizes = [400, 128], strides = [1, 1]} : vector<400x4096xf32> to vector<400x128xf32>
    %add3A_1078 = vector.broadcast %get3A_30 : vector<1x128xf32> to vector<400x128xf32>
    %add3A_1079 = arith.addf %slice3A_1077, %add3A_1078 : vector<400x128xf32>
    %max3A_1080 = arith.constant 0.000000e+00 : f32
    %max3A_1081 = vector.broadcast %max3A_1080 : f32 to vector<400x128xf32>
    %max3A_1082 = arith.maximumf %add3A_1079, %max3A_1081 : vector<400x128xf32>
    %dot_general3A_1083 = arith.constant dense<0.000000e+00> : vector<400x128xf32>
    %dot_general3A_1084 = tpu.matmul %max3A_1082, %get3A_12, %dot_general3A_1083 {dimension_numbers = #tpu.dot_dimension_numbers<[1], [0], [0], [1], [0, 0, 1, 1], [], []>, transpose_lhs_hint = false} : vector<400x128xf32>, vector<128x128xf32>, vector<400x128xf32> -> vector<400x128xf32>
    %add3A_1085 = vector.broadcast %get3A_18 : vector<1x128xf32> to vector<400x128xf32>
    %add3A_1086 = arith.addf %dot_general3A_1084, %add3A_1085 : vector<400x128xf32>
    %max3A_1087 = arith.constant 0.000000e+00 : f32
    %max3A_1088 = vector.broadcast %max3A_1087 : f32 to vector<400x128xf32>
    %max3A_1089 = arith.maximumf %add3A_1086, %max3A_1088 : vector<400x128xf32>
    %dot_general3A_1090 = arith.constant dense<0.000000e+00> : vector<400x128xf32>
    %dot_general3A_1091 = tpu.matmul %max3A_1089, %get3A_15, %dot_general3A_1090 {dimension_numbers = #tpu.dot_dimension_numbers<[1], [0], [0], [1], [0, 0, 1, 1], [], []>, transpose_lhs_hint = false} : vector<400x128xf32>, vector<128x128xf32>, vector<400x128xf32> -> vector<400x128xf32>
    %add3A_1092 = vector.broadcast %get3A_21 : vector<1x128xf32> to vector<400x128xf32>
    %add3A_1093 = arith.addf %dot_general3A_1091, %add3A_1092 : vector<400x128xf32>
    %reduce_sum3A_1094 = arith.constant dense<0.000000e+00> : vector<400xf32>
    %reduce_sum3A_1095 = vector.multi_reduction <add>, %add3A_1093, %reduce_sum3A_1094 [1] : vector<400x128xf32> to vector<400xf32>
    %broadcast_in_dim3A_1096 = vector.shape_cast %reduce_sum3A_1095 : vector<400xf32> to vector<400x1xf32>
    %div3A_1097 = arith.constant 1.280000e+02 : f32
    %div3A_1098 = vector.broadcast %div3A_1097 : f32 to vector<400x1xf32>
    %div3A_1099 = arith.divf %broadcast_in_dim3A_1096, %div3A_1098 : vector<400x1xf32>
    %sub3A_1100 = vector.broadcast %div3A_1099 : vector<400x1xf32> to vector<400x128xf32>
    %sub3A_1101 = arith.subf %add3A_1093, %sub3A_1100 : vector<400x128xf32>
    %mul3A_1102 = arith.mulf %sub3A_1101, %sub3A_1101 : vector<400x128xf32>
    %reduce_sum3A_1103 = arith.constant dense<0.000000e+00> : vector<400xf32>
    %reduce_sum3A_1104 = vector.multi_reduction <add>, %mul3A_1102, %reduce_sum3A_1103 [1] : vector<400x128xf32> to vector<400xf32>
    %broadcast_in_dim3A_1105 = vector.shape_cast %reduce_sum3A_1104 : vector<400xf32> to vector<400x1xf32>
    %div3A_1106 = arith.constant 1.280000e+02 : f32
    %div3A_1107 = vector.broadcast %div3A_1106 : f32 to vector<400x1xf32>
    %div3A_1108 = arith.divf %broadcast_in_dim3A_1105, %div3A_1107 : vector<400x1xf32>
    %add3A_1109 = arith.constant 9.99999974E-6 : f32
    %add3A_1110 = vector.broadcast %add3A_1109 : f32 to vector<400x1xf32>
    %add3A_1111 = arith.addf %div3A_1108, %add3A_1110 : vector<400x1xf32>
    %rsqrt3A_1112 = math.rsqrt %add3A_1111 : vector<400x1xf32>
    %mul3A_1113 = vector.broadcast %rsqrt3A_1112 : vector<400x1xf32> to vector<400x128xf32>
    %mul3A_1114 = vector.broadcast %get3A_24 : vector<1x128xf32> to vector<400x128xf32>
    %mul3A_1115 = arith.mulf %mul3A_1113, %mul3A_1114 : vector<400x128xf32>
    %mul3A_1116 = arith.mulf %sub3A_1101, %mul3A_1115 : vector<400x128xf32>
    %add3A_1117 = vector.broadcast %get3A_27 : vector<1x128xf32> to vector<400x128xf32>
    %add3A_1118 = arith.addf %mul3A_1116, %add3A_1117 : vector<400x128xf32>
    %swap3A_1119 = arith.constant 22 : index
    %swap3A_1120 = arith.constant 0 : index
    %swap3A_1121 = arith.constant 0 : index
    %swap3A_1122 = vector.load %arg10[%swap3A_1119, %swap3A_1120, %swap3A_1121] : memref<32x400x128xf32, #tpu.memory_space<vmem>>, vector<1x400x128xf32>
    %swap3A_1123 = vector.shape_cast %swap3A_1122 : vector<1x400x128xf32> to vector<400x128xf32>
    %swap3A_1124 = vector.shape_cast %add3A_1118 : vector<400x128xf32> to vector<1x400x128xf32>
    tpu.vector_store %arg10[%swap3A_1119, %swap3A_1120, %swap3A_1121], %swap3A_1124 {strides = array<i32>} : memref<32x400x128xf32, #tpu.memory_space<vmem>>, vector<1x400x128xf32>,
    %slice3A_1125 = vector.extract_strided_slice %dot_general3A_9 {offsets = [0, 2944], sizes = [400, 128], strides = [1, 1]} : vector<400x4096xf32> to vector<400x128xf32>
    %add3A_1126 = vector.broadcast %get3A_30 : vector<1x128xf32> to vector<400x128xf32>
    %add3A_1127 = arith.addf %slice3A_1125, %add3A_1126 : vector<400x128xf32>
    %max3A_1128 = arith.constant 0.000000e+00 : f32
    %max3A_1129 = vector.broadcast %max3A_1128 : f32 to vector<400x128xf32>
    %max3A_1130 = arith.maximumf %add3A_1127, %max3A_1129 : vector<400x128xf32>
    %dot_general3A_1131 = arith.constant dense<0.000000e+00> : vector<400x128xf32>
    %dot_general3A_1132 = tpu.matmul %max3A_1130, %get3A_12, %dot_general3A_1131 {dimension_numbers = #tpu.dot_dimension_numbers<[1], [0], [0], [1], [0, 0, 1, 1], [], []>, transpose_lhs_hint = false} : vector<400x128xf32>, vector<128x128xf32>, vector<400x128xf32> -> vector<400x128xf32>
    %add3A_1133 = vector.broadcast %get3A_18 : vector<1x128xf32> to vector<400x128xf32>
    %add3A_1134 = arith.addf %dot_general3A_1132, %add3A_1133 : vector<400x128xf32>
    %max3A_1135 = arith.constant 0.000000e+00 : f32
    %max3A_1136 = vector.broadcast %max3A_1135 : f32 to vector<400x128xf32>
    %max3A_1137 = arith.maximumf %add3A_1134, %max3A_1136 : vector<400x128xf32>
    %dot_general3A_1138 = arith.constant dense<0.000000e+00> : vector<400x128xf32>
    %dot_general3A_1139 = tpu.matmul %max3A_1137, %get3A_15, %dot_general3A_1138 {dimension_numbers = #tpu.dot_dimension_numbers<[1], [0], [0], [1], [0, 0, 1, 1], [], []>, transpose_lhs_hint = false} : vector<400x128xf32>, vector<128x128xf32>, vector<400x128xf32> -> vector<400x128xf32>
    %add3A_1140 = vector.broadcast %get3A_21 : vector<1x128xf32> to vector<400x128xf32>
    %add3A_1141 = arith.addf %dot_general3A_1139, %add3A_1140 : vector<400x128xf32>
    %reduce_sum3A_1142 = arith.constant dense<0.000000e+00> : vector<400xf32>
    %reduce_sum3A_1143 = vector.multi_reduction <add>, %add3A_1141, %reduce_sum3A_1142 [1] : vector<400x128xf32> to vector<400xf32>
    %broadcast_in_dim3A_1144 = vector.shape_cast %reduce_sum3A_1143 : vector<400xf32> to vector<400x1xf32>
    %div3A_1145 = arith.constant 1.280000e+02 : f32
    %div3A_1146 = vector.broadcast %div3A_1145 : f32 to vector<400x1xf32>
    %div3A_1147 = arith.divf %broadcast_in_dim3A_1144, %div3A_1146 : vector<400x1xf32>
    %sub3A_1148 = vector.broadcast %div3A_1147 : vector<400x1xf32> to vector<400x128xf32>
    %sub3A_1149 = arith.subf %add3A_1141, %sub3A_1148 : vector<400x128xf32>
    %mul3A_1150 = arith.mulf %sub3A_1149, %sub3A_1149 : vector<400x128xf32>
    %reduce_sum3A_1151 = arith.constant dense<0.000000e+00> : vector<400xf32>
    %reduce_sum3A_1152 = vector.multi_reduction <add>, %mul3A_1150, %reduce_sum3A_1151 [1] : vector<400x128xf32> to vector<400xf32>
    %broadcast_in_dim3A_1153 = vector.shape_cast %reduce_sum3A_1152 : vector<400xf32> to vector<400x1xf32>
    %div3A_1154 = arith.constant 1.280000e+02 : f32
    %div3A_1155 = vector.broadcast %div3A_1154 : f32 to vector<400x1xf32>
    %div3A_1156 = arith.divf %broadcast_in_dim3A_1153, %div3A_1155 : vector<400x1xf32>
    %add3A_1157 = arith.constant 9.99999974E-6 : f32
    %add3A_1158 = vector.broadcast %add3A_1157 : f32 to vector<400x1xf32>
    %add3A_1159 = arith.addf %div3A_1156, %add3A_1158 : vector<400x1xf32>
    %rsqrt3A_1160 = math.rsqrt %add3A_1159 : vector<400x1xf32>
    %mul3A_1161 = vector.broadcast %rsqrt3A_1160 : vector<400x1xf32> to vector<400x128xf32>
    %mul3A_1162 = vector.broadcast %get3A_24 : vector<1x128xf32> to vector<400x128xf32>
    %mul3A_1163 = arith.mulf %mul3A_1161, %mul3A_1162 : vector<400x128xf32>
    %mul3A_1164 = arith.mulf %sub3A_1149, %mul3A_1163 : vector<400x128xf32>
    %add3A_1165 = vector.broadcast %get3A_27 : vector<1x128xf32> to vector<400x128xf32>
    %add3A_1166 = arith.addf %mul3A_1164, %add3A_1165 : vector<400x128xf32>
    %swap3A_1167 = arith.constant 23 : index
    %swap3A_1168 = arith.constant 0 : index
    %swap3A_1169 = arith.constant 0 : index
    %swap3A_1170 = vector.load %arg10[%swap3A_1167, %swap3A_1168, %swap3A_1169] : memref<32x400x128xf32, #tpu.memory_space<vmem>>, vector<1x400x128xf32>
    %swap3A_1171 = vector.shape_cast %swap3A_1170 : vector<1x400x128xf32> to vector<400x128xf32>
    %swap3A_1172 = vector.shape_cast %add3A_1166 : vector<400x128xf32> to vector<1x400x128xf32>
    tpu.vector_store %arg10[%swap3A_1167, %swap3A_1168, %swap3A_1169], %swap3A_1172 {strides = array<i32>} : memref<32x400x128xf32, #tpu.memory_space<vmem>>, vector<1x400x128xf32>,
    %slice3A_1173 = vector.extract_strided_slice %dot_general3A_9 {offsets = [0, 3072], sizes = [400, 128], strides = [1, 1]} : vector<400x4096xf32> to vector<400x128xf32>
    %add3A_1174 = vector.broadcast %get3A_30 : vector<1x128xf32> to vector<400x128xf32>
    %add3A_1175 = arith.addf %slice3A_1173, %add3A_1174 : vector<400x128xf32>
    %max3A_1176 = arith.constant 0.000000e+00 : f32
    %max3A_1177 = vector.broadcast %max3A_1176 : f32 to vector<400x128xf32>
    %max3A_1178 = arith.maximumf %add3A_1175, %max3A_1177 : vector<400x128xf32>
    %dot_general3A_1179 = arith.constant dense<0.000000e+00> : vector<400x128xf32>
    %dot_general3A_1180 = tpu.matmul %max3A_1178, %get3A_12, %dot_general3A_1179 {dimension_numbers = #tpu.dot_dimension_numbers<[1], [0], [0], [1], [0, 0, 1, 1], [], []>, transpose_lhs_hint = false} : vector<400x128xf32>, vector<128x128xf32>, vector<400x128xf32> -> vector<400x128xf32>
    %add3A_1181 = vector.broadcast %get3A_18 : vector<1x128xf32> to vector<400x128xf32>
    %add3A_1182 = arith.addf %dot_general3A_1180, %add3A_1181 : vector<400x128xf32>
    %max3A_1183 = arith.constant 0.000000e+00 : f32
    %max3A_1184 = vector.broadcast %max3A_1183 : f32 to vector<400x128xf32>
    %max3A_1185 = arith.maximumf %add3A_1182, %max3A_1184 : vector<400x128xf32>
    %dot_general3A_1186 = arith.constant dense<0.000000e+00> : vector<400x128xf32>
    %dot_general3A_1187 = tpu.matmul %max3A_1185, %get3A_15, %dot_general3A_1186 {dimension_numbers = #tpu.dot_dimension_numbers<[1], [0], [0], [1], [0, 0, 1, 1], [], []>, transpose_lhs_hint = false} : vector<400x128xf32>, vector<128x128xf32>, vector<400x128xf32> -> vector<400x128xf32>
    %add3A_1188 = vector.broadcast %get3A_21 : vector<1x128xf32> to vector<400x128xf32>
    %add3A_1189 = arith.addf %dot_general3A_1187, %add3A_1188 : vector<400x128xf32>
    %reduce_sum3A_1190 = arith.constant dense<0.000000e+00> : vector<400xf32>
    %reduce_sum3A_1191 = vector.multi_reduction <add>, %add3A_1189, %reduce_sum3A_1190 [1] : vector<400x128xf32> to vector<400xf32>
    %broadcast_in_dim3A_1192 = vector.shape_cast %reduce_sum3A_1191 : vector<400xf32> to vector<400x1xf32>
    %div3A_1193 = arith.constant 1.280000e+02 : f32
    %div3A_1194 = vector.broadcast %div3A_1193 : f32 to vector<400x1xf32>
    %div3A_1195 = arith.divf %broadcast_in_dim3A_1192, %div3A_1194 : vector<400x1xf32>
    %sub3A_1196 = vector.broadcast %div3A_1195 : vector<400x1xf32> to vector<400x128xf32>
    %sub3A_1197 = arith.subf %add3A_1189, %sub3A_1196 : vector<400x128xf32>
    %mul3A_1198 = arith.mulf %sub3A_1197, %sub3A_1197 : vector<400x128xf32>
    %reduce_sum3A_1199 = arith.constant dense<0.000000e+00> : vector<400xf32>
    %reduce_sum3A_1200 = vector.multi_reduction <add>, %mul3A_1198, %reduce_sum3A_1199 [1] : vector<400x128xf32> to vector<400xf32>
    %broadcast_in_dim3A_1201 = vector.shape_cast %reduce_sum3A_1200 : vector<400xf32> to vector<400x1xf32>
    %div3A_1202 = arith.constant 1.280000e+02 : f32
    %div3A_1203 = vector.broadcast %div3A_1202 : f32 to vector<400x1xf32>
    %div3A_1204 = arith.divf %broadcast_in_dim3A_1201, %div3A_1203 : vector<400x1xf32>
    %add3A_1205 = arith.constant 9.99999974E-6 : f32
    %add3A_1206 = vector.broadcast %add3A_1205 : f32 to vector<400x1xf32>
    %add3A_1207 = arith.addf %div3A_1204, %add3A_1206 : vector<400x1xf32>
    %rsqrt3A_1208 = math.rsqrt %add3A_1207 : vector<400x1xf32>
    %mul3A_1209 = vector.broadcast %rsqrt3A_1208 : vector<400x1xf32> to vector<400x128xf32>
    %mul3A_1210 = vector.broadcast %get3A_24 : vector<1x128xf32> to vector<400x128xf32>
    %mul3A_1211 = arith.mulf %mul3A_1209, %mul3A_1210 : vector<400x128xf32>
    %mul3A_1212 = arith.mulf %sub3A_1197, %mul3A_1211 : vector<400x128xf32>
    %add3A_1213 = vector.broadcast %get3A_27 : vector<1x128xf32> to vector<400x128xf32>
    %add3A_1214 = arith.addf %mul3A_1212, %add3A_1213 : vector<400x128xf32>
    %swap3A_1215 = arith.constant 24 : index
    %swap3A_1216 = arith.constant 0 : index
    %swap3A_1217 = arith.constant 0 : index
    %swap3A_1218 = vector.load %arg10[%swap3A_1215, %swap3A_1216, %swap3A_1217] : memref<32x400x128xf32, #tpu.memory_space<vmem>>, vector<1x400x128xf32>
    %swap3A_1219 = vector.shape_cast %swap3A_1218 : vector<1x400x128xf32> to vector<400x128xf32>
    %swap3A_1220 = vector.shape_cast %add3A_1214 : vector<400x128xf32> to vector<1x400x128xf32>
    tpu.vector_store %arg10[%swap3A_1215, %swap3A_1216, %swap3A_1217], %swap3A_1220 {strides = array<i32>} : memref<32x400x128xf32, #tpu.memory_space<vmem>>, vector<1x400x128xf32>,
    %slice3A_1221 = vector.extract_strided_slice %dot_general3A_9 {offsets = [0, 3200], sizes = [400, 128], strides = [1, 1]} : vector<400x4096xf32> to vector<400x128xf32>
    %add3A_1222 = vector.broadcast %get3A_30 : vector<1x128xf32> to vector<400x128xf32>
    %add3A_1223 = arith.addf %slice3A_1221, %add3A_1222 : vector<400x128xf32>
    %max3A_1224 = arith.constant 0.000000e+00 : f32
    %max3A_1225 = vector.broadcast %max3A_1224 : f32 to vector<400x128xf32>
    %max3A_1226 = arith.maximumf %add3A_1223, %max3A_1225 : vector<400x128xf32>
    %dot_general3A_1227 = arith.constant dense<0.000000e+00> : vector<400x128xf32>
    %dot_general3A_1228 = tpu.matmul %max3A_1226, %get3A_12, %dot_general3A_1227 {dimension_numbers = #tpu.dot_dimension_numbers<[1], [0], [0], [1], [0, 0, 1, 1], [], []>, transpose_lhs_hint = false} : vector<400x128xf32>, vector<128x128xf32>, vector<400x128xf32> -> vector<400x128xf32>
    %add3A_1229 = vector.broadcast %get3A_18 : vector<1x128xf32> to vector<400x128xf32>
    %add3A_1230 = arith.addf %dot_general3A_1228, %add3A_1229 : vector<400x128xf32>
    %max3A_1231 = arith.constant 0.000000e+00 : f32
    %max3A_1232 = vector.broadcast %max3A_1231 : f32 to vector<400x128xf32>
    %max3A_1233 = arith.maximumf %add3A_1230, %max3A_1232 : vector<400x128xf32>
    %dot_general3A_1234 = arith.constant dense<0.000000e+00> : vector<400x128xf32>
    %dot_general3A_1235 = tpu.matmul %max3A_1233, %get3A_15, %dot_general3A_1234 {dimension_numbers = #tpu.dot_dimension_numbers<[1], [0], [0], [1], [0, 0, 1, 1], [], []>, transpose_lhs_hint = false} : vector<400x128xf32>, vector<128x128xf32>, vector<400x128xf32> -> vector<400x128xf32>
    %add3A_1236 = vector.broadcast %get3A_21 : vector<1x128xf32> to vector<400x128xf32>
    %add3A_1237 = arith.addf %dot_general3A_1235, %add3A_1236 : vector<400x128xf32>
    %reduce_sum3A_1238 = arith.constant dense<0.000000e+00> : vector<400xf32>
    %reduce_sum3A_1239 = vector.multi_reduction <add>, %add3A_1237, %reduce_sum3A_1238 [1] : vector<400x128xf32> to vector<400xf32>
    %broadcast_in_dim3A_1240 = vector.shape_cast %reduce_sum3A_1239 : vector<400xf32> to vector<400x1xf32>
    %div3A_1241 = arith.constant 1.280000e+02 : f32
    %div3A_1242 = vector.broadcast %div3A_1241 : f32 to vector<400x1xf32>
    %div3A_1243 = arith.divf %broadcast_in_dim3A_1240, %div3A_1242 : vector<400x1xf32>
    %sub3A_1244 = vector.broadcast %div3A_1243 : vector<400x1xf32> to vector<400x128xf32>
    %sub3A_1245 = arith.subf %add3A_1237, %sub3A_1244 : vector<400x128xf32>
    %mul3A_1246 = arith.mulf %sub3A_1245, %sub3A_1245 : vector<400x128xf32>
    %reduce_sum3A_1247 = arith.constant dense<0.000000e+00> : vector<400xf32>
    %reduce_sum3A_1248 = vector.multi_reduction <add>, %mul3A_1246, %reduce_sum3A_1247 [1] : vector<400x128xf32> to vector<400xf32>
    %broadcast_in_dim3A_1249 = vector.shape_cast %reduce_sum3A_1248 : vector<400xf32> to vector<400x1xf32>
    %div3A_1250 = arith.constant 1.280000e+02 : f32
    %div3A_1251 = vector.broadcast %div3A_1250 : f32 to vector<400x1xf32>
    %div3A_1252 = arith.divf %broadcast_in_dim3A_1249, %div3A_1251 : vector<400x1xf32>
    %add3A_1253 = arith.constant 9.99999974E-6 : f32
    %add3A_1254 = vector.broadcast %add3A_1253 : f32 to vector<400x1xf32>
    %add3A_1255 = arith.addf %div3A_1252, %add3A_1254 : vector<400x1xf32>
    %rsqrt3A_1256 = math.rsqrt %add3A_1255 : vector<400x1xf32>
    %mul3A_1257 = vector.broadcast %rsqrt3A_1256 : vector<400x1xf32> to vector<400x128xf32>
    %mul3A_1258 = vector.broadcast %get3A_24 : vector<1x128xf32> to vector<400x128xf32>
    %mul3A_1259 = arith.mulf %mul3A_1257, %mul3A_1258 : vector<400x128xf32>
    %mul3A_1260 = arith.mulf %sub3A_1245, %mul3A_1259 : vector<400x128xf32>
    %add3A_1261 = vector.broadcast %get3A_27 : vector<1x128xf32> to vector<400x128xf32>
    %add3A_1262 = arith.addf %mul3A_1260, %add3A_1261 : vector<400x128xf32>
    %swap3A_1263 = arith.constant 25 : index
    %swap3A_1264 = arith.constant 0 : index
    %swap3A_1265 = arith.constant 0 : index
    %swap3A_1266 = vector.load %arg10[%swap3A_1263, %swap3A_1264, %swap3A_1265] : memref<32x400x128xf32, #tpu.memory_space<vmem>>, vector<1x400x128xf32>
    %swap3A_1267 = vector.shape_cast %swap3A_1266 : vector<1x400x128xf32> to vector<400x128xf32>
    %swap3A_1268 = vector.shape_cast %add3A_1262 : vector<400x128xf32> to vector<1x400x128xf32>
    tpu.vector_store %arg10[%swap3A_1263, %swap3A_1264, %swap3A_1265], %swap3A_1268 {strides = array<i32>} : memref<32x400x128xf32, #tpu.memory_space<vmem>>, vector<1x400x128xf32>,
    %slice3A_1269 = vector.extract_strided_slice %dot_general3A_9 {offsets = [0, 3328], sizes = [400, 128], strides = [1, 1]} : vector<400x4096xf32> to vector<400x128xf32>
    %add3A_1270 = vector.broadcast %get3A_30 : vector<1x128xf32> to vector<400x128xf32>
    %add3A_1271 = arith.addf %slice3A_1269, %add3A_1270 : vector<400x128xf32>
    %max3A_1272 = arith.constant 0.000000e+00 : f32
    %max3A_1273 = vector.broadcast %max3A_1272 : f32 to vector<400x128xf32>
    %max3A_1274 = arith.maximumf %add3A_1271, %max3A_1273 : vector<400x128xf32>
    %dot_general3A_1275 = arith.constant dense<0.000000e+00> : vector<400x128xf32>
    %dot_general3A_1276 = tpu.matmul %max3A_1274, %get3A_12, %dot_general3A_1275 {dimension_numbers = #tpu.dot_dimension_numbers<[1], [0], [0], [1], [0, 0, 1, 1], [], []>, transpose_lhs_hint = false} : vector<400x128xf32>, vector<128x128xf32>, vector<400x128xf32> -> vector<400x128xf32>
    %add3A_1277 = vector.broadcast %get3A_18 : vector<1x128xf32> to vector<400x128xf32>
    %add3A_1278 = arith.addf %dot_general3A_1276, %add3A_1277 : vector<400x128xf32>
    %max3A_1279 = arith.constant 0.000000e+00 : f32
    %max3A_1280 = vector.broadcast %max3A_1279 : f32 to vector<400x128xf32>
    %max3A_1281 = arith.maximumf %add3A_1278, %max3A_1280 : vector<400x128xf32>
    %dot_general3A_1282 = arith.constant dense<0.000000e+00> : vector<400x128xf32>
    %dot_general3A_1283 = tpu.matmul %max3A_1281, %get3A_15, %dot_general3A_1282 {dimension_numbers = #tpu.dot_dimension_numbers<[1], [0], [0], [1], [0, 0, 1, 1], [], []>, transpose_lhs_hint = false} : vector<400x128xf32>, vector<128x128xf32>, vector<400x128xf32> -> vector<400x128xf32>
    %add3A_1284 = vector.broadcast %get3A_21 : vector<1x128xf32> to vector<400x128xf32>
    %add3A_1285 = arith.addf %dot_general3A_1283, %add3A_1284 : vector<400x128xf32>
    %reduce_sum3A_1286 = arith.constant dense<0.000000e+00> : vector<400xf32>
    %reduce_sum3A_1287 = vector.multi_reduction <add>, %add3A_1285, %reduce_sum3A_1286 [1] : vector<400x128xf32> to vector<400xf32>
    %broadcast_in_dim3A_1288 = vector.shape_cast %reduce_sum3A_1287 : vector<400xf32> to vector<400x1xf32>
    %div3A_1289 = arith.constant 1.280000e+02 : f32
    %div3A_1290 = vector.broadcast %div3A_1289 : f32 to vector<400x1xf32>
    %div3A_1291 = arith.divf %broadcast_in_dim3A_1288, %div3A_1290 : vector<400x1xf32>
    %sub3A_1292 = vector.broadcast %div3A_1291 : vector<400x1xf32> to vector<400x128xf32>
    %sub3A_1293 = arith.subf %add3A_1285, %sub3A_1292 : vector<400x128xf32>
    %mul3A_1294 = arith.mulf %sub3A_1293, %sub3A_1293 : vector<400x128xf32>
    %reduce_sum3A_1295 = arith.constant dense<0.000000e+00> : vector<400xf32>
    %reduce_sum3A_1296 = vector.multi_reduction <add>, %mul3A_1294, %reduce_sum3A_1295 [1] : vector<400x128xf32> to vector<400xf32>
    %broadcast_in_dim3A_1297 = vector.shape_cast %reduce_sum3A_1296 : vector<400xf32> to vector<400x1xf32>
    %div3A_1298 = arith.constant 1.280000e+02 : f32
    %div3A_1299 = vector.broadcast %div3A_1298 : f32 to vector<400x1xf32>
    %div3A_1300 = arith.divf %broadcast_in_dim3A_1297, %div3A_1299 : vector<400x1xf32>
    %add3A_1301 = arith.constant 9.99999974E-6 : f32
    %add3A_1302 = vector.broadcast %add3A_1301 : f32 to vector<400x1xf32>
    %add3A_1303 = arith.addf %div3A_1300, %add3A_1302 : vector<400x1xf32>
    %rsqrt3A_1304 = math.rsqrt %add3A_1303 : vector<400x1xf32>
    %mul3A_1305 = vector.broadcast %rsqrt3A_1304 : vector<400x1xf32> to vector<400x128xf32>
    %mul3A_1306 = vector.broadcast %get3A_24 : vector<1x128xf32> to vector<400x128xf32>
    %mul3A_1307 = arith.mulf %mul3A_1305, %mul3A_1306 : vector<400x128xf32>
    %mul3A_1308 = arith.mulf %sub3A_1293, %mul3A_1307 : vector<400x128xf32>
    %add3A_1309 = vector.broadcast %get3A_27 : vector<1x128xf32> to vector<400x128xf32>
    %add3A_1310 = arith.addf %mul3A_1308, %add3A_1309 : vector<400x128xf32>
    %swap3A_1311 = arith.constant 26 : index
    %swap3A_1312 = arith.constant 0 : index
    %swap3A_1313 = arith.constant 0 : index
    %swap3A_1314 = vector.load %arg10[%swap3A_1311, %swap3A_1312, %swap3A_1313] : memref<32x400x128xf32, #tpu.memory_space<vmem>>, vector<1x400x128xf32>
    %swap3A_1315 = vector.shape_cast %swap3A_1314 : vector<1x400x128xf32> to vector<400x128xf32>
    %swap3A_1316 = vector.shape_cast %add3A_1310 : vector<400x128xf32> to vector<1x400x128xf32>
    tpu.vector_store %arg10[%swap3A_1311, %swap3A_1312, %swap3A_1313], %swap3A_1316 {strides = array<i32>} : memref<32x400x128xf32, #tpu.memory_space<vmem>>, vector<1x400x128xf32>,
    %slice3A_1317 = vector.extract_strided_slice %dot_general3A_9 {offsets = [0, 3456], sizes = [400, 128], strides = [1, 1]} : vector<400x4096xf32> to vector<400x128xf32>
    %add3A_1318 = vector.broadcast %get3A_30 : vector<1x128xf32> to vector<400x128xf32>
    %add3A_1319 = arith.addf %slice3A_1317, %add3A_1318 : vector<400x128xf32>
    %max3A_1320 = arith.constant 0.000000e+00 : f32
    %max3A_1321 = vector.broadcast %max3A_1320 : f32 to vector<400x128xf32>
    %max3A_1322 = arith.maximumf %add3A_1319, %max3A_1321 : vector<400x128xf32>
    %dot_general3A_1323 = arith.constant dense<0.000000e+00> : vector<400x128xf32>
    %dot_general3A_1324 = tpu.matmul %max3A_1322, %get3A_12, %dot_general3A_1323 {dimension_numbers = #tpu.dot_dimension_numbers<[1], [0], [0], [1], [0, 0, 1, 1], [], []>, transpose_lhs_hint = false} : vector<400x128xf32>, vector<128x128xf32>, vector<400x128xf32> -> vector<400x128xf32>
    %add3A_1325 = vector.broadcast %get3A_18 : vector<1x128xf32> to vector<400x128xf32>
    %add3A_1326 = arith.addf %dot_general3A_1324, %add3A_1325 : vector<400x128xf32>
    %max3A_1327 = arith.constant 0.000000e+00 : f32
    %max3A_1328 = vector.broadcast %max3A_1327 : f32 to vector<400x128xf32>
    %max3A_1329 = arith.maximumf %add3A_1326, %max3A_1328 : vector<400x128xf32>
    %dot_general3A_1330 = arith.constant dense<0.000000e+00> : vector<400x128xf32>
    %dot_general3A_1331 = tpu.matmul %max3A_1329, %get3A_15, %dot_general3A_1330 {dimension_numbers = #tpu.dot_dimension_numbers<[1], [0], [0], [1], [0, 0, 1, 1], [], []>, transpose_lhs_hint = false} : vector<400x128xf32>, vector<128x128xf32>, vector<400x128xf32> -> vector<400x128xf32>
    %add3A_1332 = vector.broadcast %get3A_21 : vector<1x128xf32> to vector<400x128xf32>
    %add3A_1333 = arith.addf %dot_general3A_1331, %add3A_1332 : vector<400x128xf32>
    %reduce_sum3A_1334 = arith.constant dense<0.000000e+00> : vector<400xf32>
    %reduce_sum3A_1335 = vector.multi_reduction <add>, %add3A_1333, %reduce_sum3A_1334 [1] : vector<400x128xf32> to vector<400xf32>
    %broadcast_in_dim3A_1336 = vector.shape_cast %reduce_sum3A_1335 : vector<400xf32> to vector<400x1xf32>
    %div3A_1337 = arith.constant 1.280000e+02 : f32
    %div3A_1338 = vector.broadcast %div3A_1337 : f32 to vector<400x1xf32>
    %div3A_1339 = arith.divf %broadcast_in_dim3A_1336, %div3A_1338 : vector<400x1xf32>
    %sub3A_1340 = vector.broadcast %div3A_1339 : vector<400x1xf32> to vector<400x128xf32>
    %sub3A_1341 = arith.subf %add3A_1333, %sub3A_1340 : vector<400x128xf32>
    %mul3A_1342 = arith.mulf %sub3A_1341, %sub3A_1341 : vector<400x128xf32>
    %reduce_sum3A_1343 = arith.constant dense<0.000000e+00> : vector<400xf32>
    %reduce_sum3A_1344 = vector.multi_reduction <add>, %mul3A_1342, %reduce_sum3A_1343 [1] : vector<400x128xf32> to vector<400xf32>
    %broadcast_in_dim3A_1345 = vector.shape_cast %reduce_sum3A_1344 : vector<400xf32> to vector<400x1xf32>
    %div3A_1346 = arith.constant 1.280000e+02 : f32
    %div3A_1347 = vector.broadcast %div3A_1346 : f32 to vector<400x1xf32>
    %div3A_1348 = arith.divf %broadcast_in_dim3A_1345, %div3A_1347 : vector<400x1xf32>
    %add3A_1349 = arith.constant 9.99999974E-6 : f32
    %add3A_1350 = vector.broadcast %add3A_1349 : f32 to vector<400x1xf32>
    %add3A_1351 = arith.addf %div3A_1348, %add3A_1350 : vector<400x1xf32>
    %rsqrt3A_1352 = math.rsqrt %add3A_1351 : vector<400x1xf32>
    %mul3A_1353 = vector.broadcast %rsqrt3A_1352 : vector<400x1xf32> to vector<400x128xf32>
    %mul3A_1354 = vector.broadcast %get3A_24 : vector<1x128xf32> to vector<400x128xf32>
    %mul3A_1355 = arith.mulf %mul3A_1353, %mul3A_1354 : vector<400x128xf32>
    %mul3A_1356 = arith.mulf %sub3A_1341, %mul3A_1355 : vector<400x128xf32>
    %add3A_1357 = vector.broadcast %get3A_27 : vector<1x128xf32> to vector<400x128xf32>
    %add3A_1358 = arith.addf %mul3A_1356, %add3A_1357 : vector<400x128xf32>
    %swap3A_1359 = arith.constant 27 : index
    %swap3A_1360 = arith.constant 0 : index
    %swap3A_1361 = arith.constant 0 : index
    %swap3A_1362 = vector.load %arg10[%swap3A_1359, %swap3A_1360, %swap3A_1361] : memref<32x400x128xf32, #tpu.memory_space<vmem>>, vector<1x400x128xf32>
    %swap3A_1363 = vector.shape_cast %swap3A_1362 : vector<1x400x128xf32> to vector<400x128xf32>
    %swap3A_1364 = vector.shape_cast %add3A_1358 : vector<400x128xf32> to vector<1x400x128xf32>
    tpu.vector_store %arg10[%swap3A_1359, %swap3A_1360, %swap3A_1361], %swap3A_1364 {strides = array<i32>} : memref<32x400x128xf32, #tpu.memory_space<vmem>>, vector<1x400x128xf32>,
    %slice3A_1365 = vector.extract_strided_slice %dot_general3A_9 {offsets = [0, 3584], sizes = [400, 128], strides = [1, 1]} : vector<400x4096xf32> to vector<400x128xf32>
    %add3A_1366 = vector.broadcast %get3A_30 : vector<1x128xf32> to vector<400x128xf32>
    %add3A_1367 = arith.addf %slice3A_1365, %add3A_1366 : vector<400x128xf32>
    %max3A_1368 = arith.constant 0.000000e+00 : f32
    %max3A_1369 = vector.broadcast %max3A_1368 : f32 to vector<400x128xf32>
    %max3A_1370 = arith.maximumf %add3A_1367, %max3A_1369 : vector<400x128xf32>
    %dot_general3A_1371 = arith.constant dense<0.000000e+00> : vector<400x128xf32>
    %dot_general3A_1372 = tpu.matmul %max3A_1370, %get3A_12, %dot_general3A_1371 {dimension_numbers = #tpu.dot_dimension_numbers<[1], [0], [0], [1], [0, 0, 1, 1], [], []>, transpose_lhs_hint = false} : vector<400x128xf32>, vector<128x128xf32>, vector<400x128xf32> -> vector<400x128xf32>
    %add3A_1373 = vector.broadcast %get3A_18 : vector<1x128xf32> to vector<400x128xf32>
    %add3A_1374 = arith.addf %dot_general3A_1372, %add3A_1373 : vector<400x128xf32>
    %max3A_1375 = arith.constant 0.000000e+00 : f32
    %max3A_1376 = vector.broadcast %max3A_1375 : f32 to vector<400x128xf32>
    %max3A_1377 = arith.maximumf %add3A_1374, %max3A_1376 : vector<400x128xf32>
    %dot_general3A_1378 = arith.constant dense<0.000000e+00> : vector<400x128xf32>
    %dot_general3A_1379 = tpu.matmul %max3A_1377, %get3A_15, %dot_general3A_1378 {dimension_numbers = #tpu.dot_dimension_numbers<[1], [0], [0], [1], [0, 0, 1, 1], [], []>, transpose_lhs_hint = false} : vector<400x128xf32>, vector<128x128xf32>, vector<400x128xf32> -> vector<400x128xf32>
    %add3A_1380 = vector.broadcast %get3A_21 : vector<1x128xf32> to vector<400x128xf32>
    %add3A_1381 = arith.addf %dot_general3A_1379, %add3A_1380 : vector<400x128xf32>
    %reduce_sum3A_1382 = arith.constant dense<0.000000e+00> : vector<400xf32>
    %reduce_sum3A_1383 = vector.multi_reduction <add>, %add3A_1381, %reduce_sum3A_1382 [1] : vector<400x128xf32> to vector<400xf32>
    %broadcast_in_dim3A_1384 = vector.shape_cast %reduce_sum3A_1383 : vector<400xf32> to vector<400x1xf32>
    %div3A_1385 = arith.constant 1.280000e+02 : f32
    %div3A_1386 = vector.broadcast %div3A_1385 : f32 to vector<400x1xf32>
    %div3A_1387 = arith.divf %broadcast_in_dim3A_1384, %div3A_1386 : vector<400x1xf32>
    %sub3A_1388 = vector.broadcast %div3A_1387 : vector<400x1xf32> to vector<400x128xf32>
    %sub3A_1389 = arith.subf %add3A_1381, %sub3A_1388 : vector<400x128xf32>
    %mul3A_1390 = arith.mulf %sub3A_1389, %sub3A_1389 : vector<400x128xf32>
    %reduce_sum3A_1391 = arith.constant dense<0.000000e+00> : vector<400xf32>
    %reduce_sum3A_1392 = vector.multi_reduction <add>, %mul3A_1390, %reduce_sum3A_1391 [1] : vector<400x128xf32> to vector<400xf32>
    %broadcast_in_dim3A_1393 = vector.shape_cast %reduce_sum3A_1392 : vector<400xf32> to vector<400x1xf32>
    %div3A_1394 = arith.constant 1.280000e+02 : f32
    %div3A_1395 = vector.broadcast %div3A_1394 : f32 to vector<400x1xf32>
    %div3A_1396 = arith.divf %broadcast_in_dim3A_1393, %div3A_1395 : vector<400x1xf32>
    %add3A_1397 = arith.constant 9.99999974E-6 : f32
    %add3A_1398 = vector.broadcast %add3A_1397 : f32 to vector<400x1xf32>
    %add3A_1399 = arith.addf %div3A_1396, %add3A_1398 : vector<400x1xf32>
    %rsqrt3A_1400 = math.rsqrt %add3A_1399 : vector<400x1xf32>
    %mul3A_1401 = vector.broadcast %rsqrt3A_1400 : vector<400x1xf32> to vector<400x128xf32>
    %mul3A_1402 = vector.broadcast %get3A_24 : vector<1x128xf32> to vector<400x128xf32>
    %mul3A_1403 = arith.mulf %mul3A_1401, %mul3A_1402 : vector<400x128xf32>
    %mul3A_1404 = arith.mulf %sub3A_1389, %mul3A_1403 : vector<400x128xf32>
    %add3A_1405 = vector.broadcast %get3A_27 : vector<1x128xf32> to vector<400x128xf32>
    %add3A_1406 = arith.addf %mul3A_1404, %add3A_1405 : vector<400x128xf32>
    %swap3A_1407 = arith.constant 28 : index
    %swap3A_1408 = arith.constant 0 : index
    %swap3A_1409 = arith.constant 0 : index
    %swap3A_1410 = vector.load %arg10[%swap3A_1407, %swap3A_1408, %swap3A_1409] : memref<32x400x128xf32, #tpu.memory_space<vmem>>, vector<1x400x128xf32>
    %swap3A_1411 = vector.shape_cast %swap3A_1410 : vector<1x400x128xf32> to vector<400x128xf32>
    %swap3A_1412 = vector.shape_cast %add3A_1406 : vector<400x128xf32> to vector<1x400x128xf32>
    tpu.vector_store %arg10[%swap3A_1407, %swap3A_1408, %swap3A_1409], %swap3A_1412 {strides = array<i32>} : memref<32x400x128xf32, #tpu.memory_space<vmem>>, vector<1x400x128xf32>,
    %slice3A_1413 = vector.extract_strided_slice %dot_general3A_9 {offsets = [0, 3712], sizes = [400, 128], strides = [1, 1]} : vector<400x4096xf32> to vector<400x128xf32>
    %add3A_1414 = vector.broadcast %get3A_30 : vector<1x128xf32> to vector<400x128xf32>
    %add3A_1415 = arith.addf %slice3A_1413, %add3A_1414 : vector<400x128xf32>
    %max3A_1416 = arith.constant 0.000000e+00 : f32
    %max3A_1417 = vector.broadcast %max3A_1416 : f32 to vector<400x128xf32>
    %max3A_1418 = arith.maximumf %add3A_1415, %max3A_1417 : vector<400x128xf32>
    %dot_general3A_1419 = arith.constant dense<0.000000e+00> : vector<400x128xf32>
    %dot_general3A_1420 = tpu.matmul %max3A_1418, %get3A_12, %dot_general3A_1419 {dimension_numbers = #tpu.dot_dimension_numbers<[1], [0], [0], [1], [0, 0, 1, 1], [], []>, transpose_lhs_hint = false} : vector<400x128xf32>, vector<128x128xf32>, vector<400x128xf32> -> vector<400x128xf32>
    %add3A_1421 = vector.broadcast %get3A_18 : vector<1x128xf32> to vector<400x128xf32>
    %add3A_1422 = arith.addf %dot_general3A_1420, %add3A_1421 : vector<400x128xf32>
    %max3A_1423 = arith.constant 0.000000e+00 : f32
    %max3A_1424 = vector.broadcast %max3A_1423 : f32 to vector<400x128xf32>
    %max3A_1425 = arith.maximumf %add3A_1422, %max3A_1424 : vector<400x128xf32>
    %dot_general3A_1426 = arith.constant dense<0.000000e+00> : vector<400x128xf32>
    %dot_general3A_1427 = tpu.matmul %max3A_1425, %get3A_15, %dot_general3A_1426 {dimension_numbers = #tpu.dot_dimension_numbers<[1], [0], [0], [1], [0, 0, 1, 1], [], []>, transpose_lhs_hint = false} : vector<400x128xf32>, vector<128x128xf32>, vector<400x128xf32> -> vector<400x128xf32>
    %add3A_1428 = vector.broadcast %get3A_21 : vector<1x128xf32> to vector<400x128xf32>
    %add3A_1429 = arith.addf %dot_general3A_1427, %add3A_1428 : vector<400x128xf32>
    %reduce_sum3A_1430 = arith.constant dense<0.000000e+00> : vector<400xf32>
    %reduce_sum3A_1431 = vector.multi_reduction <add>, %add3A_1429, %reduce_sum3A_1430 [1] : vector<400x128xf32> to vector<400xf32>
    %broadcast_in_dim3A_1432 = vector.shape_cast %reduce_sum3A_1431 : vector<400xf32> to vector<400x1xf32>
    %div3A_1433 = arith.constant 1.280000e+02 : f32
    %div3A_1434 = vector.broadcast %div3A_1433 : f32 to vector<400x1xf32>
    %div3A_1435 = arith.divf %broadcast_in_dim3A_1432, %div3A_1434 : vector<400x1xf32>
    %sub3A_1436 = vector.broadcast %div3A_1435 : vector<400x1xf32> to vector<400x128xf32>
    %sub3A_1437 = arith.subf %add3A_1429, %sub3A_1436 : vector<400x128xf32>
    %mul3A_1438 = arith.mulf %sub3A_1437, %sub3A_1437 : vector<400x128xf32>
    %reduce_sum3A_1439 = arith.constant dense<0.000000e+00> : vector<400xf32>
    %reduce_sum3A_1440 = vector.multi_reduction <add>, %mul3A_1438, %reduce_sum3A_1439 [1] : vector<400x128xf32> to vector<400xf32>
    %broadcast_in_dim3A_1441 = vector.shape_cast %reduce_sum3A_1440 : vector<400xf32> to vector<400x1xf32>
    %div3A_1442 = arith.constant 1.280000e+02 : f32
    %div3A_1443 = vector.broadcast %div3A_1442 : f32 to vector<400x1xf32>
    %div3A_1444 = arith.divf %broadcast_in_dim3A_1441, %div3A_1443 : vector<400x1xf32>
    %add3A_1445 = arith.constant 9.99999974E-6 : f32
    %add3A_1446 = vector.broadcast %add3A_1445 : f32 to vector<400x1xf32>
    %add3A_1447 = arith.addf %div3A_1444, %add3A_1446 : vector<400x1xf32>
    %rsqrt3A_1448 = math.rsqrt %add3A_1447 : vector<400x1xf32>
    %mul3A_1449 = vector.broadcast %rsqrt3A_1448 : vector<400x1xf32> to vector<400x128xf32>
    %mul3A_1450 = vector.broadcast %get3A_24 : vector<1x128xf32> to vector<400x128xf32>
    %mul3A_1451 = arith.mulf %mul3A_1449, %mul3A_1450 : vector<400x128xf32>
    %mul3A_1452 = arith.mulf %sub3A_1437, %mul3A_1451 : vector<400x128xf32>
    %add3A_1453 = vector.broadcast %get3A_27 : vector<1x128xf32> to vector<400x128xf32>
    %add3A_1454 = arith.addf %mul3A_1452, %add3A_1453 : vector<400x128xf32>
    %swap3A_1455 = arith.constant 29 : index
    %swap3A_1456 = arith.constant 0 : index
    %swap3A_1457 = arith.constant 0 : index
    %swap3A_1458 = vector.load %arg10[%swap3A_1455, %swap3A_1456, %swap3A_1457] : memref<32x400x128xf32, #tpu.memory_space<vmem>>, vector<1x400x128xf32>
    %swap3A_1459 = vector.shape_cast %swap3A_1458 : vector<1x400x128xf32> to vector<400x128xf32>
    %swap3A_1460 = vector.shape_cast %add3A_1454 : vector<400x128xf32> to vector<1x400x128xf32>
    tpu.vector_store %arg10[%swap3A_1455, %swap3A_1456, %swap3A_1457], %swap3A_1460 {strides = array<i32>} : memref<32x400x128xf32, #tpu.memory_space<vmem>>, vector<1x400x128xf32>,
    %slice3A_1461 = vector.extract_strided_slice %dot_general3A_9 {offsets = [0, 3840], sizes = [400, 128], strides = [1, 1]} : vector<400x4096xf32> to vector<400x128xf32>
    %add3A_1462 = vector.broadcast %get3A_30 : vector<1x128xf32> to vector<400x128xf32>
    %add3A_1463 = arith.addf %slice3A_1461, %add3A_1462 : vector<400x128xf32>
    %max3A_1464 = arith.constant 0.000000e+00 : f32
    %max3A_1465 = vector.broadcast %max3A_1464 : f32 to vector<400x128xf32>
    %max3A_1466 = arith.maximumf %add3A_1463, %max3A_1465 : vector<400x128xf32>
    %dot_general3A_1467 = arith.constant dense<0.000000e+00> : vector<400x128xf32>
    %dot_general3A_1468 = tpu.matmul %max3A_1466, %get3A_12, %dot_general3A_1467 {dimension_numbers = #tpu.dot_dimension_numbers<[1], [0], [0], [1], [0, 0, 1, 1], [], []>, transpose_lhs_hint = false} : vector<400x128xf32>, vector<128x128xf32>, vector<400x128xf32> -> vector<400x128xf32>
    %add3A_1469 = vector.broadcast %get3A_18 : vector<1x128xf32> to vector<400x128xf32>
    %add3A_1470 = arith.addf %dot_general3A_1468, %add3A_1469 : vector<400x128xf32>
    %max3A_1471 = arith.constant 0.000000e+00 : f32
    %max3A_1472 = vector.broadcast %max3A_1471 : f32 to vector<400x128xf32>
    %max3A_1473 = arith.maximumf %add3A_1470, %max3A_1472 : vector<400x128xf32>
    %dot_general3A_1474 = arith.constant dense<0.000000e+00> : vector<400x128xf32>
    %dot_general3A_1475 = tpu.matmul %max3A_1473, %get3A_15, %dot_general3A_1474 {dimension_numbers = #tpu.dot_dimension_numbers<[1], [0], [0], [1], [0, 0, 1, 1], [], []>, transpose_lhs_hint = false} : vector<400x128xf32>, vector<128x128xf32>, vector<400x128xf32> -> vector<400x128xf32>
    %add3A_1476 = vector.broadcast %get3A_21 : vector<1x128xf32> to vector<400x128xf32>
    %add3A_1477 = arith.addf %dot_general3A_1475, %add3A_1476 : vector<400x128xf32>
    %reduce_sum3A_1478 = arith.constant dense<0.000000e+00> : vector<400xf32>
    %reduce_sum3A_1479 = vector.multi_reduction <add>, %add3A_1477, %reduce_sum3A_1478 [1] : vector<400x128xf32> to vector<400xf32>
    %broadcast_in_dim3A_1480 = vector.shape_cast %reduce_sum3A_1479 : vector<400xf32> to vector<400x1xf32>
    %div3A_1481 = arith.constant 1.280000e+02 : f32
    %div3A_1482 = vector.broadcast %div3A_1481 : f32 to vector<400x1xf32>
    %div3A_1483 = arith.divf %broadcast_in_dim3A_1480, %div3A_1482 : vector<400x1xf32>
    %sub3A_1484 = vector.broadcast %div3A_1483 : vector<400x1xf32> to vector<400x128xf32>
    %sub3A_1485 = arith.subf %add3A_1477, %sub3A_1484 : vector<400x128xf32>
    %mul3A_1486 = arith.mulf %sub3A_1485, %sub3A_1485 : vector<400x128xf32>
    %reduce_sum3A_1487 = arith.constant dense<0.000000e+00> : vector<400xf32>
    %reduce_sum3A_1488 = vector.multi_reduction <add>, %mul3A_1486, %reduce_sum3A_1487 [1] : vector<400x128xf32> to vector<400xf32>
    %broadcast_in_dim3A_1489 = vector.shape_cast %reduce_sum3A_1488 : vector<400xf32> to vector<400x1xf32>
    %div3A_1490 = arith.constant 1.280000e+02 : f32
    %div3A_1491 = vector.broadcast %div3A_1490 : f32 to vector<400x1xf32>
    %div3A_1492 = arith.divf %broadcast_in_dim3A_1489, %div3A_1491 : vector<400x1xf32>
    %add3A_1493 = arith.constant 9.99999974E-6 : f32
    %add3A_1494 = vector.broadcast %add3A_1493 : f32 to vector<400x1xf32>
    %add3A_1495 = arith.addf %div3A_1492, %add3A_1494 : vector<400x1xf32>
    %rsqrt3A_1496 = math.rsqrt %add3A_1495 : vector<400x1xf32>
    %mul3A_1497 = vector.broadcast %rsqrt3A_1496 : vector<400x1xf32> to vector<400x128xf32>
    %mul3A_1498 = vector.broadcast %get3A_24 : vector<1x128xf32> to vector<400x128xf32>
    %mul3A_1499 = arith.mulf %mul3A_1497, %mul3A_1498 : vector<400x128xf32>
    %mul3A_1500 = arith.mulf %sub3A_1485, %mul3A_1499 : vector<400x128xf32>
    %add3A_1501 = vector.broadcast %get3A_27 : vector<1x128xf32> to vector<400x128xf32>
    %add3A_1502 = arith.addf %mul3A_1500, %add3A_1501 : vector<400x128xf32>
    %swap3A_1503 = arith.constant 30 : index
    %swap3A_1504 = arith.constant 0 : index
    %swap3A_1505 = arith.constant 0 : index
    %swap3A_1506 = vector.load %arg10[%swap3A_1503, %swap3A_1504, %swap3A_1505] : memref<32x400x128xf32, #tpu.memory_space<vmem>>, vector<1x400x128xf32>
    %swap3A_1507 = vector.shape_cast %swap3A_1506 : vector<1x400x128xf32> to vector<400x128xf32>
    %swap3A_1508 = vector.shape_cast %add3A_1502 : vector<400x128xf32> to vector<1x400x128xf32>
    tpu.vector_store %arg10[%swap3A_1503, %swap3A_1504, %swap3A_1505], %swap3A_1508 {strides = array<i32>} : memref<32x400x128xf32, #tpu.memory_space<vmem>>, vector<1x400x128xf32>,
    %slice3A_1509 = vector.extract_strided_slice %dot_general3A_9 {offsets = [0, 3968], sizes = [400, 128], strides = [1, 1]} : vector<400x4096xf32> to vector<400x128xf32>
    %add3A_1510 = vector.broadcast %get3A_30 : vector<1x128xf32> to vector<400x128xf32>
    %add3A_1511 = arith.addf %slice3A_1509, %add3A_1510 : vector<400x128xf32>
    %max3A_1512 = arith.constant 0.000000e+00 : f32
    %max3A_1513 = vector.broadcast %max3A_1512 : f32 to vector<400x128xf32>
    %max3A_1514 = arith.maximumf %add3A_1511, %max3A_1513 : vector<400x128xf32>
    %dot_general3A_1515 = arith.constant dense<0.000000e+00> : vector<400x128xf32>
    %dot_general3A_1516 = tpu.matmul %max3A_1514, %get3A_12, %dot_general3A_1515 {dimension_numbers = #tpu.dot_dimension_numbers<[1], [0], [0], [1], [0, 0, 1, 1], [], []>, transpose_lhs_hint = false} : vector<400x128xf32>, vector<128x128xf32>, vector<400x128xf32> -> vector<400x128xf32>
    %add3A_1517 = vector.broadcast %get3A_18 : vector<1x128xf32> to vector<400x128xf32>
    %add3A_1518 = arith.addf %dot_general3A_1516, %add3A_1517 : vector<400x128xf32>
    %max3A_1519 = arith.constant 0.000000e+00 : f32
    %max3A_1520 = vector.broadcast %max3A_1519 : f32 to vector<400x128xf32>
    %max3A_1521 = arith.maximumf %add3A_1518, %max3A_1520 : vector<400x128xf32>
    %dot_general3A_1522 = arith.constant dense<0.000000e+00> : vector<400x128xf32>
    %dot_general3A_1523 = tpu.matmul %max3A_1521, %get3A_15, %dot_general3A_1522 {dimension_numbers = #tpu.dot_dimension_numbers<[1], [0], [0], [1], [0, 0, 1, 1], [], []>, transpose_lhs_hint = false} : vector<400x128xf32>, vector<128x128xf32>, vector<400x128xf32> -> vector<400x128xf32>
    %add3A_1524 = vector.broadcast %get3A_21 : vector<1x128xf32> to vector<400x128xf32>
    %add3A_1525 = arith.addf %dot_general3A_1523, %add3A_1524 : vector<400x128xf32>
    %reduce_sum3A_1526 = arith.constant dense<0.000000e+00> : vector<400xf32>
    %reduce_sum3A_1527 = vector.multi_reduction <add>, %add3A_1525, %reduce_sum3A_1526 [1] : vector<400x128xf32> to vector<400xf32>
    %broadcast_in_dim3A_1528 = vector.shape_cast %reduce_sum3A_1527 : vector<400xf32> to vector<400x1xf32>
    %div3A_1529 = arith.constant 1.280000e+02 : f32
    %div3A_1530 = vector.broadcast %div3A_1529 : f32 to vector<400x1xf32>
    %div3A_1531 = arith.divf %broadcast_in_dim3A_1528, %div3A_1530 : vector<400x1xf32>
    %sub3A_1532 = vector.broadcast %div3A_1531 : vector<400x1xf32> to vector<400x128xf32>
    %sub3A_1533 = arith.subf %add3A_1525, %sub3A_1532 : vector<400x128xf32>
    %mul3A_1534 = arith.mulf %sub3A_1533, %sub3A_1533 : vector<400x128xf32>
    %reduce_sum3A_1535 = arith.constant dense<0.000000e+00> : vector<400xf32>
    %reduce_sum3A_1536 = vector.multi_reduction <add>, %mul3A_1534, %reduce_sum3A_1535 [1] : vector<400x128xf32> to vector<400xf32>
    %broadcast_in_dim3A_1537 = vector.shape_cast %reduce_sum3A_1536 : vector<400xf32> to vector<400x1xf32>
    %div3A_1538 = arith.constant 1.280000e+02 : f32
    %div3A_1539 = vector.broadcast %div3A_1538 : f32 to vector<400x1xf32>
    %div3A_1540 = arith.divf %broadcast_in_dim3A_1537, %div3A_1539 : vector<400x1xf32>
    %add3A_1541 = arith.constant 9.99999974E-6 : f32
    %add3A_1542 = vector.broadcast %add3A_1541 : f32 to vector<400x1xf32>
    %add3A_1543 = arith.addf %div3A_1540, %add3A_1542 : vector<400x1xf32>
    %rsqrt3A_1544 = math.rsqrt %add3A_1543 : vector<400x1xf32>
    %mul3A_1545 = vector.broadcast %rsqrt3A_1544 : vector<400x1xf32> to vector<400x128xf32>
    %mul3A_1546 = vector.broadcast %get3A_24 : vector<1x128xf32> to vector<400x128xf32>
    %mul3A_1547 = arith.mulf %mul3A_1545, %mul3A_1546 : vector<400x128xf32>
    %mul3A_1548 = arith.mulf %sub3A_1533, %mul3A_1547 : vector<400x128xf32>
    %add3A_1549 = vector.broadcast %get3A_27 : vector<1x128xf32> to vector<400x128xf32>
    %add3A_1550 = arith.addf %mul3A_1548, %add3A_1549 : vector<400x128xf32>
    %swap3A_1551 = arith.constant 31 : index
    %swap3A_1552 = arith.constant 0 : index
    %swap3A_1553 = arith.constant 0 : index
    %swap3A_1554 = vector.load %arg10[%swap3A_1551, %swap3A_1552, %swap3A_1553] : memref<32x400x128xf32, #tpu.memory_space<vmem>>, vector<1x400x128xf32>
    %swap3A_1555 = vector.shape_cast %swap3A_1554 : vector<1x400x128xf32> to vector<400x128xf32>
    %swap3A_1556 = vector.shape_cast %add3A_1550 : vector<400x128xf32> to vector<1x400x128xf32>
    tpu.vector_store %arg10[%swap3A_1551, %swap3A_1552, %swap3A_1553], %swap3A_1556 {strides = array<i32>} : memref<32x400x128xf32, #tpu.memory_space<vmem>>, vector<1x400x128xf32>,
    return
  }
  func.func @transform_0(%arg0: i32) -> (i32, i32) {
    %c0_i32 = arith.constant 0 : i32
    %c0_i32_0 = arith.constant 0 : i32
    return %arg0, %c0_i32 : i32, i32
  }
  func.func @transform_1(%arg0: i32) -> (i32, i32) {
    %c0_i32 = arith.constant 0 : i32
    %c0_i32_0 = arith.constant 0 : i32
    %c0_i32_1 = arith.constant 0 : i32
    return %c0_i32, %c0_i32_0 : i32, i32
  }
  func.func @transform_2(%arg0: i32) -> (i32, i32) {
    %c0_i32 = arith.constant 0 : i32
    %c0_i32_0 = arith.constant 0 : i32
    %c0_i32_1 = arith.constant 0 : i32
    return %c0_i32, %c0_i32_0 : i32, i32
  }
  func.func @transform_3(%arg0: i32) -> (i32, i32) {
    %c0_i32 = arith.constant 0 : i32
    %c0_i32_0 = arith.constant 0 : i32
    %c0_i32_1 = arith.constant 0 : i32
    return %c0_i32, %c0_i32_0 : i32, i32
  }
  func.func @transform_4(%arg0: i32) -> (i32, i32) {
    %c0_i32 = arith.constant 0 : i32
    %c0_i32_0 = arith.constant 0 : i32
    %c0_i32_1 = arith.constant 0 : i32
    return %c0_i32, %c0_i32_0 : i32, i32
  }
  func.func @transform_5(%arg0: i32) -> (i32, i32) {
    %c0_i32 = arith.constant 0 : i32
    %c0_i32_0 = arith.constant 0 : i32
    %c0_i32_1 = arith.constant 0 : i32
    return %c0_i32, %c0_i32_0 : i32, i32
  }
  func.func @transform_6(%arg0: i32) -> (i32, i32) {
    %c0_i32 = arith.constant 0 : i32
    %c0_i32_0 = arith.constant 0 : i32
    %c0_i32_1 = arith.constant 0 : i32
    return %c0_i32, %c0_i32_0 : i32, i32
  }
  func.func @transform_7(%arg0: i32) -> (i32, i32) {
    %c0_i32 = arith.constant 0 : i32
    %c0_i32_0 = arith.constant 0 : i32
    %c0_i32_1 = arith.constant 0 : i32
    return %c0_i32, %c0_i32_0 : i32, i32
  }
  func.func @transform_8(%arg0: i32) -> (i32, i32) {
    %c0_i32 = arith.constant 0 : i32
    %c0_i32_0 = arith.constant 0 : i32
    %c0_i32_1 = arith.constant 0 : i32
    return %c0_i32, %c0_i32_0 : i32, i32
  }
  func.func @transform_9(%arg0: i32) -> (i32, i32, i32) {
    %c0_i32 = arith.constant 0 : i32
    %c0_i32_0 = arith.constant 0 : i32
    %c0_i32_1 = arith.constant 0 : i32
    return %arg0, %c0_i32, %c0_i32_0 : i32, i32, i32
  }
}

</mosaic_0001>

<sc_bundles>
// kernel: kernel.5.cloned.1.call-start
scs
__scs_entry_jumppad:
0x0: {  	(pc) =	sbr.rel $0x88, $3  }
0x1: {  	(tag) =	ssettag $0x0;
	lr =	simm.s32 $0x1  }
0x2: {  	[smem:$0x3F8B] =	sst lr;
	_ =	strace $0xD0000000  }
0x3: {  	_ = 	snop  }
0x4: {  	_ = 	snop  }
0x5: {  	_ = 	snop  }
0x6: {  	_ = 	snop  }
0x7: {  	_ = 	snop  }
__scs_overlays_trampoline_lowered:
0x8: {  	[smem:$0x3F9A] =	sst s0  }
0x9: {  	[smem:$0x3F9B] =	sst s1  }
0xa: {  	[smem:$0x3F9C] =	sst s2  }
0xb: {  	[smem:$0x3F9D] =	sst s3  }
0xc: {  	[smem:$0x3F9E] =	sst s4  }
0xd: {  	[smem:$0x3F9F] =	sst s5  }
0xe: {  	[smem:$0x3FA0] =	sst s6  }
0xf: {  	[smem:$0x3FA1] =	sst s7  }
0x10: {  	[smem:$0x3FA2] =	sst s8  }
0x11: {  	[smem:$0x3FA3] =	sst s9;
	s0 =	simm.s32 @!p0 $0x0  }
0x12: {  	s1 =	sld [smem:$0x3F89];
	s0 =	simm.s32 @p0 $0x1  }
0x13: {  	[smem:$0x3FA4] =	sst s0;
	s0 =	simm.s32 @!p1 $0x0  }
0x14: {  	s2 =	sld [smem:$0x3F88];
	s0 =	simm.s32 @p1 $0x1  }
0x15: {  	[smem:$0x3FA5] =	sst s0;
	s0 =	simm.s32 @!p2 $0x0  }
0x16: {  	s3 =	sld [smem:$0x3FDB];
	s0 =	simm.s32 @p2 $0x1  }
0x17: {  	s4 =	simm.s32 $0x1BF5;
	[smem:$0x3FA7] =	sst s0  }
0x18: {  	s0 =	sld [smem:$0x3F8A];
	_ =	swait.ge [sflag:s4], $0x0  }
0x19: {  	s7 =	sld [smem:$0x3F8B]  }
0x1a: {  	s8 =	sadd.s32 $0xFFFFE003, lr  }
0x1b: {  	s9 =	sadd.s32 $0xFFFFFEF7, lr;
	s5 =	simm.s32 $0xFFFFFFFF;
	p2 =	slt.u32 s8, $0xFFFFF086  }
0x1c: {  	p1 =	slt.u32 s9, $0xF7A;
	s5 =	simm.s32 @!p2 $0x0  }
0x1d: {  	s5 =	simm.s32 @p1 $0x1;
	p0 =	seq.s32 s7, s2  }
0x1e: {  	s7 =	smul.u32 @!p0 $0xF7A, s2;
	p2 =	seq.s32 @!p0 s5, $0x0  }
0x1f: {  	s9 =	smul.u32 $0xF7A, s1;
	s8 =	simm.s32 @!p0 $0x1BF5;
	p2 =	por !p2, p0  }
0x20: {  	[sflag:s8] =	ssyncset.s32 @!p0 $0xFFFFF086;
	s6 =	sadd.s32 @!p0 s3, s7;
	s7 =	simm.s32 @!p0 $0x108  }
0x21: {  	s3 =	sadd.s32 s3, s9;
	s6 =	sadd.s32 @!p0 $0x88, s6;
	s7 =	simm.s32 @p2 $0x1082  }
0x22: {  	[simem:s7], [sflag:s8] =	dma.local @!p0 [hbm:s6], $0xF7A  }
0x23: {  	s9 =	sor.u32 $0xD0000000, s2;
	s6 =	simm.s32 $0x108;
	_ =	swait.ge @!p0 [sflag:s8], $0x0  }
0x24: {  	s3 =	sadd.s32 $0x88, s3;
	s6 =	simm.s32 @!p1 $0x1082;
	[sflag:s4] =	ssyncset.s32 $0xFFFFF086  }
0x25: {  	[simem:s6], [sflag:s4] =	dma.local [hbm:s3], $0xF7A  }
0x26: {  	[smem:$0x3F8B] =	sst s1;
	(tag) =	ssettag s2;
	_ =	strace s9  }
0x27: {  	s1 =	sld [smem:$0x3F9B]  }
0x28: {  	s2 =	sld [smem:$0x3F9C]  }
0x29: {  	s4 =	sld [smem:$0x3F9E]  }
0x2a: {  	p0 =	seq.s32 s5, $0x0;
	s5 =	sld [smem:$0x3F9F]  }
0x2b: {  	s6 =	sld [smem:$0x3FA0]  }
0x2c: {  	s7 =	sld [smem:$0x3FA1]  }
0x2d: {  	s3 =	simm.s32 $0x108;
	s8 =	sld [smem:$0x3FA2]  }
0x2e: {  	s3 =	simm.s32 @!p0 $0x1082;
	s9 =	sld [smem:$0x3FA3]  }
0x2f: {  	lr =	sadd.s32 s0, s3;
	s0 =	sld [smem:$0x3F9A]  }
0x30: {  	s3 =	sld [smem:$0x3F9D]  }
0x31: {  	[smem:$0x3FA6] =	sst s10  }
0x32: {  	s10 =	sld [smem:$0x3FA4];
	_ =	sdelay $0x3  }
0x33: {  	p0 =	seq.s32 s10, $0x1;
	s10 =	sld [smem:$0x3FA6];
	_ =	sdelay $0x3  }
0x34: {  	[smem:$0x3FA6] =	sst s10  }
0x35: {  	s10 =	sld [smem:$0x3FA5];
	_ =	sdelay $0x3  }
0x36: {  	p1 =	seq.s32 s10, $0x1;
	s10 =	sld [smem:$0x3FA6];
	_ =	sdelay $0x3  }
0x37: {  	[smem:$0x3FA6] =	sst s10  }
0x38: {  	s10 =	sld [smem:$0x3FA7]  }
0x39: {  	_ = 	snop;
	(pc) =	sbr.ind lr, $3  }
0x3a: {  	_ = 	snop  }
0x3b: {  	_ = 	snop  }
0x3c: {  	p2 =	seq.s32 s10, $0x1;
	s10 =	sld [smem:$0x3FA6]  }
0x3d: {  	_ =	shalt  }
0x3e: {  	_ =	shalt  }
0x3f: {  	_ =	shalt  }
0x40: {  	_ =	shalt  }
0x41: {  	_ =	shalt  }
0x42: {  	_ =	shalt  }
0x43: {  	_ =	shalt  }
0x44: {  	_ =	shalt  }
0x45: {  	_ =	shalt  }
0x46: {  	_ =	shalt  }
0x47: {  	_ =	shalt  }
0x48: {  	_ =	shalt  }
0x49: {  	_ =	shalt  }
0x4a: {  	_ =	shalt  }
0x4b: {  	_ =	shalt  }
0x4c: {  	_ =	shalt  }
0x4d: {  	_ =	shalt  }
0x4e: {  	_ =	shalt  }
0x4f: {  	_ =	shalt  }
0x50: {  	_ =	shalt  }
0x51: {  	_ =	shalt  }
0x52: {  	_ =	shalt  }
0x53: {  	_ =	shalt  }
0x54: {  	_ =	shalt  }
0x55: {  	_ =	shalt  }
0x56: {  	_ =	shalt  }
0x57: {  	_ =	shalt  }
0x58: {  	_ =	shalt  }
0x59: {  	_ =	shalt  }
0x5a: {  	_ =	shalt  }
0x5b: {  	_ =	shalt  }
0x5c: {  	_ =	shalt  }
0x5d: {  	_ =	shalt  }
0x5e: {  	_ =	shalt  }
0x5f: {  	_ =	shalt  }
0x60: {  	_ =	shalt  }
0x61: {  	_ =	shalt  }
0x62: {  	_ =	shalt  }
0x63: {  	_ =	shalt  }
0x64: {  	_ =	shalt  }
0x65: {  	_ =	shalt  }
0x66: {  	_ =	shalt  }
0x67: {  	_ =	shalt  }
0x68: {  	_ =	shalt  }
0x69: {  	_ =	shalt  }
0x6a: {  	_ =	shalt  }
0x6b: {  	_ =	shalt  }
0x6c: {  	_ =	shalt  }
0x6d: {  	_ =	shalt  }
0x6e: {  	_ =	shalt  }
0x6f: {  	_ =	shalt  }
0x70: {  	_ =	shalt  }
0x71: {  	_ =	shalt  }
0x72: {  	_ =	shalt  }
0x73: {  	_ =	shalt  }
0x74: {  	_ =	shalt  }
0x75: {  	_ =	shalt  }
0x76: {  	_ =	shalt  }
0x77: {  	_ =	shalt  }
0x78: {  	_ =	shalt  }
0x79: {  	_ =	shalt  }
0x7a: {  	_ =	shalt  }
0x7b: {  	_ =	shalt  }
0x7c: {  	_ =	shalt  }
0x7d: {  	_ =	shalt  }
0x7e: {  	_ =	shalt  }
0x7f: {  	_ =	shalt  }
0x80: {  	_ =	shalt  }
0x81: {  	_ =	shalt  }
0x82: {  	_ =	shalt  }
0x83: {  	_ =	shalt  }
0x84: {  	_ =	shalt  }
0x85: {  	_ =	shalt  }
0x86: {  	_ =	shalt  }
0x87: {  	_ =	shalt  }
.Lfunc_end0:
.L_simem_size_0:
called_computation_lowered:
.L_overlay_start_0:
0x88: {  	s2 =	sld [smem:$0x3FD9]  }
0x89: {  	s3 =	sld [smem:$0x3FFE];
	_ =	sdelay $0x1  }
0x8a: {  	s1 =	srdreg.scid  }
0x8b: {  	s0 =	sand.u32 $0x1, s1  }
0x8c: {  	s14 =	sshll.u32 s0, $0xA;
	s2 =	sadd.s32 s3, s2  }
0x8d: {  	s2 =	sadd.s32 s2, s14  }
0x8e: {  	[smem:$0x3FB2] =	sst s2  }
0x8f: {  	_ = 	snop  }
0x90: {  	s2 =	sld [smem:$0x3FD0];
	_ =	sdelay $0x2  }
0x91: {  	s15 =	simm.s32 $0xA;
	s4 =	simm.s32 $0x10  }
0x92: {  	[smem:s4], [sflag:s15] =	dma.local [hbm:s2], $0x1  }
0x93: {  	_ =	swait.eq [sflag:s15], $0x1  }
0x94: {  	[sflag:s15] =	ssyncset.done $0x0  }
0x95: {  	s16 =	sld [smem:$0x11];
	[sflag:s15] =	ssyncadd.s32 $0xFFFFFFFF  }
0x96: {  	s17 =	sld [smem:$0x12];
	(tm) =	ssettm $0x1  }
0x97: {  	s18 =	sld [smem:$0x3FFB];
	_ =	sdelay $0x3  }
0x98: {  	_ =	strace s18  }
0x99: {  	s4 =	sld [smem:$0x3FFC];
	_ =	sdelay $0x3  }
0x9a: {  	_ =	strace s4  }
0x9b: {  	s4 =	sld [smem:$0x3FFD];
	_ =	sdelay $0x3  }
0x9c: {  	_ =	strace s4  }
0x9d: {  	_ =	strace $0x8FFFFFFF  }
0x9e: {  	s19 =	sld [smem:$0x3FDB];
	_ =	sdelay $0x1  }
0x9f: {  	s5 =	simm.s32 $_scs_section_size  }
0xa0: {  	s6 =	simm.s32 $_size__tile_overlayer_lowered;
	s7 =	simm.s32 $_tile_overlayer_lowered  }
0xa1: {  	s22 =	simm.s32 $0x1BFF;
	s21 =	sshll.u32 s7, $0x1;
	s4 =	sadd.s32 s5, s19  }
0xa2: {  	s8 =	simm.s32 $0x0;
	s20 =	sshll.u32 s6, $0x1;
	s6 =	sadd.s32 s21, s4  }
0xa3: {  	[timem:s8], [sflag:s22] =	dma.local [hbm:s6], s20  }
0xa4: {  	_ =	swait.ge [sflag:s22], s20  }
0xa5: {  	s5 =	ssub.s32 $0x0, s20;
	[sflag:s22] =	ssyncset.done $0x0  }
0xa6: {  	[sflag:s22] =	ssyncadd.s32 s5;
	_ =	sdelay $0x1  }
0xa7: {  	s23 =	simm.s32 $0x1B8B  }
0xa8: {  	_ =	swait.ge [sflag:s23], $0x1  }
0xa9: {  	[sflag:s23] =	ssyncset.done $0x0  }
0xaa: {  	s25 =	simm.s32 $0x1B8E;
	s24 =	sld [smem:$0x3FFE];
	[sflag:s23] =	ssyncadd.s32 $0xFFFFFFFF  }
0xab: {  	s26 =	simm.s32 $execute0_lowered;
	[smem:$0x3FD2] =	sst s25  }
0xac: {  	s6 =	sshll.u32 s26, $0x1;
	_ =	strace $0x80000046;
	[dreg:$0x1] =	wrdreg $0xFFFFFFFF  }
0xad: {  	s28 =	simm.s32 $_size_execute0_lowered;
	s4 =	sadd.s32 s4, s6;
	[dreg:$0x0] =	wrdreg $0x0  }
0xae: {  	s6 =	sshll.u32 s28, $0x1;
	[dreg:$0x2] =	wrdreg s4  }
0xaf: {  	[dreg:$0x3] =	wrdreg s6  }
0xb0: {  	[dreg:$0x4] =	wrdreg $0xC0  }
0xb1: {  	_ =	task [dreg:s8], $0x5FFFF  }
0xb2: {  	[dreg:$0x1] =	wrdreg $0xFFFFFFFF  }
0xb3: {  	[dreg:$0x0] =	wrdreg $0x60  }
0xb4: {  	[dreg:$0x2] =	wrdreg s24  }
0xb5: {  	[dreg:$0x3] =	wrdreg s17  }
0xb6: {  	[dreg:$0x4] =	wrdreg s16  }
0xb7: {  	[dreg:$0x5] =	wrdreg $0x9  }
0xb8: {  	_ =	task.clear_ibuf [dreg:s8], $0x6FFFF;
	_ =	strace $0x90000046  }
0xb9: {  	s29 =	simm.s32 $0x9;
	_ =	strace $0x80000048  }
0xba: {  	_ =	swait.ge [sflag:s29], $0x1  }
0xbb: {  	[sflag:s29] =	ssyncadd.s32 $0xFFFFFFFF  }
0xbc: {  	_ =	strace $0x90000048  }
0xbd: {  	_ =	sfence  }
0xbe: {  	s30 =	sld [smem:$0x0];
	_ =	sdelay $0x2  }
0xbf: {  	s31 =	sshll.u32 s1, $0xD;
	s1 =	sshrl.u32 s1, $0x2  }
0xc0: {  	s3 =	sand.u32 $0x4000, s31;
	s1 =	sadd.s32 s1, s30  }
0xc1: {  	s0 =	sor.u32 s3, s0;
	s1 =	sshll.u32 s1, $0x11  }
0xc2: {  	s0 =	sor.u32 s1, s0  }
0xc3: {  	s0 =	sadd.s32 $0x8F2B, s0  }
0xc4: {  	[sflag:s0] =	ssyncadd.remote.s32 $0x1  }
0xc5: {  	_ =	sfence.sel $0xFFFF  }
0xc6: {  	[dreg:$0x0] =	wrdreg $0xFFFFFFFF;
	(pc) =	sbr.abs _section_cstart, $3  }
0xc7: {  	[dreg:$0x1] =	wrdreg $0xFFFFFFFF  }
0xc8: {  	_ =	task.clear_ibuf [dreg:s8], $0x2FFFF;
	_ =	strace $0x9FFFFFFF  }
0xc9: {  	(tm) =	ssettm $0x7FFFFFFF  }
tec
execute0_lowered:
.L_overlay_start_1:
0x0: {  	(tag) =	ssettag $0x1  }
0x1: {  	s1 =	srdreg.scid;
	s7 =	rddreg [dreg:$0x0]  }
0x2: {  	s0 =	stileid.u32;
	s8 =	rddreg [dreg:$0x1]  }
0x3: {  	s10 =	rddreg [dreg:$0x2];
	s6 =	sand.u32 $0x1, s1;
	s26 =	sshll.u32 s0, $0x1  }
0x4: {  	s2 =	simm.s32 $0x0;
	s12 =	smul.u32 $0x4E20, s0;
	s1 =	sor.u32 s6, s26  }
0x5: {  	s19 =	simm.s32 $0x0;
	[smem:$0x7FF] =	sst s2;
	s9 =	smul.u32 $0x2710, s1  }
0x6: {  	s28 =	sadd.s32 $0x2800, s7;
	s5 =	sadd.s32 $0x1C00, s7;
	s14 =	smul.u32 $0x2710, s6  }
0x7: {  	_ =	strace $0x80000047;
	s6 =	ssub.s32 $0x2, s6;
	s11 =	sshrl.u32 s9, $0x5  }
0x8: {  	s29 =	sshrl.u32 s6, $0x1;
	s12 =	sadd.s32 s14, s12;
	s4 =	smul.u32 $0x147B, s11  }
0x9: {  	[dreg:$0x4] =	wrdreg s28;
	s14 =	ssub.s32 s6, s29;
	s12 =	sshrl.u32 s12, $0x5  }
0xa: {  	s9 =	sshrl.u32 s9, $0x1;
	s16 =	smul.u32 $0x147B, s12;
	s13 =	sshrl.u32 s4, $0x15  }
0xb: {  	s9 =	sand.u32 $0x3FFF0, s9;
	s15 =	smin.u32 s13, $0x17;
	s13 =	smul.u32 $0xFFFFFE70, s13  }
0xc: {  	v1 =	vlaneseq.u32;
	v2 =	vimm.s32 $0x0;
	vm0 =	vcmask $0x300;
	s9 =	sadd.s32 s10, s9;
	s10 =	smax.u32 s14, $0x1;
	s15 =	smul.u32 $0x640, s15  }
0xd: {  	v40 =	vmul.u32 $0x4, v1;
	v8 =	vsel vm0, $0x7, v2;
	s4 =	sadd.s32 $0x2200, s7;
	s30 =	sshrl.u32 s16, $0x15;
	s11 =	sadd.s32 s11, s13  }
0xe: {  	[tilespmem:$0x1FFE0] =	vst v8;
	s31 =	smul.u32 $0x190, s30;
	s7 =	sadd.s32 s15, s7;
	p0 =	sgt.s32 s11, $0x57  }
0xf: {  	v4 =	vor.u32 $0x40, v40;
	[tilespmem:$0x1FFB0] =	vst v40;
	s6 =	sadd.s32 $0x2E00, s7;
	s7 =	sadd.s32 s8, s15;
	s8 =	simm.s32 $0x1  }
0x10: {  	v5 =	vor.u32 $0x41, v40;
	[tilespmem:$0x1FF70] =	vst v4;
	s17 =	smul.u32 $0x3070, s30;
	s13 =	simm.s32 $0xFFFFFE70;
	s8 =	simm.s32 @!p0 $0x0  }
0x11: {  	v6 =	vor.u32 $0x42, v40;
	[tilespmem:$0x1FF80] =	vst v5;
	s16 =	smin.u32 s30, $0x17;
	s13 =	simm.s32 @!p0 $0x0;
	s8 =	smul.u32 $0x3200, s8  }
0x12: {  	v7 =	vor.u32 $0x43, v40;
	[tilespmem:$0x1FF90] =	vst v6;
	s14 =	simm.s32 $0x2780;
	s18 =	smul.u32 $0x3200, s16;
	s13 =	sadd.s32 s12, s13  }
0x13: {  	v3 =	vor.u32 $0x3, v40;
	[tilespmem:$0x1FFA0] =	vst v7;
	s11 =	ssub.s32 s30, s16;
	s16 =	simm.s32 $0x7680;
	s13 =	sadd.s32 s8, s13  }
0x14: {  	v9 =	vor.u32 $0x1, v40;
	[tilespmem:$0x1FFC0] =	vst v3;
	s15 =	simm.s32 $0x4F00;
	s12 =	ssub.s32 s12, s31;
	s13 =	sadd.s32 s17, s13  }
0x15: {  	v1 =	vmul.u32 $0x190, v1;
	v0 =	vor.u32 $0x2, v40;
	[tilespmem:$0x1FFD0] =	vst v9;
	s12 =	sadd.s32 $0x1903, s12;
	s8 =	simm.s32 $0x1;
	s13 =	ssub.s32 s13, s18  }
0x16: {  	[tilespmem:$0x1FFF0] =	vst v0;
	s17 =	simm.s32 $0xDA80;
	s18 =	simm.s32 $0x13E80;
	s13 =	sadd.s32 $0x138, s13  }
.LBB2_1:
0x17: {  	s0 =	rddreg [dreg:$0x4];
	s20 =	sadd.s32 $0xFFFFE6FD, s12;
	s21 =	sadd.s32 $0xFFFFE6FF, s12  }
0x18: {  	s22 =	simm.s32 $0x1;
	s23 =	sadd.s32 $0xFFFFE700, s12;
	s24 =	simm.s32 $0xFFFFFE70  }
0x19: {  	s25 =	simm.s32 $0x1;
	s26 =	simm.s32 $0xFFFFFE70;
	s28 =	simm.s32 $0x1  }
0x1a: {  	[tilespmem:s2], [sflag:$0x1] =	stream.linear.gather [hbm4b:s0+s2], $0x2780, $0x38;
	[tilespmem:$0x1DB00] =	vst v63  }
0x1b: {  	s3 =	sadd.s32 $0xFFFFE6FE, s12;
	p2 =	sgt.s32 s20, $0x18F;
	_ =	swait.ge [sflag:s8], $0x2780  }
0x1c: {  	p0 =	sgt.s32 s21, $0x18F;
	p1 =	sgt.s32 s23, $0x18F;
	[sflag:s8] =	ssyncset.done $0x0  }
0x1d: {  	s22 =	simm.s32 @!p2 $0x0;
	s25 =	simm.s32 @!p1 $0x0;
	[sflag:s8] =	ssyncadd.s32 $0xFFFFD880  }
0x1e: {  	[tilespmem:s14], [sflag:$0x1] =	stream.linear.gather [hbm4b:s4+s2], $0x2780, $0x38;
	[tilespmem:$0x1DB00] =	vst v63  }
0x1f: {  	s26 =	simm.s32 @!p2 $0x0;
	s28 =	simm.s32 @!p0 $0x0;
	_ =	swait.ge [sflag:s8], $0x2780  }
0x20: {  	s24 =	simm.s32 @!p0 $0x0;
	s22 =	sadd.s32 s22, s11;
	[sflag:s8] =	ssyncset.done $0x0  }
0x21: {  	s25 =	sadd.s32 s25, s11;
	s22 =	smul.u32 $0x3200, s22;
	[sflag:s8] =	ssyncadd.s32 $0xFFFFD880  }
0x22: {  	[tilespmem:s15], [sflag:$0x1] =	stream.linear.gather [hbm4b:s5+s2], $0x2780, $0x38;
	[tilespmem:$0x1DB00] =	vst v63  }
0x23: {  	s28 =	sadd.s32 s28, s11;
	s25 =	smul.u32 $0x3200, s25;
	_ =	swait.ge [sflag:s8], $0x2780  }
0x24: {  	p0 =	sgt.s32 s3, $0x18F;
	s0 =	smul.u32 $0x3200, s28;
	[sflag:s8] =	ssyncset.done $0x0  }
0x25: {  	s22 =	sadd.s32 s22, s26;
	s26 =	simm.s32 $0xFFFFFE70;
	[sflag:s8] =	ssyncadd.s32 $0xFFFFD880  }
0x26: {  	[tilespmem:s16], [sflag:$0x1] =	stream.linear.gather [hbm4b:s6+s2], $0x6400, $0x38;
	[tilespmem:$0x1DB00] =	vst v63  }
0x27: {  	s20 =	sadd.s32 s22, s20;
	s22 =	sadd.s32 s22, s12;
	_ =	swait.ge [sflag:s8], $0x6400  }
0x28: {  	s26 =	simm.s32 @!p1 $0x0;
	s31 =	sadd.s32 $0xFFFFFFFD, s22;
	[sflag:s8] =	ssyncset.done $0x0  }
0x29: {  	v2 =	vadd.s32 s20, v1;
	s25 =	sadd.s32 s25, s26;
	s22 =	sadd.s32 s0, s24;
	[sflag:s8] =	ssyncadd.s32 $0xFFFF9C00  }
0x2a: {  	[tilespmem:s17], [sflag:$0x1] =	stream.linear.gather [hbm4b:s7+s2], $0x6400, $0x38;
	[tilespmem:$0x1DB00] =	vst v63  }
0x2b: {  	s20 =	simm.s32 $0x1;
	v14 =	vadd.s32 s31, v1;
	s1 =	sadd.s32 s25, s12;
	_ =	swait.ge [sflag:s8], $0x6400  }
0x2c: {  	s21 =	sadd.s32 s22, s21;
	s20 =	simm.s32 @!p0 $0x0;
	v10 =	vadd.s32 s1, v1;
	[sflag:s8] =	ssyncset.done $0x0  }
0x2d: {  	s23 =	sadd.s32 s25, s23;
	s20 =	sadd.s32 s20, s11;
	[sflag:s8] =	ssyncadd.s32 $0xFFFF9C00  }
0x2e: {  	s25 =	sadd.s32 s22, s12;
	s22 =	simm.s32 $0xFFFFFE70;
	v12 =	vadd.s32 s21, v1;
	s20 =	smul.u32 $0x3200, s20;
	v27 =	vld.idx.msk [tilespmem:v2+s16+$0x0], $0xffff  }
0x2f: {  	v15 =	vadd.s32 s23, v1;
	s22 =	simm.s32 @!p0 $0x0;
	v2 =	vld.idx.msk [tilespmem:v2+s17+$0x0], $0xffff  }
0x30: {  	s21 =	sadd.s32 $0xFFFFFFFF, s25;
	s20 =	sadd.s32 s20, s22;
	v17 =	vld.idx.msk [tilespmem:v14+s16+$0x0], $0xffff  }
0x31: {  	v21 =	vadd.s32 s21, v1;
	s28 =	sadd.s32 s20, s12;
	v22 =	vld.idx.msk [tilespmem:v10+s17+$0x0], $0xffff  }
0x32: {  	s21 =	sadd.s32 $0xFFFFFFFE, s28;
	v13 =	vld.idx.msk [tilespmem:v10+s16+$0x0], $0xffff  }
0x33: {  	s20 =	sadd.s32 s20, s3;
	v23 =	vadd.s32 s21, v1;
	v11 =	vld.idx.msk [tilespmem:v12+s17+$0x0], $0xffff  }
0x34: {  	v24 =	vadd.s32 s20, v1;
	v10 =	vld.idx.msk [tilespmem:v15+s16+$0x0], $0xffff  }
0x35: {  	v16 =	vld.idx.msk [tilespmem:v12+s16+$0x0], $0xffff  }
0x36: {  	v20 =	vld.idx.msk [tilespmem:v21+s17+$0x0], $0xffff  }
0x37: {  	v19 =	vld.idx.msk [tilespmem:v14+s17+$0x0], $0xffff  }
0x38: {  	v18 =	vld.idx.msk [tilespmem:v23+s17+$0x0], $0xffff  }
0x39: {  	v55 =	vld.idx.msk [tilespmem:v24+s17+$0x0], $0xffff  }
0x3a: {  	v48 =	vld.idx.msk [tilespmem:v21+s16+$0x0], $0xffff  }
0x3b: {  	v14 =	vld.idx.msk [tilespmem:v27+s2+$0x0], $0xffff  }
0x3c: {  	v21 =	vld.idx.msk [tilespmem:v2+s2+$0x0], $0xffff  }
0x3d: {  	v29 =	vld.idx.msk [tilespmem:v24+s16+$0x0], $0xffff  }
0x3e: {  	v12 =	vld.idx.msk [tilespmem:v15+s17+$0x0], $0xffff;
	v15 =	vmov s2  }
0x3f: {  	v15 =	vshrl.u32 v15, $0x7;
	v26 =	vld.idx.msk [tilespmem:v17+s2+$0x0], $0xffff  }
0x40: {  	v15 =	vshll.u32 v15, v8;
	v25 =	vld.idx.msk [tilespmem:v10+s2+$0x0], $0xffff  }
0x41: {  	v49 =	vbroadcast v15, $0x0;
	v28 =	vld.idx.msk [tilespmem:v16+s2+$0x0], $0xffff;
	v32 =	vsub.f32 v14, v21  }
0x42: {  	v30 =	vld.idx.msk [tilespmem:v18+s2+$0x0], $0xffff  }
0x43: {  	s29 =	simm.s32 $0x80;
	v15 =	vor.u32 v40, v49;
	v31 =	vld.idx.msk [tilespmem:v55+s2+$0x0], $0xffff;
	[tilespmem:$0x1FF60] =	vst v32  }
0x44: {  	v14 =	vmov s29;
	v24 =	vld.idx.msk [tilespmem:v23+s16+$0x0], $0xffff  }
0x45: {  	v14 =	vshrl.u32 v14, $0x7;
	v21 =	vld.idx.msk [tilespmem:v29+s2+$0x0], $0xffff  }
0x46: {  	s30 =	simm.s32 $0x100;
	v14 =	vshll.u32 v14, v8;
	v23 =	vld.idx.msk [tilespmem:v48+s2+$0x0], $0xffff  }
0x47: {  	s31 =	simm.s32 $0x180;
	v36 =	vbroadcast v14, $0x0;
	v14 =	vmov s30;
	v34 =	vld.idx.msk [tilespmem:v22+s2+$0x0], $0xffff  }
0x48: {  	[tilespmem:v15+s18+$0x0] =	vst.idx.msk $0xffff, v32;
	v35 =	vld.idx.msk [tilespmem:v20+s2+$0x0], $0xffff;
	v15 =	vmov s31;
	v14 =	vshrl.u32 v14, $0x7  }
0x49: {  	v38 =	vld.idx.msk [tilespmem:v11+s2+$0x0], $0xffff;
	v15 =	vshrl.u32 v15, $0x7;
	v14 =	vshll.u32 v14, v8  }
0x4a: {  	v39 =	vld.idx.msk [tilespmem:v12+s2+$0x0], $0xffff;
	v33 =	vor.u32 v40, v36;
	v15 =	vshll.u32 v15, v8;
	v14 =	vbroadcast v14, $0x0  }
0x4b: {  	v32 =	vld.idx.msk [tilespmem:v2+s14+$0x0], $0xffff;
	v15 =	vbroadcast v15, $0x0  }
0x4c: {  	v37 =	vsub.f32 v21, v31;
	v21 =	vor.u32 v4, v14;
	v31 =	vld.idx.msk [tilespmem:v13+s2+$0x0], $0xffff  }
0x4d: {  	v41 =	vld.idx.msk [tilespmem:v27+s14+$0x0], $0xffff;
	v44 =	vor.u32 v40, v14;
	v46 =	vor.u32 v40, v15  }
0x4e: {  	v42 =	vsub.f32 v23, v35;
	v23 =	vor.u32 v4, v15;
	v40 =	vsub.f32 v28, v38;
	v28 =	vld.idx.msk [tilespmem:v19+s2+$0x0], $0xffff  }
0x4f: {  	[tilespmem:v33+s18+$0x0] =	vst.idx.msk $0xffff, v37;
	v45 =	vld.idx.msk [tilespmem:v24+s2+$0x0], $0xffff  }
0x50: {  	v47 =	vld.idx.msk [tilespmem:v29+s14+$0x0], $0xffff  }
0x51: {  	v50 =	vor.u32 v9, v49;
	v52 =	vld.idx.msk [tilespmem:v55+s14+$0x0], $0xffff;
	[tilespmem:v21+s18+$0x0] =	vst.idx.msk $0xffff, v42;
	v51 =	vsub.f32 v31, v34  }
0x52: {  	v43 =	vsub.f32 v25, v39;
	v38 =	vld.idx.msk [tilespmem:v48+s14+$0x0], $0xffff  }
0x53: {  	v21 =	vsub.f32 v41, v32;
	v31 =	vor.u32 v4, v36;
	v32 =	vld.idx.msk [tilespmem:v20+s14+$0x0], $0xffff;
	[tilespmem:v23+s18+$0x0] =	vst.idx.msk $0xffff, v51  }
0x54: {  	[tilespmem:v46+s18+$0x0] =	vst.idx.msk $0xffff, v43;
	v35 =	vsub.f32 v45, v30;
	v30 =	vor.u32 v9, v36;
	v46 =	vld.idx.msk [tilespmem:v22+s14+$0x0], $0xffff  }
0x55: {  	v34 =	vor.u32 v4, v49;
	v4 =	vld.idx.msk [tilespmem:v13+s14+$0x0], $0xffff  }
0x56: {  	v59 =	vor.u32 v5, v14;
	[tilespmem:v50+s18+$0x0] =	vst.idx.msk $0xffff, v21  }
0x57: {  	v60 =	vor.u32 v5, v15;
	[tilespmem:v44+s18+$0x0] =	vst.idx.msk $0xffff, v40;
	v54 =	vld.idx.msk [tilespmem:v2+s15+$0x0], $0xffff;
	v2 =	vsub.f32 v47, v52  }
0x58: {  	v58 =	vor.u32 v5, v49;
	v41 =	vld.idx.msk [tilespmem:v16+s14+$0x0], $0xffff;
	v47 =	vsub.f32 v26, v28;
	[tilespmem:v31+s18+$0x0] =	vst.idx.msk $0xffff, v35  }
0x59: {  	v56 =	vld.idx.msk [tilespmem:v27+s15+$0x0], $0xffff;
	v39 =	vmul.f32 v2, v2;
	[tilespmem:v30+s18+$0x0] =	vst.idx.msk $0xffff, v2;
	v2 =	vsub.f32 v38, v32  }
0x5a: {  	v25 =	vor.u32 v6, v49;
	v45 =	vld.idx.msk [tilespmem:v10+s14+$0x0], $0xffff;
	[tilespmem:v34+s18+$0x0] =	vst.idx.msk $0xffff, v47;
	v53 =	vsub.f32 v4, v46  }
0x5b: {  	v33 =	vor.u32 v9, v14;
	v44 =	vmul.f32 v21, v21;
	v57 =	vld.idx.msk [tilespmem:v24+s14+$0x0], $0xffff;
	[tilespmem:v59+s18+$0x0] =	vst.idx.msk $0xffff, v2  }
0x5c: {  	v21 =	vor.u32 v7, v49;
	v27 =	vor.u32 v0, v15;
	v61 =	vld.idx.msk [tilespmem:v19+s14+$0x0], $0xffff;
	[tilespmem:v60+s18+$0x0] =	vst.idx.msk $0xffff, v53  }
0x5d: {  	v31 =	vor.u32 v0, v14;
	v46 =	vor.u32 v0, v36;
	v59 =	vor.u32 v0, v49;
	v0 =	vld [tilespmem:$0x1FF60]  }
0x5e: {  	v23 =	vor.u32 v7, v36;
	v50 =	vor.u32 v3, v49;
	v51 =	vmul.f32 v51, v51;
	v63 =	vld.idx.msk [tilespmem:v17+s14+$0x0], $0xffff  }
0x5f: {  	v26 =	vor.u32 v7, v15;
	v28 =	vor.u32 v7, v14;
	v52 =	vor.u32 v5, v36;
	v62 =	vld.idx.msk [tilespmem:v18+s14+$0x0], $0xffff  }
0x60: {  	v34 =	vor.u32 v6, v14;
	v30 =	vor.u32 v6, v36;
	v32 =	vor.u32 v6, v15;
	v55 =	vld.idx.msk [tilespmem:v55+s15+$0x0], $0xffff  }
0x61: {  	s23 =	sadd.s32 $0x4, s12;
	v38 =	vor.u32 v9, v15;
	v36 =	vor.u32 v3, v36;
	v60 =	vld.idx.msk [tilespmem:v11+s14+$0x0], $0xffff;
	v49 =	vmul.f32 v2, v2  }
0x62: {  	s22 =	simm.s32 $0x200;
	s20 =	simm.s32 $0x9C00;
	s21 =	simm.s32 $0x0;
	v8 =	vmovc v6;
	v53 =	vmul.f32 v53, v53;
	v48 =	vld.idx.msk [tilespmem:v48+s15+$0x0], $0xffff;
	v2 =	vmul.f32 v0, v0;
	v0 =	vmov v7  }
.LBB2_2:
0x63: {  	v22 =	vld.idx.msk [tilespmem:v22+s15+$0x0], $0xffff  }
0x64: {  	v29 =	vld.idx.msk [tilespmem:v29+s15+$0x0], $0xffff  }
0x65: {  	s29 =	sadd.s32 $0xFFFFE6FD, s23;
	v4 =	vld.idx.msk [tilespmem:v12+s14+$0x0], $0xffff  }
0x66: {  	s25 =	sadd.s32 $0xFFFFE700, s23;
	s28 =	simm.s32 $0x1;
	v13 =	vld.idx.msk [tilespmem:v13+s15+$0x0], $0xffff;
	p0 =	sgt.s32 s29, $0x18F;
	v61 =	vsub.f32 v63, v61  }
0x67: {  	s0 =	simm.s32 $0x1;
	v3 =	vld [tilespmem:$0x1FFB0];
	p1 =	sgt.s32 s25, $0x18F;
	s28 =	simm.s32 @!p0 $0x0  }
0x68: {  	v7 =	vld [tilespmem:$0x1FFD0];
	s0 =	simm.s32 @!p1 $0x0;
	s28 =	sadd.s32 s28, s11;
	v57 =	vsub.f32 v57, v62;
	[tilespmem:v58+s18+$0x0] =	vst.idx.msk $0xffff, v61  }
0x69: {  	s0 =	sadd.s32 s0, s11;
	v54 =	vsub.f32 v56, v54;
	s1 =	smul.u32 $0x3200, s28;
	v56 =	vmul.f32 v61, v61;
	v61 =	vld.idx.msk [tilespmem:v17+s15+$0x0], $0xffff  }
0x6a: {  	s31 =	simm.s32 $0xFFFFFE70;
	s3 =	simm.s32 $0xFFFFFE70;
	s0 =	smul.u32 $0x3200, s0;
	v29 =	vsub.f32 v29, v55;
	v55 =	vsub.f32 v45, v4;
	[tilespmem:v52+s18+$0x0] =	vst.idx.msk $0xffff, v57;
	v19 =	vld.idx.msk [tilespmem:v19+s15+$0x0], $0xffff  }
0x6b: {  	v37 =	vmul.f32 v37, v37;
	s31 =	simm.s32 @!p1 $0x0;
	s3 =	simm.s32 @!p0 $0x0;
	[tilespmem:v59+s18+$0x0] =	vst.idx.msk $0xffff, v54;
	v24 =	vld.idx.msk [tilespmem:v24+s15+$0x0], $0xffff  }
0x6c: {  	v2 =	vadd.f32 v44, v2;
	v5 =	vmul.f32 v54, v54;
	s1 =	sadd.s32 s1, s3;
	s0 =	sadd.s32 s0, s31;
	v18 =	vld.idx.msk [tilespmem:v18+s15+$0x0], $0xffff;
	[tilespmem:v38+s18+$0x0] =	vst.idx.msk $0xffff, v55  }
0x6d: {  	v59 =	vmul.f32 v47, v47;
	v47 =	vmul.f32 v57, v57;
	v17 =	vsub.f32 v41, v60;
	s29 =	sadd.s32 s1, s29;
	s25 =	sadd.s32 s0, s25;
	s0 =	sadd.s32 s0, s23;
	v4 =	vld.idx.msk [tilespmem:v10+s15+$0x0], $0xffff  }
0x6e: {  	s24 =	sadd.s32 $0xFFFFE6FF, s23;
	v57 =	vmul.f32 v29, v29;
	v54 =	vadd.s32 s29, v1;
	v63 =	vadd.s32 s0, v1;
	v12 =	vld.idx.msk [tilespmem:v12+s15+$0x0], $0xffff  }
0x6f: {  	s30 =	simm.s32 $0x1;
	p2 =	sgt.s32 s24, $0x18F;
	v60 =	vmul.f32 v17, v17;
	[tilespmem:v33+s18+$0x0] =	vst.idx.msk $0xffff, v17;
	v17 =	vld.idx.msk [tilespmem:v20+s15+$0x0], $0xffff;
	v20 =	vadd.f32 v39, v37  }
0x70: {  	v40 =	vmul.f32 v40, v40;
	v43 =	vmul.f32 v43, v43;
	s30 =	simm.s32 @!p2 $0x0;
	v2 =	vadd.f32 v5, v2;
	v16 =	vld.idx.msk [tilespmem:v16+s15+$0x0], $0xffff  }
0x71: {  	s26 =	simm.s32 $0xFFFFFE70;
	s30 =	sadd.s32 s30, s11;
	[tilespmem:v46+s18+$0x0] =	vst.idx.msk $0xffff, v29;
	v45 =	vmul.f32 v55, v55;
	v11 =	vld.idx.msk [tilespmem:v11+s15+$0x0], $0xffff;
	v10 =	vadd.f32 v57, v20  }
0x72: {  	s26 =	simm.s32 @!p2 $0x0;
	s28 =	sadd.s32 $0xFFFFE6FE, s23;
	s29 =	smul.u32 $0x3200, s30;
	[tilespmem:v50+s18+$0x0] =	vst.idx.msk $0xffff, v2;
	v2 =	vadd.f32 v56, v59;
	v59 =	vadd.s32 s25, v1;
	v20 =	vadd.f32 v60, v40;
	v60 =	vld [tilespmem:$0x1FFC0]  }
0x73: {  	p0 =	sgt.s32 s28, $0x18F;
	s3 =	simm.s32 $0x1;
	s1 =	sadd.s32 s1, s23;
	v38 =	vld.idx.msk [tilespmem:v54+s16+$0x0], $0xffff;
	[tilespmem:v36+s18+$0x0] =	vst.idx.msk $0xffff, v10;
	v10 =	vsub.f32 v24, v18  }
0x74: {  	s3 =	simm.s32 @!p0 $0x0;
	s1 =	sadd.s32 $0xFFFFFFFD, s1;
	s26 =	sadd.s32 s29, s26;
	v18 =	vadd.f32 v45, v43;
	v45 =	vsub.f32 v13, v22;
	v22 =	vld.idx.msk [tilespmem:v63+s17+$0x0], $0xffff  }
0x75: {  	s3 =	sadd.s32 s3, s11;
	v58 =	vadd.s32 s1, v1;
	s24 =	sadd.s32 s26, s24;
	v13 =	vld.idx.msk [tilespmem:v63+s16+$0x0], $0xffff  }
0x76: {  	v62 =	vmul.f32 v35, v35;
	s30 =	simm.s32 $0xFFFFFE70;
	s3 =	smul.u32 $0x3200, s3;
	v5 =	vadd.s32 s24, v1;
	v52 =	vsub.f32 v4, v12;
	v4 =	vld [tilespmem:$0x1FFE0]  }
0x77: {  	s30 =	simm.s32 @!p0 $0x0;
	v17 =	vsub.f32 v48, v17;
	[tilespmem:v30+s18+$0x0] =	vst.idx.msk $0xffff, v10;
	v30 =	vmul.f32 v10, v10;
	v10 =	vld.idx.msk [tilespmem:v59+s16+$0x0], $0xffff  }
0x78: {  	v42 =	vmul.f32 v42, v42;
	s3 =	sadd.s32 s3, s30;
	v12 =	vld.idx.msk [tilespmem:v59+s17+$0x0], $0xffff  }
0x79: {  	v33 =	vadd.f32 v47, v62;
	s1 =	sadd.s32 s26, s23;
	s28 =	sadd.s32 s3, s28;
	v19 =	vsub.f32 v61, v19;
	[tilespmem:v34+s18+$0x0] =	vst.idx.msk $0xffff, v17;
	v34 =	vld.idx.msk [tilespmem:v54+s17+$0x0], $0xffff  }
0x7a: {  	s1 =	sadd.s32 $0xFFFFFFFF, s1;
	v24 =	vadd.s32 s28, v1;
	[tilespmem:v27+s18+$0x0] =	vst.idx.msk $0xffff, v52;
	v44 =	vmul.f32 v17, v17;
	v17 =	vld.idx.msk [tilespmem:v58+s16+$0x0], $0xffff  }
0x7b: {  	v47 =	vadd.s32 s1, v1;
	v16 =	vsub.f32 v16, v11;
	[tilespmem:v25+s18+$0x0] =	vst.idx.msk $0xffff, v19;
	v25 =	vmul.f32 v52, v52;
	v52 =	vld [tilespmem:$0x1FF80]  }
0x7c: {  	v29 =	vadd.f32 v49, v42;
	v11 =	vld.idx.msk [tilespmem:v5+s17+$0x0], $0xffff  }
0x7d: {  	v56 =	vadd.f32 v53, v51;
	s3 =	sadd.s32 s3, s23;
	v53 =	vmul.f32 v19, v19;
	[tilespmem:v31+s18+$0x0] =	vst.idx.msk $0xffff, v16;
	v19 =	vld.idx.msk [tilespmem:v58+s17+$0x0], $0xffff  }
0x7e: {  	s3 =	sadd.s32 $0xFFFFFFFE, s3;
	v50 =	vmul.f32 v45, v45;
	v51 =	vmul.f32 v16, v16;
	v16 =	vld.idx.msk [tilespmem:v5+s16+$0x0], $0xffff  }
0x7f: {  	v15 =	vor.u32 v60, v15;
	v31 =	vadd.s32 s3, v1;
	v29 =	vadd.f32 v44, v29;
	v49 =	vld.idx.msk [tilespmem:v24+s17+$0x0], $0xffff  }
0x80: {  	[tilespmem:v32+s18+$0x0] =	vst.idx.msk $0xffff, v45;
	v39 =	vadd.f32 v50, v56;
	v32 =	vadd.f32 v51, v20;
	v20 =	vld.idx.msk [tilespmem:v47+s17+$0x0], $0xffff  }
0x81: {  	v2 =	vadd.f32 v53, v2;
	[tilespmem:v28+s18+$0x0] =	vst.idx.msk $0xffff, v29;
	v29 =	vld.idx.msk [tilespmem:v24+s16+$0x0], $0xffff  }
0x82: {  	v25 =	vadd.f32 v25, v18;
	[tilespmem:v26+s18+$0x0] =	vst.idx.msk $0xffff, v39;
	v26 =	vld.idx.msk [tilespmem:v38+s2+$0x0], $0xffff  }
0x83: {  	v14 =	vor.u32 v60, v14;
	v30 =	vadd.f32 v30, v33;
	[tilespmem:v21+s18+$0x0] =	vst.idx.msk $0xffff, v2;
	v48 =	vld.idx.msk [tilespmem:v47+s16+$0x0], $0xffff  }
0x84: {  	[tilespmem:v15+s18+$0x0] =	vst.idx.msk $0xffff, v25;
	v18 =	vld.idx.msk [tilespmem:v31+s17+$0x0], $0xffff  }
0x85: {  	v2 =	vmov s22;
	[tilespmem:v23+s18+$0x0] =	vst.idx.msk $0xffff, v30;
	v21 =	vld.idx.msk [tilespmem:v10+s2+$0x0], $0xffff  }
0x86: {  	v2 =	vshrl.u32 v2, $0x7;
	v24 =	vld.idx.msk [tilespmem:v31+s16+$0x0], $0xffff  }
0x87: {  	v2 =	vshll.u32 v2, v4;
	v31 =	vld.idx.msk [tilespmem:v22+s2+$0x0], $0xffff  }
0x88: {  	[tilespmem:v14+s18+$0x0] =	vst.idx.msk $0xffff, v32;
	v36 =	vbroadcast v2, $0x0;
	v14 =	vld.idx.msk [tilespmem:v34+s2+$0x0], $0xffff  }
0x89: {  	v57 =	vld.idx.msk [tilespmem:v12+s2+$0x0], $0xffff  }
0x8a: {  	v15 =	vor.u32 v3, v36;
	v2 =	vld.idx.msk [tilespmem:v17+s2+$0x0], $0xffff  }
0x8b: {  	v56 =	vld.idx.msk [tilespmem:v11+s2+$0x0], $0xffff  }
0x8c: {  	s29 =	sadd.s32 $0x80, s22;
	v23 =	vld.idx.msk [tilespmem:v16+s2+$0x0], $0xffff  }
0x8d: {  	v27 =	vld.idx.msk [tilespmem:v49+s2+$0x0], $0xffff;
	v53 =	vsub.f32 v26, v14;
	v14 =	vmov s29  }
0x8e: {  	v55 =	vld.idx.msk [tilespmem:v20+s2+$0x0], $0xffff;
	v14 =	vshrl.u32 v14, $0x7  }
0x8f: {  	v26 =	vld.idx.msk [tilespmem:v29+s2+$0x0], $0xffff;
	[tilespmem:v15+s18+$0x0] =	vst.idx.msk $0xffff, v53;
	v14 =	vshll.u32 v14, v4  }
0x90: {  	v30 =	vld.idx.msk [tilespmem:v34+s14+$0x0], $0xffff;
	v51 =	vbroadcast v14, $0x0  }
0x91: {  	s31 =	sadd.s32 $0x180, s22;
	s30 =	sadd.s32 $0x100, s22;
	v58 =	vld.idx.msk [tilespmem:v38+s14+$0x0], $0xffff  }
0x92: {  	v28 =	vld.idx.msk [tilespmem:v48+s2+$0x0], $0xffff;
	v15 =	vmov s31;
	v14 =	vmov s30;
	v54 =	vor.u32 v3, v51  }
0x93: {  	v62 =	vor.u32 v7, v36;
	v25 =	vld.idx.msk [tilespmem:v18+s2+$0x0], $0xffff;
	v15 =	vshrl.u32 v15, $0x7;
	v14 =	vshrl.u32 v14, $0x7  }
0x94: {  	v15 =	vshll.u32 v15, v4;
	v14 =	vshll.u32 v14, v4;
	v4 =	vld [tilespmem:$0x1FF70]  }
0x95: {  	v43 =	vsub.f32 v21, v57;
	v32 =	vld.idx.msk [tilespmem:v24+s2+$0x0], $0xffff;
	v37 =	vsub.f32 v26, v27;
	v15 =	vbroadcast v15, $0x0  }
0x96: {  	v40 =	vsub.f32 v23, v56;
	v23 =	vld.idx.msk [tilespmem:v19+s2+$0x0], $0xffff;
	v14 =	vbroadcast v14, $0x0;
	v21 =	vsub.f32 v58, v30  }
0x97: {  	v27 =	vld.idx.msk [tilespmem:v13+s2+$0x0], $0xffff;
	v46 =	vor.u32 v3, v15;
	[tilespmem:v54+s18+$0x0] =	vst.idx.msk $0xffff, v37  }
0x98: {  	v59 =	vor.u32 v3, v14;
	v44 =	vmul.f32 v21, v21;
	[tilespmem:v62+s18+$0x0] =	vst.idx.msk $0xffff, v21;
	v21 =	vld [tilespmem:$0x1FFF0]  }
0x99: {  	v26 =	vor.u32 v4, v14;
	v61 =	vld.idx.msk [tilespmem:v29+s14+$0x0], $0xffff  }
0x9a: {  	v9 =	vor.u32 v0, v36;
	v63 =	vld.idx.msk [tilespmem:v49+s14+$0x0], $0xffff  }
0x9b: {  	v42 =	vsub.f32 v28, v55;
	v35 =	vsub.f32 v32, v25;
	v28 =	vor.u32 v4, v15;
	v54 =	vld.idx.msk [tilespmem:v34+s15+$0x0], $0xffff  }
0x9c: {  	v25 =	vor.u32 v8, v36;
	v47 =	vsub.f32 v2, v23;
	v56 =	vld.idx.msk [tilespmem:v38+s15+$0x0], $0xffff;
	[tilespmem:v46+s18+$0x0] =	vst.idx.msk $0xffff, v43  }
0x9d: {  	v3 =	vsub.f32 v27, v31;
	v27 =	vor.u32 v4, v51;
	[tilespmem:v59+s18+$0x0] =	vst.idx.msk $0xffff, v40;
	v45 =	vld.idx.msk [tilespmem:v10+s14+$0x0], $0xffff  }
0x9e: {  	v23 =	vor.u32 v0, v51;
	v30 =	vor.u32 v4, v36;
	v41 =	vld.idx.msk [tilespmem:v16+s14+$0x0], $0xffff;
	[tilespmem:v26+s18+$0x0] =	vst.idx.msk $0xffff, v42  }
0x9f: {  	v5 =	vor.u32 v52, v15;
	v32 =	vor.u32 v8, v15;
	v33 =	vor.u32 v7, v14;
	v55 =	vld.idx.msk [tilespmem:v48+s14+$0x0], $0xffff  }
0xa0: {  	v6 =	vor.u32 v52, v14;
	v31 =	vor.u32 v7, v51;
	[tilespmem:v28+s18+$0x0] =	vst.idx.msk $0xffff, v3;
	v59 =	vld.idx.msk [tilespmem:v20+s14+$0x0], $0xffff  }
0xa1: {  	v58 =	vor.u32 v52, v36;
	v52 =	vor.u32 v52, v51;
	v34 =	vor.u32 v8, v14;
	v4 =	vld.idx.msk [tilespmem:v22+s14+$0x0], $0xffff  }
0xa2: {  	v38 =	vor.u32 v7, v15;
	v26 =	vor.u32 v0, v15;
	[tilespmem:v27+s18+$0x0] =	vst.idx.msk $0xffff, v35;
	v2 =	vld.idx.msk [tilespmem:v13+s14+$0x0], $0xffff  }
0xa3: {  	s21 =	sadd.s32 $0x8, s21;
	[tilespmem:v30+s18+$0x0] =	vst.idx.msk $0xffff, v47;
	v28 =	vor.u32 v0, v14;
	v50 =	vsub.f32 v61, v63;
	v57 =	vld.idx.msk [tilespmem:v24+s14+$0x0], $0xffff  }
0xa4: {  	p0 =	slt.u32 s21, $0x268;
	v27 =	vor.u32 v21, v15;
	v30 =	vor.u32 v8, v51;
	v46 =	vor.u32 v21, v51;
	v61 =	vld.idx.msk [tilespmem:v19+s14+$0x0], $0xffff  }
.Ltmp0:
0xa5: {  	v63 =	vld.idx.msk [tilespmem:v17+s14+$0x0], $0xffff;
	v39 =	vmul.f32 v50, v50;
	[tilespmem:v31+s18+$0x0] =	vst.idx.msk $0xffff, v50;
	v31 =	vor.u32 v21, v14;
	(pc) =	sbr.rel @p0 .LBB2_2-.Ltmp0, $4  }
0xa6: {  	v62 =	vld.idx.msk [tilespmem:v18+s14+$0x0], $0xffff;
	v50 =	vor.u32 v60, v36;
	v7 =	vsub.f32 v55, v59;
	v59 =	vor.u32 v21, v36  }
0xa7: {  	v21 =	vmov v9;
	v36 =	vor.u32 v60, v51;
	v60 =	vld.idx.msk [tilespmem:v11+s14+$0x0], $0xffff;
	v4 =	vsub.f32 v2, v4  }
0xa8: {  	v55 =	vld.idx.msk [tilespmem:v49+s15+$0x0], $0xffff;
	v51 =	vmul.f32 v3, v3;
	v2 =	vmul.f32 v53, v53;
	[tilespmem:v6+s18+$0x0] =	vst.idx.msk $0xffff, v7  }
0xa9: {  	s23 =	sadd.s32 $0x4, s23;
	s22 =	sadd.s32 $0x200, s22;
	v49 =	vmul.f32 v7, v7;
	v53 =	vmul.f32 v4, v4;
	[tilespmem:v5+s18+$0x0] =	vst.idx.msk $0xffff, v4;
	v48 =	vld.idx.msk [tilespmem:v48+s15+$0x0], $0xffff  }
0xaa: {  	_ = 	snop  }
0xab: {  	v0 =	vld [tilespmem:$0x1FFF0]  }
0xac: {  	v9 =	vld [tilespmem:$0x1FFD0]  }
0xad: {  	v8 =	vld [tilespmem:$0x1FFE0]  }
0xae: {  	v3 =	vsub.f32 v63, v61;
	v5 =	vld.idx.msk [tilespmem:v22+s15+$0x0], $0xffff  }
0xaf: {  	v7 =	vsub.f32 v56, v54;
	v56 =	vld.idx.msk [tilespmem:v29+s15+$0x0], $0xffff  }
0xb0: {  	v20 =	vld.idx.msk [tilespmem:v20+s15+$0x0], $0xffff;
	v61 =	vsub.f32 v57, v62;
	[tilespmem:v58+s18+$0x0] =	vst.idx.msk $0xffff, v3  }
0xb1: {  	v2 =	vadd.f32 v44, v2;
	v62 =	vld.idx.msk [tilespmem:v12+s14+$0x0], $0xffff;
	v63 =	vmul.f32 v7, v7;
	[tilespmem:v59+s18+$0x0] =	vst.idx.msk $0xffff, v7  }
0xb2: {  	v7 =	vsub.f32 v41, v60;
	v17 =	vld.idx.msk [tilespmem:v17+s15+$0x0], $0xffff;
	[tilespmem:v52+s18+$0x0] =	vst.idx.msk $0xffff, v61  }
0xb3: {  	v2 =	vadd.f32 v63, v2;
	v24 =	vld.idx.msk [tilespmem:v24+s15+$0x0], $0xffff  }
0xb4: {  	v4 =	vmul.f32 v37, v37;
	[tilespmem:v33+s18+$0x0] =	vst.idx.msk $0xffff, v7;
	v18 =	vld.idx.msk [tilespmem:v18+s15+$0x0], $0xffff  }
0xb5: {  	v54 =	vmul.f32 v7, v7;
	v7 =	vsub.f32 v56, v55;
	[tilespmem:v50+s18+$0x0] =	vst.idx.msk $0xffff, v2;
	v2 =	vld.idx.msk [tilespmem:v13+s15+$0x0], $0xffff  }
0xb6: {  	v4 =	vadd.f32 v39, v4;
	v13 =	vld.idx.msk [tilespmem:v16+s15+$0x0], $0xffff  }
0xb7: {  	v59 =	vsub.f32 v48, v20;
	v57 =	vmul.f32 v7, v7;
	[tilespmem:v46+s18+$0x0] =	vst.idx.msk $0xffff, v7;
	v7 =	vld.idx.msk [tilespmem:v11+s15+$0x0], $0xffff  }
0xb8: {  	v16 =	vsub.f32 v45, v62;
	v11 =	vld.idx.msk [tilespmem:v19+s15+$0x0], $0xffff  }
0xb9: {  	[tilespmem:v34+s18+$0x0] =	vst.idx.msk $0xffff, v59;
	v4 =	vadd.f32 v57, v4  }
0xba: {  	[tilespmem:v38+s18+$0x0] =	vst.idx.msk $0xffff, v16;
	v18 =	vsub.f32 v24, v18  }
0xbb: {  	v2 =	vsub.f32 v2, v5;
	[tilespmem:v36+s18+$0x0] =	vst.idx.msk $0xffff, v4  }
0xbc: {  	v6 =	vmul.f32 v42, v42;
	[tilespmem:v30+s18+$0x0] =	vst.idx.msk $0xffff, v18;
	v7 =	vsub.f32 v13, v7  }
0xbd: {  	v13 =	vmul.f32 v2, v2;
	[tilespmem:v32+s18+$0x0] =	vst.idx.msk $0xffff, v2;
	v2 =	vsub.f32 v17, v11  }
0xbe: {  	v29 =	vmul.f32 v40, v40;
	v58 =	vadd.f32 v53, v51;
	v10 =	vld.idx.msk [tilespmem:v10+s15+$0x0], $0xffff;
	[tilespmem:v31+s18+$0x0] =	vst.idx.msk $0xffff, v7  }
0xbf: {  	v37 =	vmul.f32 v43, v43;
	v3 =	vmul.f32 v3, v3;
	v12 =	vld.idx.msk [tilespmem:v12+s15+$0x0], $0xffff;
	[tilespmem:v25+s18+$0x0] =	vst.idx.msk $0xffff, v2  }
0xc0: {  	v52 =	vmul.f32 v47, v47;
	v40 =	vmul.f32 v61, v61;
	v11 =	vadd.f32 v13, v58;
	v13 =	vld [tilespmem:$0x1FFC0]  }
0xc1: {  	v6 =	vadd.f32 v49, v6;
	v56 =	vmul.f32 v35, v35;
	v61 =	vmul.f32 v59, v59  }
0xc2: {  	v3 =	vadd.f32 v3, v52;
	v60 =	vadd.f32 v54, v29;
	v16 =	vmul.f32 v16, v16  }
0xc3: {  	v22 =	vadd.f32 v40, v56;
	v5 =	vadd.f32 v61, v6;
	v6 =	vmul.f32 v18, v18  }
0xc4: {  	v62 =	vadd.f32 v16, v37;
	v10 =	vsub.f32 v10, v12;
	v12 =	vmul.f32 v2, v2  }
0xc5: {  	v2 =	vadd.f32 v6, v22;
	[tilespmem:v28+s18+$0x0] =	vst.idx.msk $0xffff, v5;
	v6 =	vor.u32 v13, v15  }
0xc6: {  	[tilespmem:v26+s18+$0x0] =	vst.idx.msk $0xffff, v11;
	v15 =	vmov v13;
	v11 =	vor.u32 v13, v14;
	v13 =	vmul.f32 v10, v10  }
0xc7: {  	v63 =	vmul.f32 v7, v7;
	[tilespmem:v27+s18+$0x0] =	vst.idx.msk $0xffff, v10;
	v3 =	vadd.f32 v12, v3  }
0xc8: {  	[tilespmem:v23+s18+$0x0] =	vst.idx.msk $0xffff, v2;
	v4 =	vadd.f32 v13, v62  }
0xc9: {  	v2 =	vadd.f32 v63, v60;
	[tilespmem:v21+s18+$0x0] =	vst.idx.msk $0xffff, v3  }
0xca: {  	[tilespmem:v6+s18+$0x0] =	vst.idx.msk $0xffff, v4  }
0xcb: {  	[tilespmem:v11+s18+$0x0] =	vst.idx.msk $0xffff, v2  }
0xcc: {  	s21 =	smov.u32 s13;
	v40 =	vld [tilespmem:$0x1FFB0]  }
.LBB2_4:
0xcd: {  	v2 =	vadd.s32 s21, v1;
	_ =	sdelay $0x4  }
0xce: {  	v3 =	vld.idx.msk [tilespmem:v2+s16+$0x0], $0xffff  }
0xcf: {  	v2 =	vld.idx.msk [tilespmem:v2+s17+$0x0], $0xffff;
	_ =	sdelay $0x6  }
0xd0: {  	v4 =	vld.idx.msk [tilespmem:v3+s2+$0x0], $0xffff  }
0xd1: {  	v5 =	vld.idx.msk [tilespmem:v2+s2+$0x0], $0xffff;
	_ =	sdelay $0x1  }
0xd2: {  	v6 =	vor.u32 s20, v40;
	_ =	sdelay $0x2  }
0xd3: {  	v4 =	vsub.f32 v4, v5;
	_ =	sdelay $0x1  }
0xd4: {  	[tilespmem:v6+s18+$0x0] =	vst.idx.msk $0xffff, v4  }
0xd5: {  	v62 =	vld.idx.msk [tilespmem:v3+s14+$0x0], $0xffff  }
0xd6: {  	v6 =	vld.idx.msk [tilespmem:v2+s14+$0x0], $0xffff  }
0xd7: {  	s0 =	sadd.s32 $0x1, s20  }
0xd8: {  	v7 =	vor.u32 s0, v40;
	_ =	sdelay $0x2  }
0xd9: {  	v5 =	vsub.f32 v62, v6;
	_ =	sdelay $0x1  }
0xda: {  	[tilespmem:v7+s18+$0x0] =	vst.idx.msk $0xffff, v5  }
0xdb: {  	v3 =	vld.idx.msk [tilespmem:v3+s15+$0x0], $0xffff  }
0xdc: {  	v2 =	vld.idx.msk [tilespmem:v2+s15+$0x0], $0xffff;
	_ =	sdelay $0x3  }
0xdd: {  	s30 =	sadd.s32 $0x2, s20;
	v4 =	vmul.f32 v4, v4  }
0xde: {  	s31 =	sadd.s32 $0x3, s20;
	v5 =	vmul.f32 v5, v5;
	v2 =	vsub.f32 v3, v2;
	v3 =	vor.u32 s30, v40  }
0xdf: {  	p0 =	sne.s32 s20, $0x9C40;
	v6 =	vor.u32 s31, v40  }
.Ltmp1:
0xe0: {  	v4 =	vadd.f32 v5, v4;
	v63 =	vmul.f32 v2, v2;
	(pc) =	sbr.rel @p0 .LBB2_4-.Ltmp1, $4  }
0xe1: {  	_ = 	snop  }
0xe2: {  	v4 =	vadd.f32 v63, v4  }
0xe3: {  	[tilespmem:v3+s18+$0x0] =	vst.idx.msk $0xffff, v2  }
0xe4: {  	s21 =	sadd.s32 $0x1900, s21;
	s20 =	sadd.s32 $0x40, s20;
	[tilespmem:v6+s18+$0x0] =	vst.idx.msk $0xffff, v4  }
0xe5: {  	[hbm4b:s9+s2] =	stream.linear.scatter [tilespmem:s18], [sflag:$0x1], $0x9C80, $0x38;
	[tilespmem:$0x1DB00] =	vst v63  }
0xe6: {  	s19 =	sadd.s32 $0x1, s19  }
0xe7: {  	p0 =	sne.s32 s19, s10  }
.Ltmp2:
0xe8: {  	_ =	swait.ge [sflag:s8], $0x9C80;
	(pc) =	sbr.rel @p0 .LBB2_1-.Ltmp2, $4  }
0xe9: {  	v4 =	vld [tilespmem:$0x1FF70]  }
0xea: {  	v5 =	vld [tilespmem:$0x1FF80]  }
0xeb: {  	[sflag:s8] =	ssyncset.done $0x0;
	v6 =	vld [tilespmem:$0x1FF90]  }
0xec: {  	v3 =	vmov v15;
	v7 =	vld [tilespmem:$0x1FFA0];
	[sflag:s8] =	ssyncadd.s32 $0xFFFF6380  }
0xed: {  	_ =	sfence.sel $0x180000  }
0xee: {  	[bflag:$0x0] =	sbarrier.arrive $0xFFFF  }
0xef: {  	_ =	strace $0x90000047  }
0xf0: {  	s0 =	stileid.u32;
	[bflag:$0x2] =	sbarrier.arrive $0xFFFF  }
0xf1: {  	p0 =	sne.s32 s0, $0x0;
	s0 =	rddreg [dreg:$0x3]  }
0xf2: {  	s0 =	sadd.s32 @!p0 $0x100000, s0  }
0xf3: {  	[sflag:s0] =	ssyncadd.tile.s32 @!p0 $0x1;
	_ =	shalt  }
.Lfunc_end2:
_tile_overlayer_lowered:
.L_overlay_start_2:
0xf4: {  	(tag) =	ssettag $0x2  }
0xf5: {  	s0 =	rddreg [dreg:$0x0];
	s2 =	stileid.u32  }
0xf6: {  	s1 =	rddreg [dreg:$0x1];
	p0 =	sne.s32 s2, $0x0  }
0xf7: {  	s3 =	rddreg [dreg:$0x2];
	[bflag:$0x3] =	sbarrier.arrive $0xFFFF;
	s2 =	simm.s32 @!p0 $0x1C01  }
0xf8: {  	[timem:s3], [sflag:s2] =	dma.local @!p0 [hbm:s0], s1  }
0xf9: {  	s0 =	simm.s32 @!p0 $0x1  }
0xfa: {  	_ =	swait.ge @!p0 [sflag:s0], s1  }
0xfb: {  	s1 =	ssub.s32 @!p0 $0x0, s1;
	[sflag:s0] =	ssyncset.done @!p0 $0x0  }
0xfc: {  	[sflag:s0] =	ssyncadd.s32 @!p0 s1  }
0xfd: {  	[bflag:$0x3] =	sbarrier.arrive $0xFFFF  }
0xfe: {  	_ =	shalt  }

</sc_bundles>
